<compile_context>
chip_gen: v7x
topology: tpu7x:2x2x1
jax: 0.10.2.dev20260603
libtpu: 0.0.44.dev20260713+nightly
codegen_flags: <defaults>
</compile_context>

<pallas_src>
import functools

import jax
import jax.numpy as jnp
from jax.experimental import pallas as pl
from jax.experimental.pallas import tpu as pltpu
from jax.experimental.pallas import tpu_sc as plsc

N = 10000
E = 320000
D = 128

NC = 2
NS = 16
L = 16

NPAD = 10112
ROWS_PER_SUB = NPAD // NS
K = 128
EPS = E // (NC * NS)
EPSP = 10240
GC = 8
NITER = EPSP // K
NG = NITER // GC


def _sc_aggregate(h, srcp, dstp, zeros2d, zeros1d, ones1d, with_deg):
  out_type = [jax.ShapeDtypeStruct((NC * NPAD, D), jnp.float32)]
  if with_deg:
    out_type.append(jax.ShapeDtypeStruct((NC * NPAD,), jnp.float32))

  scratch = [
      pltpu.VMEM((2 * GC * K,), jnp.int32),
      pltpu.VMEM((2, GC, K), jnp.int32),
      pltpu.VMEM((2, K, D), jnp.float32),
      pltpu.VMEM((K,), jnp.float32),
      pltpu.VMEM_SHARED((NPAD, D), jnp.float32),
      pltpu.VMEM_SHARED((NPAD,), jnp.float32),
      pltpu.SemaphoreType.DMA,
      pltpu.SemaphoreType.DMA,
      pltpu.SemaphoreType.DMA,
      pltpu.SemaphoreType.DMA,
      pltpu.SemaphoreType.DMA,
      pltpu.SemaphoreType.DMA,
  ]

  mesh = plsc.VectorSubcoreMesh(core_axis_name="c", subcore_axis_name="s")

  def body(h_hbm, src_hbm, dst_hbm, z2_hbm, z1_hbm, ones_hbm, *rest):
    if with_deg:
      (acc_out, deg_out, src_v, dst_v, rows_v, ones_v, acc_sh, deg_sh,
       sem_g0, sem_g1, sem_s0, sem_s1, sem_i, sem_d) = rest
    else:
      (acc_out, src_v, dst_v, rows_v, ones_v, acc_sh, deg_sh,
       sem_g0, sem_g1, sem_s0, sem_s1, sem_i, sem_d) = rest
      deg_out = None
    c = jax.lax.axis_index("c")
    s = jax.lax.axis_index("s")
    w = c * NS + s
    rbase = s * ROWS_PER_SUB
    gsems = (sem_g0, sem_g1)
    ssems = (sem_s0, sem_s1)

    pltpu.sync_copy(z2_hbm, acc_sh.at[pl.ds(rbase, ROWS_PER_SUB)])
    pltpu.sync_copy(src_hbm.at[w, pl.ds(0, GC * K)],
                    src_v.at[pl.ds(0, GC * K)])
    pltpu.sync_copy(dst_hbm.at[w, 0], dst_v.at[0])
    if with_deg:
      @pl.when(s == 0)
      def _():
        pltpu.sync_copy(z1_hbm, deg_sh)
      pltpu.sync_copy(ones_hbm, ones_v)
    plsc.subcore_barrier()

    def src_slice(half, i):
      off = pl.multiple_of(half * (GC * K) + i * K, 8)
      return src_v.at[pl.ds(off, K)]

    def issue_gather(half, i, b):
      pltpu.async_copy(h_hbm.at[src_slice(half, i)], rows_v.at[b], gsems[b])

    def wait_gather(half, i, b):
      pltpu.make_async_copy(h_hbm.at[src_slice(half, i)], rows_v.at[b],
                            gsems[b]).wait()

    def wait_deg():
      pltpu.make_async_copy(ones_v, deg_sh.at[dst_v.at[0, 0]], sem_d).wait()

    def issue_scatter(half, i, b):
      pltpu.async_copy(rows_v.at[b], acc_sh.at[dst_v.at[half, i]], ssems[b],
                       add=True)

    def wait_scatter(b):
      pltpu.make_async_copy(rows_v.at[b], acc_sh.at[dst_v.at[0, 0]],
                            ssems[b]).wait()

    issue_gather(0, 0, 0)

    def group(g, carry):
      half = jax.lax.rem(g, 2)
      nhalf = 1 - half

      @pl.when(g < NG - 1)
      def _():
        soff = pl.multiple_of((g + 1) * GC * K, 8)
        pltpu.async_copy(src_hbm.at[w, pl.ds(soff, GC * K)],
                         src_v.at[pl.ds(nhalf * (GC * K), GC * K)], sem_i)
        pltpu.async_copy(dst_hbm.at[w, g + 1], dst_v.at[nhalf], sem_i)

      for i in range(GC):
        b = i % 2
        nb = 1 - b
        if i == 0:
          @pl.when(g > 0)
          def _():
            wait_scatter(nb)
        else:
          wait_scatter(nb)
        if i < GC - 1:
          issue_gather(half, i + 1, nb)
        else:
          @pl.when(g < NG - 1)
          def _():
            pltpu.make_async_copy(
                src_hbm.at[w, pl.ds(pl.multiple_of((g + 1) * GC * K, 8),
                                    GC * K)],
                src_v.at[pl.ds(nhalf * (GC * K), GC * K)], sem_i).wait()
            pltpu.make_async_copy(dst_hbm.at[w, g + 1], dst_v.at[nhalf],
                                  sem_i).wait()
            issue_gather(nhalf, 0, nb)
        wait_gather(half, i, b)
        issue_scatter(half, i, b)
        if with_deg:
          if i == 0:
            @pl.when(g > 0)
            def _():
              wait_deg()
          else:
            wait_deg()
          pltpu.async_copy(ones_v, deg_sh.at[dst_v.at[half, i]], sem_d,
                           add=True)
      return carry

    jax.lax.fori_loop(0, NG, group, 0)
    wait_scatter(1)
    if with_deg:
      wait_deg()
    plsc.subcore_barrier()

    obase = c * NPAD + rbase
    pltpu.sync_copy(acc_sh.at[pl.ds(rbase, ROWS_PER_SUB)],
                    acc_out.at[pl.ds(obase, ROWS_PER_SUB)])
    if with_deg:
      @pl.when(s == 0)
      def _():
        pltpu.sync_copy(deg_sh, deg_out.at[pl.ds(c * NPAD, NPAD)])

  fn = pl.kernel(body, out_type=out_type, mesh=mesh, scratch_types=scratch,
                 name="sc_gather_scatter_add")
  res = fn(h, srcp, dstp, zeros2d, zeros1d, ones1d)
  if with_deg:
    return res[0], res[1]
  return res[0], None


def _tc_layer1(x, acc, degp, Ws, Wn, b):

  def body(x_ref, acc_ref, degp_ref, Ws_ref, Wn_ref, b_ref, h_ref):
    deg = degp_ref[0] + degp_ref[1]
    invdeg = 1.0 / jnp.maximum(deg, 1.0)
    agg = (acc_ref[0] + acc_ref[1]) * invdeg
    z = (jnp.dot(x_ref[...], Ws_ref[...], preferred_element_type=jnp.float32)
         + jnp.dot(agg, Wn_ref[...], preferred_element_type=jnp.float32)
         + b_ref[...])
    h_ref[...] = jnp.maximum(z, 0.0)

  RB = 2000
  return pl.pallas_call(
      body,
      grid=(N // RB,),
      in_specs=[
          pl.BlockSpec((RB, D), lambda i: (i, 0)),
          pl.BlockSpec((NC, RB, D), lambda i: (0, i, 0)),
          pl.BlockSpec((NC, RB, 1), lambda i: (0, i, 0)),
          pl.BlockSpec((D, D), lambda i: (0, 0)),
          pl.BlockSpec((D, D), lambda i: (0, 0)),
          pl.BlockSpec((1, D), lambda i: (0, 0)),
      ],
      out_specs=pl.BlockSpec((RB, D), lambda i: (i, 0)),
      out_shape=jax.ShapeDtypeStruct((N, D), jnp.float32),
  )(x, acc.reshape(NC, NPAD, D), degp.reshape(NC, NPAD, 1), Ws, Wn,
    b.reshape(1, -1))


def _tc_layer2_head(h1, acc, degp, Ws, Wn, b, Wc1, bc1, Wc2, bc2):

  def body(h1_ref, acc_ref, degp_ref, Ws_ref, Wn_ref, b_ref, Wc1_ref,
           bc1_ref, Wc2_ref, bc2_ref, out_ref):
    deg = degp_ref[0] + degp_ref[1]
    invdeg = 1.0 / jnp.maximum(deg, 1.0)
    agg = (acc_ref[0] + acc_ref[1]) * invdeg
    h1v = h1_ref[...]
    z = (jnp.dot(h1v, Ws_ref[...], preferred_element_type=jnp.float32)
         + jnp.dot(agg, Wn_ref[...], preferred_element_type=jnp.float32)
         + b_ref[...])
    h2 = jnp.maximum(z, 0.0)
    hc = (jnp.dot(h1v, Wc1_ref[:D, :], preferred_element_type=jnp.float32)
          + jnp.dot(h2, Wc1_ref[D:, :], preferred_element_type=jnp.float32)
          + bc1_ref[...])
    hc = jnp.maximum(hc, 0.0)
    out_ref[...] = (jnp.dot(hc, Wc2_ref[...],
                            preferred_element_type=jnp.float32)
                    + bc2_ref[...])

  C = bc2.shape[0]
  CH = Wc2.shape[0]
  RB = 2000
  return pl.pallas_call(
      body,
      grid=(N // RB,),
      in_specs=[
          pl.BlockSpec((RB, D), lambda i: (i, 0)),
          pl.BlockSpec((NC, RB, D), lambda i: (0, i, 0)),
          pl.BlockSpec((NC, RB, 1), lambda i: (0, i, 0)),
          pl.BlockSpec((D, D), lambda i: (0, 0)),
          pl.BlockSpec((D, D), lambda i: (0, 0)),
          pl.BlockSpec((1, D), lambda i: (0, 0)),
          pl.BlockSpec((2 * D, CH), lambda i: (0, 0)),
          pl.BlockSpec((1, CH), lambda i: (0, 0)),
          pl.BlockSpec((CH, C), lambda i: (0, 0)),
          pl.BlockSpec((1, C), lambda i: (0, 0)),
      ],
      out_specs=pl.BlockSpec((RB, C), lambda i: (i, 0)),
      out_shape=jax.ShapeDtypeStruct((N, C), jnp.float32),
  )(h1, acc.reshape(NC, NPAD, D), degp.reshape(NC, NPAD, 1), Ws, Wn,
    b.reshape(1, -1),
    Wc1, bc1.reshape(1, -1), Wc2, bc2.reshape(1, -1))


def kernel(x, edge_index, Ws1, Wn1, b1, Ws2, Wn2, b2, Wc1, bc1, Wc2, bc2):
  NW = NC * NS
  npad_e = NW * (EPSP - EPS)
  pad_src = jnp.arange(npad_e, dtype=jnp.int32) % N
  pad_dst = (N + jnp.arange(npad_e, dtype=jnp.int32) % (NPAD - N)
             ).astype(jnp.int32)
  src = jnp.concatenate([edge_index[0], pad_src]).reshape(NW, EPSP)
  dst = jnp.concatenate([edge_index[1], pad_dst]).reshape(NW, NG, GC, K)
  zeros2d = jnp.zeros((ROWS_PER_SUB, D), jnp.float32)
  zeros1d = jnp.zeros((NPAD,), jnp.float32)
  ones1d = jnp.ones((K,), jnp.float32)

  acc1, degp = _sc_aggregate(x, src, dst, zeros2d, zeros1d, ones1d,
                             with_deg=True)
  h1 = _tc_layer1(x, acc1, degp, Ws1, Wn1, b1)
  acc2, _ = _sc_aggregate(h1, src, dst, zeros2d, zeros1d, ones1d,
                          with_deg=False)
  return _tc_layer2_head(h1, acc2, degp, Ws2, Wn2, b2, Wc1, bc1, Wc2, bc2)

# --- scband reference (transcript-rebuilt; emitter-appended) ---
"""Pipeline reference for scband-residue-role-head-63917703299291 (READ-ONLY COPY).

The authoritative reference and input builder live on the scoring server;
editing this copy changes nothing except your own understanding.
"""

import jax, jax.numpy as jnp
import numpy as np

N = 10000
E = 320000
D = 128
H1 = 128
H2 = 128
FEAT = H1 + H2
CH = 256
C = 24


def _glorot(key, shape):
    fan_in = shape[0]
    return jax.random.normal(key, shape, dtype=jnp.float32) * (1.0 / np.sqrt(fan_in))


def setup_inputs(seed: int = 0) -> dict:
    key = jax.random.key(seed)
    ks = jax.random.split(key, 12)
    x = jax.random.normal(ks[0], (N, D), dtype=jnp.float32)
    edge_index = jax.random.randint(ks[1], (2, E), 0, N, dtype=jnp.int32)
    # SAGE layer 1 params
    Ws1 = _glorot(ks[2], (D, H1))
    Wn1 = _glorot(ks[3], (D, H1))
    b1 = jnp.zeros((H1,), dtype=jnp.float32)
    # SAGE layer 2 params
    Ws2 = _glorot(ks[4], (H1, H2))
    Wn2 = _glorot(ks[5], (H1, H2))
    b2 = jnp.zeros((H2,), dtype=jnp.float32)
    # classifier MLP: Linear(FEAT->256) + ReLU + Dropout(eval=identity) + Linear(256->C)
    Wc1 = _glorot(ks[6], (FEAT, CH))
    bc1 = jnp.zeros((CH,), dtype=jnp.float32)
    Wc2 = _glorot(ks[7], (CH, C))
    bc2 = jnp.zeros((C,), dtype=jnp.float32)
    return {"x": x, "edge_index": edge_index, "Ws1": Ws1, "Wn1": Wn1, "b1": b1,
            "Ws2": Ws2, "Wn2": Wn2, "b2": b2, "Wc1": Wc1, "bc1": bc1,
            "Wc2": Wc2, "bc2": bc2}


def reference(x, edge_index, Ws1, Wn1, b1, Ws2, Wn2, b2, Wc1, bc1, Wc2, bc2):
    src = edge_index[0]
    dst = edge_index[1]

    def sage_layer(h, Ws, Wn, b):
        # mean aggregation over incoming edges (SparseCore: gather + scatter-add)
        msg = jnp.take(h, src, axis=0)
        agg = jax.ops.segment_sum(msg, dst, num_segments=N)
        deg = jax.ops.segment_sum(jnp.ones((E,), dtype=h.dtype), dst, num_segments=N)
        agg = agg / jnp.maximum(deg, 1.0)[:, None]
        return jax.nn.relu(h @ Ws + agg @ Wn + b)

    h1 = sage_layer(x, Ws1, Wn1, b1)
    h2 = sage_layer(h1, Ws2, Wn2, b2)
    # residue_logits=True backbone: jumping-knowledge concat of per-layer node feats
    feats = jnp.concatenate([h1, h2], axis=-1)  # [N, sum(hidden_dims)]
    # classifier MLP (dropout is identity in eval)
    hc = jax.nn.relu(feats @ Wc1 + bc1)
    logits = hc @ Wc2 + bc2
    return logits

if __name__ == "__main__":
    import jax
    _d = setup_inputs()
    print(jax.jit(kernel)(*tuple(_d.values())))

</pallas_src>

<mosaic_0001>
#map = affine_map<(d0, d1) -> (0, 0)>
#map1 = affine_map<(d0, d1) -> (0, 0, 0, 0)>
#map2 = affine_map<(d0, d1) -> (0)>
module attributes {stable_mosaic.version = 14 : i64} {
  func.func @sc_gather_scatter_add(%arg0: i32, %arg1: i32, %arg2: memref<10000x128xf32, #tpu.memory_space<hbm>>, %arg3: memref<32x10240xi32, #tpu.memory_space<hbm>>, %arg4: memref<32x10x8x128xi32, #tpu.memory_space<hbm>>, %arg5: memref<632x128xf32, #tpu.memory_space<hbm>>, %arg6: memref<10112xf32, #tpu.memory_space<hbm>>, %arg7: memref<128xf32, #tpu.memory_space<hbm>>, %arg8: memref<20224x128xf32, #tpu.memory_space<hbm>>, %arg9: memref<2048xi32, #tpu.memory_space<vmem>>, %arg10: memref<2x8x128xi32, #tpu.memory_space<vmem>>, %arg11: memref<2x128x128xf32, #tpu.memory_space<vmem>>, %arg12: memref<128xf32, #tpu.memory_space<vmem>>, %arg13: memref<10112x128xf32, #tpu.memory_space<vmem_shared>>, %arg14: memref<10112xf32, #tpu.memory_space<vmem_shared>>, %arg15: memref<!tpu.dma_semaphore, #tpu.memory_space<semaphore_mem>>, %arg16: memref<!tpu.dma_semaphore, #tpu.memory_space<semaphore_mem>>, %arg17: memref<!tpu.dma_semaphore, #tpu.memory_space<semaphore_mem>>, %arg18: memref<!tpu.dma_semaphore, #tpu.memory_space<semaphore_mem>>, %arg19: memref<!tpu.dma_semaphore, #tpu.memory_space<semaphore_mem>>, %arg20: memref<!tpu.dma_semaphore, #tpu.memory_space<semaphore_mem>>) attributes {dimension_semantics = [#tpu.dimension_semantics<core_parallel>, #tpu.dimension_semantics<subcore_parallel>], iteration_bounds = array<i64: 2, 16>, scalar_prefetch = 0 : i64, scratch_operands = 12 : i64, tpu.core_type = #tpu.core_type<sc_vector_subcore>, window_params = [{transform_indices = #map}, {transform_indices = #map}, {transform_indices = #map1}, {transform_indices = #map}, {transform_indices = #map2}, {transform_indices = #map2}, {transform_indices = #map}]} {
    %mul3A = arith.constant 16 : i32
    %mul3A_0 = arith.muli %arg0, %mul3A : i32
    %add3A = arith.addi %mul3A_0, %arg1 : i32
    %mul3A_1 = arith.constant 632 : i32
    %mul3A_2 = arith.muli %arg1, %mul3A_1 : i32
    "tpu.region"() ({
      %run_scoped3A_34 = tpu.sem_alloc : memref<!tpu.dma_semaphore, #tpu.memory_space<semaphore_mem>>
      %dma_start3A_35 = arith.constant 0 : i32
      %dma_start3A_36 = tpu.memref_slice %arg13[%mul3A_2, %dma_start3A_35] : memref<10112x128xf32, #tpu.memory_space<vmem_shared>> -> memref<632x128xf32, #tpu.memory_space<vmem_shared>>
      tpu.enqueue_dma source(%arg5 : memref<632x128xf32, #tpu.memory_space<hbm>>) target(%dma_start3A_36 : memref<632x128xf32, #tpu.memory_space<vmem_shared>>) target_semaphore(%run_scoped3A_34 : memref<!tpu.dma_semaphore, #tpu.memory_space<semaphore_mem>>)
      %dma_wait3A_37 = arith.constant 0 : i32
      %dma_wait3A_38 = tpu.memref_slice %arg13[%mul3A_2, %dma_wait3A_37] : memref<10112x128xf32, #tpu.memory_space<vmem_shared>> -> memref<632x128xf32, #tpu.memory_space<vmem_shared>>
      tpu.wait_dma2 semaphore(%run_scoped3A_34 : memref<!tpu.dma_semaphore, #tpu.memory_space<semaphore_mem>>) src(%arg5 : memref<632x128xf32, #tpu.memory_space<hbm>>) dst(%dma_wait3A_38 : memref<632x128xf32, #tpu.memory_space<vmem_shared>>)
      tpu.yield
    }) : () -> ()
    "tpu.region"() ({
      %run_scoped3A_34 = tpu.sem_alloc : memref<!tpu.dma_semaphore, #tpu.memory_space<semaphore_mem>>
      %dma_start3A_35 = arith.constant 0 : i32
      %dma_start3A_36 = tpu.memref_slice %arg9[%dma_start3A_35] : memref<2048xi32, #tpu.memory_space<vmem>> -> memref<1024xi32, #tpu.memory_space<vmem>>
      %dma_start3A_37 = arith.constant 0 : i32
      %dma_start3A_38 = tpu.memref_slice %arg3[%add3A, %dma_start3A_37] : memref<32x10240xi32, #tpu.memory_space<hbm>> -> memref<1x1024xi32, #tpu.memory_space<hbm>>
      %dma_start3A_39 = tpu.memref_squeeze %dma_start3A_38 : memref<1x1024xi32, #tpu.memory_space<hbm>> -> memref<1024xi32, #tpu.memory_space<hbm>>
      %dma_start3A_40 = arith.constant 0 : i32
      %dma_start3A_41 = tpu.memref_slice %arg9[%dma_start3A_40] : memref<2048xi32, #tpu.memory_space<vmem>> -> memref<1024xi32, #tpu.memory_space<vmem>>
      %dma_start3A_42 = arith.constant 0 : i32
      %dma_start3A_43 = tpu.memref_slice %arg3[%add3A, %dma_start3A_42] : memref<32x10240xi32, #tpu.memory_space<hbm>> -> memref<1x1024xi32, #tpu.memory_space<hbm>>
      %dma_start3A_44 = tpu.memref_squeeze %dma_start3A_43 : memref<1x1024xi32, #tpu.memory_space<hbm>> -> memref<1024xi32, #tpu.memory_space<hbm>>
      tpu.enqueue_dma source(%dma_start3A_44 : memref<1024xi32, #tpu.memory_space<hbm>>) target(%dma_start3A_41 : memref<1024xi32, #tpu.memory_space<vmem>>) target_semaphore(%run_scoped3A_34 : memref<!tpu.dma_semaphore, #tpu.memory_space<semaphore_mem>>)
      %dma_wait3A_45 = arith.constant 0 : i32
      %dma_wait3A_46 = tpu.memref_slice %arg9[%dma_wait3A_45] : memref<2048xi32, #tpu.memory_space<vmem>> -> memref<1024xi32, #tpu.memory_space<vmem>>
      %dma_wait3A_47 = arith.constant 0 : i32
      %dma_wait3A_48 = tpu.memref_slice %arg3[%add3A, %dma_wait3A_47] : memref<32x10240xi32, #tpu.memory_space<hbm>> -> memref<1x1024xi32, #tpu.memory_space<hbm>>
      %dma_wait3A_49 = tpu.memref_squeeze %dma_wait3A_48 : memref<1x1024xi32, #tpu.memory_space<hbm>> -> memref<1024xi32, #tpu.memory_space<hbm>>
      %dma_wait3A_50 = arith.constant 0 : i32
      %dma_wait3A_51 = tpu.memref_slice %arg9[%dma_wait3A_50] : memref<2048xi32, #tpu.memory_space<vmem>> -> memref<1024xi32, #tpu.memory_space<vmem>>
      %dma_wait3A_52 = arith.constant 0 : i32
      %dma_wait3A_53 = tpu.memref_slice %arg3[%add3A, %dma_wait3A_52] : memref<32x10240xi32, #tpu.memory_space<hbm>> -> memref<1x1024xi32, #tpu.memory_space<hbm>>
      %dma_wait3A_54 = tpu.memref_squeeze %dma_wait3A_53 : memref<1x1024xi32, #tpu.memory_space<hbm>> -> memref<1024xi32, #tpu.memory_space<hbm>>
      tpu.wait_dma2 semaphore(%run_scoped3A_34 : memref<!tpu.dma_semaphore, #tpu.memory_space<semaphore_mem>>) src(%dma_wait3A_54 : memref<1024xi32, #tpu.memory_space<hbm>>) dst(%dma_wait3A_51 : memref<1024xi32, #tpu.memory_space<vmem>>)
      tpu.yield
    }) : () -> ()
    %run_scoped3A = arith.constant 0 : i32
    %run_scoped3A_3 = arith.constant 0 : i32
    "tpu.region"() ({
      %run_scoped3A_34 = tpu.sem_alloc : memref<!tpu.dma_semaphore, #tpu.memory_space<semaphore_mem>>
      %dma_start3A_35 = arith.constant 0 : i32
      %dma_start3A_36 = arith.constant 0 : i32
      %dma_start3A_37 = tpu.memref_slice %arg10[%run_scoped3A_3, %dma_start3A_35, %dma_start3A_36] : memref<2x8x128xi32, #tpu.memory_space<vmem>> -> memref<1x8x128xi32, #tpu.memory_space<vmem>>
      %dma_start3A_38 = tpu.memref_squeeze %dma_start3A_37 : memref<1x8x128xi32, #tpu.memory_space<vmem>> -> memref<8x128xi32, #tpu.memory_space<vmem>>
      %dma_start3A_39 = arith.constant 0 : i32
      %dma_start3A_40 = arith.constant 0 : i32
      %dma_start3A_41 = tpu.memref_slice %arg4[%add3A, %run_scoped3A, %dma_start3A_39, %dma_start3A_40] : memref<32x10x8x128xi32, #tpu.memory_space<hbm>> -> memref<1x1x8x128xi32, #tpu.memory_space<hbm>>
      %dma_start3A_42 = tpu.memref_squeeze %dma_start3A_41 : memref<1x1x8x128xi32, #tpu.memory_space<hbm>> -> memref<8x128xi32, #tpu.memory_space<hbm>>
      %dma_start3A_43 = arith.constant 0 : i32
      %dma_start3A_44 = arith.constant 0 : i32
      %dma_start3A_45 = tpu.memref_slice %arg10[%run_scoped3A_3, %dma_start3A_43, %dma_start3A_44] : memref<2x8x128xi32, #tpu.memory_space<vmem>> -> memref<1x8x128xi32, #tpu.memory_space<vmem>>
      %dma_start3A_46 = tpu.memref_squeeze %dma_start3A_45 : memref<1x8x128xi32, #tpu.memory_space<vmem>> -> memref<8x128xi32, #tpu.memory_space<vmem>>
      %dma_start3A_47 = arith.constant 0 : i32
      %dma_start3A_48 = arith.constant 0 : i32
      %dma_start3A_49 = tpu.memref_slice %arg4[%add3A, %run_scoped3A, %dma_start3A_47, %dma_start3A_48] : memref<32x10x8x128xi32, #tpu.memory_space<hbm>> -> memref<1x1x8x128xi32, #tpu.memory_space<hbm>>
      %dma_start3A_50 = tpu.memref_squeeze %dma_start3A_49 : memref<1x1x8x128xi32, #tpu.memory_space<hbm>> -> memref<8x128xi32, #tpu.memory_space<hbm>>
      tpu.enqueue_dma source(%dma_start3A_50 : memref<8x128xi32, #tpu.memory_space<hbm>>) target(%dma_start3A_46 : memref<8x128xi32, #tpu.memory_space<vmem>>) target_semaphore(%run_scoped3A_34 : memref<!tpu.dma_semaphore, #tpu.memory_space<semaphore_mem>>)
      %dma_wait3A_51 = arith.constant 0 : i32
      %dma_wait3A_52 = arith.constant 0 : i32
      %dma_wait3A_53 = tpu.memref_slice %arg10[%run_scoped3A_3, %dma_wait3A_51, %dma_wait3A_52] : memref<2x8x128xi32, #tpu.memory_space<vmem>> -> memref<1x8x128xi32, #tpu.memory_space<vmem>>
      %dma_wait3A_54 = tpu.memref_squeeze %dma_wait3A_53 : memref<1x8x128xi32, #tpu.memory_space<vmem>> -> memref<8x128xi32, #tpu.memory_space<vmem>>
      %dma_wait3A_55 = arith.constant 0 : i32
      %dma_wait3A_56 = arith.constant 0 : i32
      %dma_wait3A_57 = tpu.memref_slice %arg4[%add3A, %run_scoped3A, %dma_wait3A_55, %dma_wait3A_56] : memref<32x10x8x128xi32, #tpu.memory_space<hbm>> -> memref<1x1x8x128xi32, #tpu.memory_space<hbm>>
      %dma_wait3A_58 = tpu.memref_squeeze %dma_wait3A_57 : memref<1x1x8x128xi32, #tpu.memory_space<hbm>> -> memref<8x128xi32, #tpu.memory_space<hbm>>
      %dma_wait3A_59 = arith.constant 0 : i32
      %dma_wait3A_60 = arith.constant 0 : i32
      %dma_wait3A_61 = tpu.memref_slice %arg10[%run_scoped3A_3, %dma_wait3A_59, %dma_wait3A_60] : memref<2x8x128xi32, #tpu.memory_space<vmem>> -> memref<1x8x128xi32, #tpu.memory_space<vmem>>
      %dma_wait3A_62 = tpu.memref_squeeze %dma_wait3A_61 : memref<1x8x128xi32, #tpu.memory_space<vmem>> -> memref<8x128xi32, #tpu.memory_space<vmem>>
      %dma_wait3A_63 = arith.constant 0 : i32
      %dma_wait3A_64 = arith.constant 0 : i32
      %dma_wait3A_65 = tpu.memref_slice %arg4[%add3A, %run_scoped3A, %dma_wait3A_63, %dma_wait3A_64] : memref<32x10x8x128xi32, #tpu.memory_space<hbm>> -> memref<1x1x8x128xi32, #tpu.memory_space<hbm>>
      %dma_wait3A_66 = tpu.memref_squeeze %dma_wait3A_65 : memref<1x1x8x128xi32, #tpu.memory_space<hbm>> -> memref<8x128xi32, #tpu.memory_space<hbm>>
      tpu.wait_dma2 semaphore(%run_scoped3A_34 : memref<!tpu.dma_semaphore, #tpu.memory_space<semaphore_mem>>) src(%dma_wait3A_66 : memref<8x128xi32, #tpu.memory_space<hbm>>) dst(%dma_wait3A_62 : memref<8x128xi32, #tpu.memory_space<vmem>>)
      tpu.yield
    }) : () -> ()
    %barrier3A = arith.constant 0 : index
    tpu.barrier barrier_id(%barrier3A)
    %multiple_of3A = arith.constant 0 : i32
    %multiple_of3A_4 = tpu.assume_multiple %multiple_of3A, 8 : i32
    %dma_start3A = arith.constant 0 : i32
    %dma_start3A_5 = arith.constant 0 : i32
    %dma_start3A_6 = arith.constant 0 : i32
    %dma_start3A_7 = tpu.memref_slice %arg11[%dma_start3A, %dma_start3A_5, %dma_start3A_6] : memref<2x128x128xf32, #tpu.memory_space<vmem>> -> memref<1x128x128xf32, #tpu.memory_space<vmem>>
    %dma_start3A_8 = tpu.memref_squeeze %dma_start3A_7 : memref<1x128x128xf32, #tpu.memory_space<vmem>> -> memref<128x128xf32, #tpu.memory_space<vmem>>
    %dma_start3A_9 = tpu.memref_slice %arg9[%multiple_of3A_4] : memref<2048xi32, #tpu.memory_space<vmem>> -> memref<128xi32, #tpu.memory_space<vmem>>
    %dma_start3A_10 = arith.constant 0 : i32
    %dma_start3A_11 = arith.constant 0 : i32
    %dma_start3A_12 = tpu.memref_slice %arg2[%dma_start3A_10, %dma_start3A_11] : memref<10000x128xf32, #tpu.memory_space<hbm>> -> memref<10000x128xf32, #tpu.memory_space<hbm>>
    tpu.enqueue_indirect_dma source(%dma_start3A_12 : memref<10000x128xf32, #tpu.memory_space<hbm>>) target(%dma_start3A_8 : memref<128x128xf32, #tpu.memory_space<vmem>>) offsets(%dma_start3A_9 : memref<128xi32, #tpu.memory_space<vmem>>) semaphore(%arg15 : memref<!tpu.dma_semaphore, #tpu.memory_space<semaphore_mem>>)
    %scan3A = arith.constant 0 : i32
    %scan3A_13 = arith.constant 0 : i32
    %scan3A_14 = arith.constant 10 : i32
    %scan3A_15 = arith.addi %scan3A_13, %scan3A_14 : i32
    %scan3A_16 = arith.constant 1 : i32
    scf.for %scan3A_34 = %scan3A_13 to %scan3A_15 step %scan3A_16  : i32 {
      %rem3A = arith.constant 2 : i32
      %rem3A_35 = arith.remsi %scan3A_34, %rem3A : i32
      %sub3A = arith.constant 1 : i32
      %sub3A_36 = arith.subi %sub3A, %rem3A_35 : i32
      %lt3A = arith.constant 9 : i32
      %lt3A_37 = arith.cmpi slt, %scan3A_34, %lt3A : i32
      %convert_element_type3A = arith.extui %lt3A_37 : i1 to i32
      %cond3A = arith.constant 0 : i32
      %cond3A_38 = arith.cmpi ne, %convert_element_type3A, %cond3A : i32
      scf.if %cond3A_38 {
        %add3A_445 = arith.constant 1 : i32
        %add3A_446 = arith.addi %scan3A_34, %add3A_445 : i32
        %mul3A_447 = arith.constant 8 : i32
        %mul3A_448 = arith.muli %add3A_446, %mul3A_447 : i32
        %mul3A_449 = arith.constant 128 : i32
        %mul3A_450 = arith.muli %mul3A_448, %mul3A_449 : i32
        %multiple_of3A_451 = tpu.assume_multiple %mul3A_450, 8 : i32
        %mul3A_452 = arith.constant 1024 : i32
        %mul3A_453 = arith.muli %sub3A_36, %mul3A_452 : i32
        %dma_start3A_454 = tpu.memref_slice %arg9[%mul3A_453] : memref<2048xi32, #tpu.memory_space<vmem>> -> memref<1024xi32, #tpu.memory_space<vmem>>
        %dma_start3A_455 = tpu.memref_slice %arg3[%add3A, %multiple_of3A_451] : memref<32x10240xi32, #tpu.memory_space<hbm>> -> memref<1x1024xi32, #tpu.memory_space<hbm>>
        %dma_start3A_456 = tpu.memref_squeeze %dma_start3A_455 : memref<1x1024xi32, #tpu.memory_space<hbm>> -> memref<1024xi32, #tpu.memory_space<hbm>>
        %dma_start3A_457 = tpu.memref_slice %arg9[%mul3A_453] : memref<2048xi32, #tpu.memory_space<vmem>> -> memref<1024xi32, #tpu.memory_space<vmem>>
        %dma_start3A_458 = tpu.memref_slice %arg3[%add3A, %multiple_of3A_451] : memref<32x10240xi32, #tpu.memory_space<hbm>> -> memref<1x1024xi32, #tpu.memory_space<hbm>>
        %dma_start3A_459 = tpu.memref_squeeze %dma_start3A_458 : memref<1x1024xi32, #tpu.memory_space<hbm>> -> memref<1024xi32, #tpu.memory_space<hbm>>
        tpu.enqueue_dma source(%dma_start3A_459 : memref<1024xi32, #tpu.memory_space<hbm>>) target(%dma_start3A_457 : memref<1024xi32, #tpu.memory_space<vmem>>) target_semaphore(%arg19 : memref<!tpu.dma_semaphore, #tpu.memory_space<semaphore_mem>>)
        %add3A_460 = arith.constant 1 : i32
        %add3A_461 = arith.addi %scan3A_34, %add3A_460 : i32
        %dma_start3A_462 = arith.constant 0 : i32
        %dma_start3A_463 = arith.constant 0 : i32
        %dma_start3A_464 = tpu.memref_slice %arg10[%sub3A_36, %dma_start3A_462, %dma_start3A_463] : memref<2x8x128xi32, #tpu.memory_space<vmem>> -> memref<1x8x128xi32, #tpu.memory_space<vmem>>
        %dma_start3A_465 = tpu.memref_squeeze %dma_start3A_464 : memref<1x8x128xi32, #tpu.memory_space<vmem>> -> memref<8x128xi32, #tpu.memory_space<vmem>>
        %dma_start3A_466 = arith.constant 0 : i32
        %dma_start3A_467 = arith.constant 0 : i32
        %dma_start3A_468 = tpu.memref_slice %arg4[%add3A, %add3A_461, %dma_start3A_466, %dma_start3A_467] : memref<32x10x8x128xi32, #tpu.memory_space<hbm>> -> memref<1x1x8x128xi32, #tpu.memory_space<hbm>>
        %dma_start3A_469 = tpu.memref_squeeze %dma_start3A_468 : memref<1x1x8x128xi32, #tpu.memory_space<hbm>> -> memref<8x128xi32, #tpu.memory_space<hbm>>
        %dma_start3A_470 = arith.constant 0 : i32
        %dma_start3A_471 = arith.constant 0 : i32
        %dma_start3A_472 = tpu.memref_slice %arg10[%sub3A_36, %dma_start3A_470, %dma_start3A_471] : memref<2x8x128xi32, #tpu.memory_space<vmem>> -> memref<1x8x128xi32, #tpu.memory_space<vmem>>
        %dma_start3A_473 = tpu.memref_squeeze %dma_start3A_472 : memref<1x8x128xi32, #tpu.memory_space<vmem>> -> memref<8x128xi32, #tpu.memory_space<vmem>>
        %dma_start3A_474 = arith.constant 0 : i32
        %dma_start3A_475 = arith.constant 0 : i32
        %dma_start3A_476 = tpu.memref_slice %arg4[%add3A, %add3A_461, %dma_start3A_474, %dma_start3A_475] : memref<32x10x8x128xi32, #tpu.memory_space<hbm>> -> memref<1x1x8x128xi32, #tpu.memory_space<hbm>>
        %dma_start3A_477 = tpu.memref_squeeze %dma_start3A_476 : memref<1x1x8x128xi32, #tpu.memory_space<hbm>> -> memref<8x128xi32, #tpu.memory_space<hbm>>
        tpu.enqueue_dma source(%dma_start3A_477 : memref<8x128xi32, #tpu.memory_space<hbm>>) target(%dma_start3A_473 : memref<8x128xi32, #tpu.memory_space<vmem>>) target_semaphore(%arg19 : memref<!tpu.dma_semaphore, #tpu.memory_space<semaphore_mem>>)
      } else {
      }
      %gt3A = arith.constant 0 : i32
      %gt3A_39 = arith.cmpi sgt, %scan3A_34, %gt3A : i32
      %convert_element_type3A_40 = arith.extui %gt3A_39 : i1 to i32
      %cond3A_41 = arith.constant 0 : i32
      %cond3A_42 = arith.cmpi ne, %convert_element_type3A_40, %cond3A_41 : i32
      scf.if %cond3A_42 {
        %dma_wait3A_445 = arith.constant 1 : i32
        %dma_wait3A_446 = arith.constant 0 : i32
        %dma_wait3A_447 = arith.constant 0 : i32
        %dma_wait3A_448 = arith.constant 0 : i32
        %dma_wait3A_449 = arith.constant 0 : i32
        %dma_wait3A_450 = tpu.memref_slice %arg11[%dma_wait3A_445, %dma_wait3A_448, %dma_wait3A_449] : memref<2x128x128xf32, #tpu.memory_space<vmem>> -> memref<1x128x128xf32, #tpu.memory_space<vmem>>
        %dma_wait3A_451 = tpu.memref_squeeze %dma_wait3A_450 : memref<1x128x128xf32, #tpu.memory_space<vmem>> -> memref<128x128xf32, #tpu.memory_space<vmem>>
        %dma_wait3A_452 = arith.constant 0 : i32
        %dma_wait3A_453 = tpu.memref_slice %arg10[%dma_wait3A_446, %dma_wait3A_447, %dma_wait3A_452] : memref<2x8x128xi32, #tpu.memory_space<vmem>> -> memref<1x1x128xi32, #tpu.memory_space<vmem>>
        %dma_wait3A_454 = tpu.memref_squeeze %dma_wait3A_453 : memref<1x1x128xi32, #tpu.memory_space<vmem>> -> memref<128xi32, #tpu.memory_space<vmem>>
        %dma_wait3A_455 = arith.constant 0 : i32
        %dma_wait3A_456 = arith.constant 0 : i32
        %dma_wait3A_457 = tpu.memref_slice %arg13[%dma_wait3A_455, %dma_wait3A_456] : memref<10112x128xf32, #tpu.memory_space<vmem_shared>> -> memref<10112x128xf32, #tpu.memory_space<vmem_shared>>
        tpu.wait_indirect_dma semaphore(%arg18 : memref<!tpu.dma_semaphore, #tpu.memory_space<semaphore_mem>>) src(%dma_wait3A_451 : memref<128x128xf32, #tpu.memory_space<vmem>>) dst(%dma_wait3A_457 : memref<10112x128xf32, #tpu.memory_space<vmem_shared>>)
      } else {
      }
      %mul3A_43 = arith.constant 1024 : i32
      %mul3A_44 = arith.muli %rem3A_35, %mul3A_43 : i32
      %add3A_45 = arith.constant 128 : i32
      %add3A_46 = arith.addi %mul3A_44, %add3A_45 : i32
      %multiple_of3A_47 = tpu.assume_multiple %add3A_46, 8 : i32
      %dma_start3A_48 = arith.constant 1 : i32
      %dma_start3A_49 = arith.constant 0 : i32
      %dma_start3A_50 = arith.constant 0 : i32
      %dma_start3A_51 = tpu.memref_slice %arg11[%dma_start3A_48, %dma_start3A_49, %dma_start3A_50] : memref<2x128x128xf32, #tpu.memory_space<vmem>> -> memref<1x128x128xf32, #tpu.memory_space<vmem>>
      %dma_start3A_52 = tpu.memref_squeeze %dma_start3A_51 : memref<1x128x128xf32, #tpu.memory_space<vmem>> -> memref<128x128xf32, #tpu.memory_space<vmem>>
      %dma_start3A_53 = tpu.memref_slice %arg9[%multiple_of3A_47] : memref<2048xi32, #tpu.memory_space<vmem>> -> memref<128xi32, #tpu.memory_space<vmem>>
      %dma_start3A_54 = arith.constant 0 : i32
      %dma_start3A_55 = arith.constant 0 : i32
      %dma_start3A_56 = tpu.memref_slice %arg2[%dma_start3A_54, %dma_start3A_55] : memref<10000x128xf32, #tpu.memory_space<hbm>> -> memref<10000x128xf32, #tpu.memory_space<hbm>>
      tpu.enqueue_indirect_dma source(%dma_start3A_56 : memref<10000x128xf32, #tpu.memory_space<hbm>>) target(%dma_start3A_52 : memref<128x128xf32, #tpu.memory_space<vmem>>) offsets(%dma_start3A_53 : memref<128xi32, #tpu.memory_space<vmem>>) semaphore(%arg16 : memref<!tpu.dma_semaphore, #tpu.memory_space<semaphore_mem>>)
      %mul3A_57 = arith.constant 1024 : i32
      %mul3A_58 = arith.muli %rem3A_35, %mul3A_57 : i32
      %add3A_59 = arith.constant 0 : i32
      %add3A_60 = arith.addi %mul3A_58, %add3A_59 : i32
      %multiple_of3A_61 = tpu.assume_multiple %add3A_60, 8 : i32
      %dma_wait3A_62 = arith.constant 0 : i32
      %dma_wait3A_63 = arith.constant 0 : i32
      %dma_wait3A_64 = arith.constant 0 : i32
      %dma_wait3A_65 = tpu.memref_slice %arg11[%dma_wait3A_62, %dma_wait3A_63, %dma_wait3A_64] : memref<2x128x128xf32, #tpu.memory_space<vmem>> -> memref<1x128x128xf32, #tpu.memory_space<vmem>>
      %dma_wait3A_66 = tpu.memref_squeeze %dma_wait3A_65 : memref<1x128x128xf32, #tpu.memory_space<vmem>> -> memref<128x128xf32, #tpu.memory_space<vmem>>
      %dma_wait3A_67 = tpu.memref_slice %arg9[%multiple_of3A_61] : memref<2048xi32, #tpu.memory_space<vmem>> -> memref<128xi32, #tpu.memory_space<vmem>>
      %dma_wait3A_68 = arith.constant 0 : i32
      %dma_wait3A_69 = arith.constant 0 : i32
      %dma_wait3A_70 = tpu.memref_slice %arg2[%dma_wait3A_68, %dma_wait3A_69] : memref<10000x128xf32, #tpu.memory_space<hbm>> -> memref<10000x128xf32, #tpu.memory_space<hbm>>
      tpu.wait_indirect_dma semaphore(%arg15 : memref<!tpu.dma_semaphore, #tpu.memory_space<semaphore_mem>>) src(%dma_wait3A_70 : memref<10000x128xf32, #tpu.memory_space<hbm>>) dst(%dma_wait3A_66 : memref<128x128xf32, #tpu.memory_space<vmem>>)
      %dma_start3A_71 = arith.constant 0 : i32
      %dma_start3A_72 = arith.constant 0 : i32
      %dma_start3A_73 = arith.constant 0 : i32
      %dma_start3A_74 = arith.constant 0 : i32
      %dma_start3A_75 = tpu.memref_slice %arg11[%dma_start3A_71, %dma_start3A_73, %dma_start3A_74] : memref<2x128x128xf32, #tpu.memory_space<vmem>> -> memref<1x128x128xf32, #tpu.memory_space<vmem>>
      %dma_start3A_76 = tpu.memref_squeeze %dma_start3A_75 : memref<1x128x128xf32, #tpu.memory_space<vmem>> -> memref<128x128xf32, #tpu.memory_space<vmem>>
      %dma_start3A_77 = arith.constant 0 : i32
      %dma_start3A_78 = tpu.memref_slice %arg10[%rem3A_35, %dma_start3A_72, %dma_start3A_77] : memref<2x8x128xi32, #tpu.memory_space<vmem>> -> memref<1x1x128xi32, #tpu.memory_space<vmem>>
      %dma_start3A_79 = tpu.memref_squeeze %dma_start3A_78 : memref<1x1x128xi32, #tpu.memory_space<vmem>> -> memref<128xi32, #tpu.memory_space<vmem>>
      %dma_start3A_80 = arith.constant 0 : i32
      %dma_start3A_81 = arith.constant 0 : i32
      %dma_start3A_82 = tpu.memref_slice %arg13[%dma_start3A_80, %dma_start3A_81] : memref<10112x128xf32, #tpu.memory_space<vmem_shared>> -> memref<10112x128xf32, #tpu.memory_space<vmem_shared>>
      tpu.enqueue_indirect_dma source(%dma_start3A_76 : memref<128x128xf32, #tpu.memory_space<vmem>>) target(%dma_start3A_82 : memref<10112x128xf32, #tpu.memory_space<vmem_shared>>) offsets(%dma_start3A_79 : memref<128xi32, #tpu.memory_space<vmem>>) semaphore(%arg17 : memref<!tpu.dma_semaphore, #tpu.memory_space<semaphore_mem>>) {add = true}
      %dma_wait3A_83 = arith.constant 0 : i32
      %dma_wait3A_84 = arith.constant 0 : i32
      %dma_wait3A_85 = arith.constant 0 : i32
      %dma_wait3A_86 = arith.constant 0 : i32
      %dma_wait3A_87 = arith.constant 0 : i32
      %dma_wait3A_88 = tpu.memref_slice %arg11[%dma_wait3A_83, %dma_wait3A_86, %dma_wait3A_87] : memref<2x128x128xf32, #tpu.memory_space<vmem>> -> memref<1x128x128xf32, #tpu.memory_space<vmem>>
      %dma_wait3A_89 = tpu.memref_squeeze %dma_wait3A_88 : memref<1x128x128xf32, #tpu.memory_space<vmem>> -> memref<128x128xf32, #tpu.memory_space<vmem>>
      %dma_wait3A_90 = arith.constant 0 : i32
      %dma_wait3A_91 = tpu.memref_slice %arg10[%dma_wait3A_84, %dma_wait3A_85, %dma_wait3A_90] : memref<2x8x128xi32, #tpu.memory_space<vmem>> -> memref<1x1x128xi32, #tpu.memory_space<vmem>>
      %dma_wait3A_92 = tpu.memref_squeeze %dma_wait3A_91 : memref<1x1x128xi32, #tpu.memory_space<vmem>> -> memref<128xi32, #tpu.memory_space<vmem>>
      %dma_wait3A_93 = arith.constant 0 : i32
      %dma_wait3A_94 = arith.constant 0 : i32
      %dma_wait3A_95 = tpu.memref_slice %arg13[%dma_wait3A_93, %dma_wait3A_94] : memref<10112x128xf32, #tpu.memory_space<vmem_shared>> -> memref<10112x128xf32, #tpu.memory_space<vmem_shared>>
      tpu.wait_indirect_dma semaphore(%arg17 : memref<!tpu.dma_semaphore, #tpu.memory_space<semaphore_mem>>) src(%dma_wait3A_89 : memref<128x128xf32, #tpu.memory_space<vmem>>) dst(%dma_wait3A_95 : memref<10112x128xf32, #tpu.memory_space<vmem_shared>>)
      %mul3A_96 = arith.constant 1024 : i32
      %mul3A_97 = arith.muli %rem3A_35, %mul3A_96 : i32
      %add3A_98 = arith.constant 256 : i32
      %add3A_99 = arith.addi %mul3A_97, %add3A_98 : i32
      %multiple_of3A_100 = tpu.assume_multiple %add3A_99, 8 : i32
      %dma_start3A_101 = arith.constant 0 : i32
      %dma_start3A_102 = arith.constant 0 : i32
      %dma_start3A_103 = arith.constant 0 : i32
      %dma_start3A_104 = tpu.memref_slice %arg11[%dma_start3A_101, %dma_start3A_102, %dma_start3A_103] : memref<2x128x128xf32, #tpu.memory_space<vmem>> -> memref<1x128x128xf32, #tpu.memory_space<vmem>>
      %dma_start3A_105 = tpu.memref_squeeze %dma_start3A_104 : memref<1x128x128xf32, #tpu.memory_space<vmem>> -> memref<128x128xf32, #tpu.memory_space<vmem>>
      %dma_start3A_106 = tpu.memref_slice %arg9[%multiple_of3A_100] : memref<2048xi32, #tpu.memory_space<vmem>> -> memref<128xi32, #tpu.memory_space<vmem>>
      %dma_start3A_107 = arith.constant 0 : i32
      %dma_start3A_108 = arith.constant 0 : i32
      %dma_start3A_109 = tpu.memref_slice %arg2[%dma_start3A_107, %dma_start3A_108] : memref<10000x128xf32, #tpu.memory_space<hbm>> -> memref<10000x128xf32, #tpu.memory_space<hbm>>
      tpu.enqueue_indirect_dma source(%dma_start3A_109 : memref<10000x128xf32, #tpu.memory_space<hbm>>) target(%dma_start3A_105 : memref<128x128xf32, #tpu.memory_space<vmem>>) offsets(%dma_start3A_106 : memref<128xi32, #tpu.memory_space<vmem>>) semaphore(%arg15 : memref<!tpu.dma_semaphore, #tpu.memory_space<semaphore_mem>>)
      %mul3A_110 = arith.constant 1024 : i32
      %mul3A_111 = arith.muli %rem3A_35, %mul3A_110 : i32
      %add3A_112 = arith.constant 128 : i32
      %add3A_113 = arith.addi %mul3A_111, %add3A_112 : i32
      %multiple_of3A_114 = tpu.assume_multiple %add3A_113, 8 : i32
      %dma_wait3A_115 = arith.constant 1 : i32
      %dma_wait3A_116 = arith.constant 0 : i32
      %dma_wait3A_117 = arith.constant 0 : i32
      %dma_wait3A_118 = tpu.memref_slice %arg11[%dma_wait3A_115, %dma_wait3A_116, %dma_wait3A_117] : memref<2x128x128xf32, #tpu.memory_space<vmem>> -> memref<1x128x128xf32, #tpu.memory_space<vmem>>
      %dma_wait3A_119 = tpu.memref_squeeze %dma_wait3A_118 : memref<1x128x128xf32, #tpu.memory_space<vmem>> -> memref<128x128xf32, #tpu.memory_space<vmem>>
      %dma_wait3A_120 = tpu.memref_slice %arg9[%multiple_of3A_114] : memref<2048xi32, #tpu.memory_space<vmem>> -> memref<128xi32, #tpu.memory_space<vmem>>
      %dma_wait3A_121 = arith.constant 0 : i32
      %dma_wait3A_122 = arith.constant 0 : i32
      %dma_wait3A_123 = tpu.memref_slice %arg2[%dma_wait3A_121, %dma_wait3A_122] : memref<10000x128xf32, #tpu.memory_space<hbm>> -> memref<10000x128xf32, #tpu.memory_space<hbm>>
      tpu.wait_indirect_dma semaphore(%arg16 : memref<!tpu.dma_semaphore, #tpu.memory_space<semaphore_mem>>) src(%dma_wait3A_123 : memref<10000x128xf32, #tpu.memory_space<hbm>>) dst(%dma_wait3A_119 : memref<128x128xf32, #tpu.memory_space<vmem>>)
      %dma_start3A_124 = arith.constant 1 : i32
      %dma_start3A_125 = arith.constant 1 : i32
      %dma_start3A_126 = arith.constant 0 : i32
      %dma_start3A_127 = arith.constant 0 : i32
      %dma_start3A_128 = tpu.memref_slice %arg11[%dma_start3A_124, %dma_start3A_126, %dma_start3A_127] : memref<2x128x128xf32, #tpu.memory_space<vmem>> -> memref<1x128x128xf32, #tpu.memory_space<vmem>>
      %dma_start3A_129 = tpu.memref_squeeze %dma_start3A_128 : memref<1x128x128xf32, #tpu.memory_space<vmem>> -> memref<128x128xf32, #tpu.memory_space<vmem>>
      %dma_start3A_130 = arith.constant 0 : i32
      %dma_start3A_131 = tpu.memref_slice %arg10[%rem3A_35, %dma_start3A_125, %dma_start3A_130] : memref<2x8x128xi32, #tpu.memory_space<vmem>> -> memref<1x1x128xi32, #tpu.memory_space<vmem>>
      %dma_start3A_132 = tpu.memref_squeeze %dma_start3A_131 : memref<1x1x128xi32, #tpu.memory_space<vmem>> -> memref<128xi32, #tpu.memory_space<vmem>>
      %dma_start3A_133 = arith.constant 0 : i32
      %dma_start3A_134 = arith.constant 0 : i32
      %dma_start3A_135 = tpu.memref_slice %arg13[%dma_start3A_133, %dma_start3A_134] : memref<10112x128xf32, #tpu.memory_space<vmem_shared>> -> memref<10112x128xf32, #tpu.memory_space<vmem_shared>>
      tpu.enqueue_indirect_dma source(%dma_start3A_129 : memref<128x128xf32, #tpu.memory_space<vmem>>) target(%dma_start3A_135 : memref<10112x128xf32, #tpu.memory_space<vmem_shared>>) offsets(%dma_start3A_132 : memref<128xi32, #tpu.memory_space<vmem>>) semaphore(%arg18 : memref<!tpu.dma_semaphore, #tpu.memory_space<semaphore_mem>>) {add = true}
      %dma_wait3A_136 = arith.constant 1 : i32
      %dma_wait3A_137 = arith.constant 0 : i32
      %dma_wait3A_138 = arith.constant 0 : i32
      %dma_wait3A_139 = arith.constant 0 : i32
      %dma_wait3A_140 = arith.constant 0 : i32
      %dma_wait3A_141 = tpu.memref_slice %arg11[%dma_wait3A_136, %dma_wait3A_139, %dma_wait3A_140] : memref<2x128x128xf32, #tpu.memory_space<vmem>> -> memref<1x128x128xf32, #tpu.memory_space<vmem>>
      %dma_wait3A_142 = tpu.memref_squeeze %dma_wait3A_141 : memref<1x128x128xf32, #tpu.memory_space<vmem>> -> memref<128x128xf32, #tpu.memory_space<vmem>>
      %dma_wait3A_143 = arith.constant 0 : i32
      %dma_wait3A_144 = tpu.memref_slice %arg10[%dma_wait3A_137, %dma_wait3A_138, %dma_wait3A_143] : memref<2x8x128xi32, #tpu.memory_space<vmem>> -> memref<1x1x128xi32, #tpu.memory_space<vmem>>
      %dma_wait3A_145 = tpu.memref_squeeze %dma_wait3A_144 : memref<1x1x128xi32, #tpu.memory_space<vmem>> -> memref<128xi32, #tpu.memory_space<vmem>>
      %dma_wait3A_146 = arith.constant 0 : i32
      %dma_wait3A_147 = arith.constant 0 : i32
      %dma_wait3A_148 = tpu.memref_slice %arg13[%dma_wait3A_146, %dma_wait3A_147] : memref<10112x128xf32, #tpu.memory_space<vmem_shared>> -> memref<10112x128xf32, #tpu.memory_space<vmem_shared>>
      tpu.wait_indirect_dma semaphore(%arg18 : memref<!tpu.dma_semaphore, #tpu.memory_space<semaphore_mem>>) src(%dma_wait3A_142 : memref<128x128xf32, #tpu.memory_space<vmem>>) dst(%dma_wait3A_148 : memref<10112x128xf32, #tpu.memory_space<vmem_shared>>)
      %mul3A_149 = arith.constant 1024 : i32
      %mul3A_150 = arith.muli %rem3A_35, %mul3A_149 : i32
      %add3A_151 = arith.constant 384 : i32
      %add3A_152 = arith.addi %mul3A_150, %add3A_151 : i32
      %multiple_of3A_153 = tpu.assume_multiple %add3A_152, 8 : i32
      %dma_start3A_154 = arith.constant 1 : i32
      %dma_start3A_155 = arith.constant 0 : i32
      %dma_start3A_156 = arith.constant 0 : i32
      %dma_start3A_157 = tpu.memref_slice %arg11[%dma_start3A_154, %dma_start3A_155, %dma_start3A_156] : memref<2x128x128xf32, #tpu.memory_space<vmem>> -> memref<1x128x128xf32, #tpu.memory_space<vmem>>
      %dma_start3A_158 = tpu.memref_squeeze %dma_start3A_157 : memref<1x128x128xf32, #tpu.memory_space<vmem>> -> memref<128x128xf32, #tpu.memory_space<vmem>>
      %dma_start3A_159 = tpu.memref_slice %arg9[%multiple_of3A_153] : memref<2048xi32, #tpu.memory_space<vmem>> -> memref<128xi32, #tpu.memory_space<vmem>>
      %dma_start3A_160 = arith.constant 0 : i32
      %dma_start3A_161 = arith.constant 0 : i32
      %dma_start3A_162 = tpu.memref_slice %arg2[%dma_start3A_160, %dma_start3A_161] : memref<10000x128xf32, #tpu.memory_space<hbm>> -> memref<10000x128xf32, #tpu.memory_space<hbm>>
      tpu.enqueue_indirect_dma source(%dma_start3A_162 : memref<10000x128xf32, #tpu.memory_space<hbm>>) target(%dma_start3A_158 : memref<128x128xf32, #tpu.memory_space<vmem>>) offsets(%dma_start3A_159 : memref<128xi32, #tpu.memory_space<vmem>>) semaphore(%arg16 : memref<!tpu.dma_semaphore, #tpu.memory_space<semaphore_mem>>)
      %mul3A_163 = arith.constant 1024 : i32
      %mul3A_164 = arith.muli %rem3A_35, %mul3A_163 : i32
      %add3A_165 = arith.constant 256 : i32
      %add3A_166 = arith.addi %mul3A_164, %add3A_165 : i32
      %multiple_of3A_167 = tpu.assume_multiple %add3A_166, 8 : i32
      %dma_wait3A_168 = arith.constant 0 : i32
      %dma_wait3A_169 = arith.constant 0 : i32
      %dma_wait3A_170 = arith.constant 0 : i32
      %dma_wait3A_171 = tpu.memref_slice %arg11[%dma_wait3A_168, %dma_wait3A_169, %dma_wait3A_170] : memref<2x128x128xf32, #tpu.memory_space<vmem>> -> memref<1x128x128xf32, #tpu.memory_space<vmem>>
      %dma_wait3A_172 = tpu.memref_squeeze %dma_wait3A_171 : memref<1x128x128xf32, #tpu.memory_space<vmem>> -> memref<128x128xf32, #tpu.memory_space<vmem>>
      %dma_wait3A_173 = tpu.memref_slice %arg9[%multiple_of3A_167] : memref<2048xi32, #tpu.memory_space<vmem>> -> memref<128xi32, #tpu.memory_space<vmem>>
      %dma_wait3A_174 = arith.constant 0 : i32
      %dma_wait3A_175 = arith.constant 0 : i32
      %dma_wait3A_176 = tpu.memref_slice %arg2[%dma_wait3A_174, %dma_wait3A_175] : memref<10000x128xf32, #tpu.memory_space<hbm>> -> memref<10000x128xf32, #tpu.memory_space<hbm>>
      tpu.wait_indirect_dma semaphore(%arg15 : memref<!tpu.dma_semaphore, #tpu.memory_space<semaphore_mem>>) src(%dma_wait3A_176 : memref<10000x128xf32, #tpu.memory_space<hbm>>) dst(%dma_wait3A_172 : memref<128x128xf32, #tpu.memory_space<vmem>>)
      %dma_start3A_177 = arith.constant 0 : i32
      %dma_start3A_178 = arith.constant 2 : i32
      %dma_start3A_179 = arith.constant 0 : i32
      %dma_start3A_180 = arith.constant 0 : i32
      %dma_start3A_181 = tpu.memref_slice %arg11[%dma_start3A_177, %dma_start3A_179, %dma_start3A_180] : memref<2x128x128xf32, #tpu.memory_space<vmem>> -> memref<1x128x128xf32, #tpu.memory_space<vmem>>
      %dma_start3A_182 = tpu.memref_squeeze %dma_start3A_181 : memref<1x128x128xf32, #tpu.memory_space<vmem>> -> memref<128x128xf32, #tpu.memory_space<vmem>>
      %dma_start3A_183 = arith.constant 0 : i32
      %dma_start3A_184 = tpu.memref_slice %arg10[%rem3A_35, %dma_start3A_178, %dma_start3A_183] : memref<2x8x128xi32, #tpu.memory_space<vmem>> -> memref<1x1x128xi32, #tpu.memory_space<vmem>>
      %dma_start3A_185 = tpu.memref_squeeze %dma_start3A_184 : memref<1x1x128xi32, #tpu.memory_space<vmem>> -> memref<128xi32, #tpu.memory_space<vmem>>
      %dma_start3A_186 = arith.constant 0 : i32
      %dma_start3A_187 = arith.constant 0 : i32
      %dma_start3A_188 = tpu.memref_slice %arg13[%dma_start3A_186, %dma_start3A_187] : memref<10112x128xf32, #tpu.memory_space<vmem_shared>> -> memref<10112x128xf32, #tpu.memory_space<vmem_shared>>
      tpu.enqueue_indirect_dma source(%dma_start3A_182 : memref<128x128xf32, #tpu.memory_space<vmem>>) target(%dma_start3A_188 : memref<10112x128xf32, #tpu.memory_space<vmem_shared>>) offsets(%dma_start3A_185 : memref<128xi32, #tpu.memory_space<vmem>>) semaphore(%arg17 : memref<!tpu.dma_semaphore, #tpu.memory_space<semaphore_mem>>) {add = true}
      %dma_wait3A_189 = arith.constant 0 : i32
      %dma_wait3A_190 = arith.constant 0 : i32
      %dma_wait3A_191 = arith.constant 0 : i32
      %dma_wait3A_192 = arith.constant 0 : i32
      %dma_wait3A_193 = arith.constant 0 : i32
      %dma_wait3A_194 = tpu.memref_slice %arg11[%dma_wait3A_189, %dma_wait3A_192, %dma_wait3A_193] : memref<2x128x128xf32, #tpu.memory_space<vmem>> -> memref<1x128x128xf32, #tpu.memory_space<vmem>>
      %dma_wait3A_195 = tpu.memref_squeeze %dma_wait3A_194 : memref<1x128x128xf32, #tpu.memory_space<vmem>> -> memref<128x128xf32, #tpu.memory_space<vmem>>
      %dma_wait3A_196 = arith.constant 0 : i32
      %dma_wait3A_197 = tpu.memref_slice %arg10[%dma_wait3A_190, %dma_wait3A_191, %dma_wait3A_196] : memref<2x8x128xi32, #tpu.memory_space<vmem>> -> memref<1x1x128xi32, #tpu.memory_space<vmem>>
      %dma_wait3A_198 = tpu.memref_squeeze %dma_wait3A_197 : memref<1x1x128xi32, #tpu.memory_space<vmem>> -> memref<128xi32, #tpu.memory_space<vmem>>
      %dma_wait3A_199 = arith.constant 0 : i32
      %dma_wait3A_200 = arith.constant 0 : i32
      %dma_wait3A_201 = tpu.memref_slice %arg13[%dma_wait3A_199, %dma_wait3A_200] : memref<10112x128xf32, #tpu.memory_space<vmem_shared>> -> memref<10112x128xf32, #tpu.memory_space<vmem_shared>>
      tpu.wait_indirect_dma semaphore(%arg17 : memref<!tpu.dma_semaphore, #tpu.memory_space<semaphore_mem>>) src(%dma_wait3A_195 : memref<128x128xf32, #tpu.memory_space<vmem>>) dst(%dma_wait3A_201 : memref<10112x128xf32, #tpu.memory_space<vmem_shared>>)
      %mul3A_202 = arith.constant 1024 : i32
      %mul3A_203 = arith.muli %rem3A_35, %mul3A_202 : i32
      %add3A_204 = arith.constant 512 : i32
      %add3A_205 = arith.addi %mul3A_203, %add3A_204 : i32
      %multiple_of3A_206 = tpu.assume_multiple %add3A_205, 8 : i32
      %dma_start3A_207 = arith.constant 0 : i32
      %dma_start3A_208 = arith.constant 0 : i32
      %dma_start3A_209 = arith.constant 0 : i32
      %dma_start3A_210 = tpu.memref_slice %arg11[%dma_start3A_207, %dma_start3A_208, %dma_start3A_209] : memref<2x128x128xf32, #tpu.memory_space<vmem>> -> memref<1x128x128xf32, #tpu.memory_space<vmem>>
      %dma_start3A_211 = tpu.memref_squeeze %dma_start3A_210 : memref<1x128x128xf32, #tpu.memory_space<vmem>> -> memref<128x128xf32, #tpu.memory_space<vmem>>
      %dma_start3A_212 = tpu.memref_slice %arg9[%multiple_of3A_206] : memref<2048xi32, #tpu.memory_space<vmem>> -> memref<128xi32, #tpu.memory_space<vmem>>
      %dma_start3A_213 = arith.constant 0 : i32
      %dma_start3A_214 = arith.constant 0 : i32
      %dma_start3A_215 = tpu.memref_slice %arg2[%dma_start3A_213, %dma_start3A_214] : memref<10000x128xf32, #tpu.memory_space<hbm>> -> memref<10000x128xf32, #tpu.memory_space<hbm>>
      tpu.enqueue_indirect_dma source(%dma_start3A_215 : memref<10000x128xf32, #tpu.memory_space<hbm>>) target(%dma_start3A_211 : memref<128x128xf32, #tpu.memory_space<vmem>>) offsets(%dma_start3A_212 : memref<128xi32, #tpu.memory_space<vmem>>) semaphore(%arg15 : memref<!tpu.dma_semaphore, #tpu.memory_space<semaphore_mem>>)
      %mul3A_216 = arith.constant 1024 : i32
      %mul3A_217 = arith.muli %rem3A_35, %mul3A_216 : i32
      %add3A_218 = arith.constant 384 : i32
      %add3A_219 = arith.addi %mul3A_217, %add3A_218 : i32
      %multiple_of3A_220 = tpu.assume_multiple %add3A_219, 8 : i32
      %dma_wait3A_221 = arith.constant 1 : i32
      %dma_wait3A_222 = arith.constant 0 : i32
      %dma_wait3A_223 = arith.constant 0 : i32
      %dma_wait3A_224 = tpu.memref_slice %arg11[%dma_wait3A_221, %dma_wait3A_222, %dma_wait3A_223] : memref<2x128x128xf32, #tpu.memory_space<vmem>> -> memref<1x128x128xf32, #tpu.memory_space<vmem>>
      %dma_wait3A_225 = tpu.memref_squeeze %dma_wait3A_224 : memref<1x128x128xf32, #tpu.memory_space<vmem>> -> memref<128x128xf32, #tpu.memory_space<vmem>>
      %dma_wait3A_226 = tpu.memref_slice %arg9[%multiple_of3A_220] : memref<2048xi32, #tpu.memory_space<vmem>> -> memref<128xi32, #tpu.memory_space<vmem>>
      %dma_wait3A_227 = arith.constant 0 : i32
      %dma_wait3A_228 = arith.constant 0 : i32
      %dma_wait3A_229 = tpu.memref_slice %arg2[%dma_wait3A_227, %dma_wait3A_228] : memref<10000x128xf32, #tpu.memory_space<hbm>> -> memref<10000x128xf32, #tpu.memory_space<hbm>>
      tpu.wait_indirect_dma semaphore(%arg16 : memref<!tpu.dma_semaphore, #tpu.memory_space<semaphore_mem>>) src(%dma_wait3A_229 : memref<10000x128xf32, #tpu.memory_space<hbm>>) dst(%dma_wait3A_225 : memref<128x128xf32, #tpu.memory_space<vmem>>)
      %dma_start3A_230 = arith.constant 1 : i32
      %dma_start3A_231 = arith.constant 3 : i32
      %dma_start3A_232 = arith.constant 0 : i32
      %dma_start3A_233 = arith.constant 0 : i32
      %dma_start3A_234 = tpu.memref_slice %arg11[%dma_start3A_230, %dma_start3A_232, %dma_start3A_233] : memref<2x128x128xf32, #tpu.memory_space<vmem>> -> memref<1x128x128xf32, #tpu.memory_space<vmem>>
      %dma_start3A_235 = tpu.memref_squeeze %dma_start3A_234 : memref<1x128x128xf32, #tpu.memory_space<vmem>> -> memref<128x128xf32, #tpu.memory_space<vmem>>
      %dma_start3A_236 = arith.constant 0 : i32
      %dma_start3A_237 = tpu.memref_slice %arg10[%rem3A_35, %dma_start3A_231, %dma_start3A_236] : memref<2x8x128xi32, #tpu.memory_space<vmem>> -> memref<1x1x128xi32, #tpu.memory_space<vmem>>
      %dma_start3A_238 = tpu.memref_squeeze %dma_start3A_237 : memref<1x1x128xi32, #tpu.memory_space<vmem>> -> memref<128xi32, #tpu.memory_space<vmem>>
      %dma_start3A_239 = arith.constant 0 : i32
      %dma_start3A_240 = arith.constant 0 : i32
      %dma_start3A_241 = tpu.memref_slice %arg13[%dma_start3A_239, %dma_start3A_240] : memref<10112x128xf32, #tpu.memory_space<vmem_shared>> -> memref<10112x128xf32, #tpu.memory_space<vmem_shared>>
      tpu.enqueue_indirect_dma source(%dma_start3A_235 : memref<128x128xf32, #tpu.memory_space<vmem>>) target(%dma_start3A_241 : memref<10112x128xf32, #tpu.memory_space<vmem_shared>>) offsets(%dma_start3A_238 : memref<128xi32, #tpu.memory_space<vmem>>) semaphore(%arg18 : memref<!tpu.dma_semaphore, #tpu.memory_space<semaphore_mem>>) {add = true}
      %dma_wait3A_242 = arith.constant 1 : i32
      %dma_wait3A_243 = arith.constant 0 : i32
      %dma_wait3A_244 = arith.constant 0 : i32
      %dma_wait3A_245 = arith.constant 0 : i32
      %dma_wait3A_246 = arith.constant 0 : i32
      %dma_wait3A_247 = tpu.memref_slice %arg11[%dma_wait3A_242, %dma_wait3A_245, %dma_wait3A_246] : memref<2x128x128xf32, #tpu.memory_space<vmem>> -> memref<1x128x128xf32, #tpu.memory_space<vmem>>
      %dma_wait3A_248 = tpu.memref_squeeze %dma_wait3A_247 : memref<1x128x128xf32, #tpu.memory_space<vmem>> -> memref<128x128xf32, #tpu.memory_space<vmem>>
      %dma_wait3A_249 = arith.constant 0 : i32
      %dma_wait3A_250 = tpu.memref_slice %arg10[%dma_wait3A_243, %dma_wait3A_244, %dma_wait3A_249] : memref<2x8x128xi32, #tpu.memory_space<vmem>> -> memref<1x1x128xi32, #tpu.memory_space<vmem>>
      %dma_wait3A_251 = tpu.memref_squeeze %dma_wait3A_250 : memref<1x1x128xi32, #tpu.memory_space<vmem>> -> memref<128xi32, #tpu.memory_space<vmem>>
      %dma_wait3A_252 = arith.constant 0 : i32
      %dma_wait3A_253 = arith.constant 0 : i32
      %dma_wait3A_254 = tpu.memref_slice %arg13[%dma_wait3A_252, %dma_wait3A_253] : memref<10112x128xf32, #tpu.memory_space<vmem_shared>> -> memref<10112x128xf32, #tpu.memory_space<vmem_shared>>
      tpu.wait_indirect_dma semaphore(%arg18 : memref<!tpu.dma_semaphore, #tpu.memory_space<semaphore_mem>>) src(%dma_wait3A_248 : memref<128x128xf32, #tpu.memory_space<vmem>>) dst(%dma_wait3A_254 : memref<10112x128xf32, #tpu.memory_space<vmem_shared>>)
      %mul3A_255 = arith.constant 1024 : i32
      %mul3A_256 = arith.muli %rem3A_35, %mul3A_255 : i32
      %add3A_257 = arith.constant 640 : i32
      %add3A_258 = arith.addi %mul3A_256, %add3A_257 : i32
      %multiple_of3A_259 = tpu.assume_multiple %add3A_258, 8 : i32
      %dma_start3A_260 = arith.constant 1 : i32
      %dma_start3A_261 = arith.constant 0 : i32
      %dma_start3A_262 = arith.constant 0 : i32
      %dma_start3A_263 = tpu.memref_slice %arg11[%dma_start3A_260, %dma_start3A_261, %dma_start3A_262] : memref<2x128x128xf32, #tpu.memory_space<vmem>> -> memref<1x128x128xf32, #tpu.memory_space<vmem>>
      %dma_start3A_264 = tpu.memref_squeeze %dma_start3A_263 : memref<1x128x128xf32, #tpu.memory_space<vmem>> -> memref<128x128xf32, #tpu.memory_space<vmem>>
      %dma_start3A_265 = tpu.memref_slice %arg9[%multiple_of3A_259] : memref<2048xi32, #tpu.memory_space<vmem>> -> memref<128xi32, #tpu.memory_space<vmem>>
      %dma_start3A_266 = arith.constant 0 : i32
      %dma_start3A_267 = arith.constant 0 : i32
      %dma_start3A_268 = tpu.memref_slice %arg2[%dma_start3A_266, %dma_start3A_267] : memref<10000x128xf32, #tpu.memory_space<hbm>> -> memref<10000x128xf32, #tpu.memory_space<hbm>>
      tpu.enqueue_indirect_dma source(%dma_start3A_268 : memref<10000x128xf32, #tpu.memory_space<hbm>>) target(%dma_start3A_264 : memref<128x128xf32, #tpu.memory_space<vmem>>) offsets(%dma_start3A_265 : memref<128xi32, #tpu.memory_space<vmem>>) semaphore(%arg16 : memref<!tpu.dma_semaphore, #tpu.memory_space<semaphore_mem>>)
      %mul3A_269 = arith.constant 1024 : i32
      %mul3A_270 = arith.muli %rem3A_35, %mul3A_269 : i32
      %add3A_271 = arith.constant 512 : i32
      %add3A_272 = arith.addi %mul3A_270, %add3A_271 : i32
      %multiple_of3A_273 = tpu.assume_multiple %add3A_272, 8 : i32
      %dma_wait3A_274 = arith.constant 0 : i32
      %dma_wait3A_275 = arith.constant 0 : i32
      %dma_wait3A_276 = arith.constant 0 : i32
      %dma_wait3A_277 = tpu.memref_slice %arg11[%dma_wait3A_274, %dma_wait3A_275, %dma_wait3A_276] : memref<2x128x128xf32, #tpu.memory_space<vmem>> -> memref<1x128x128xf32, #tpu.memory_space<vmem>>
      %dma_wait3A_278 = tpu.memref_squeeze %dma_wait3A_277 : memref<1x128x128xf32, #tpu.memory_space<vmem>> -> memref<128x128xf32, #tpu.memory_space<vmem>>
      %dma_wait3A_279 = tpu.memref_slice %arg9[%multiple_of3A_273] : memref<2048xi32, #tpu.memory_space<vmem>> -> memref<128xi32, #tpu.memory_space<vmem>>
      %dma_wait3A_280 = arith.constant 0 : i32
      %dma_wait3A_281 = arith.constant 0 : i32
      %dma_wait3A_282 = tpu.memref_slice %arg2[%dma_wait3A_280, %dma_wait3A_281] : memref<10000x128xf32, #tpu.memory_space<hbm>> -> memref<10000x128xf32, #tpu.memory_space<hbm>>
      tpu.wait_indirect_dma semaphore(%arg15 : memref<!tpu.dma_semaphore, #tpu.memory_space<semaphore_mem>>) src(%dma_wait3A_282 : memref<10000x128xf32, #tpu.memory_space<hbm>>) dst(%dma_wait3A_278 : memref<128x128xf32, #tpu.memory_space<vmem>>)
      %dma_start3A_283 = arith.constant 0 : i32
      %dma_start3A_284 = arith.constant 4 : i32
      %dma_start3A_285 = arith.constant 0 : i32
      %dma_start3A_286 = arith.constant 0 : i32
      %dma_start3A_287 = tpu.memref_slice %arg11[%dma_start3A_283, %dma_start3A_285, %dma_start3A_286] : memref<2x128x128xf32, #tpu.memory_space<vmem>> -> memref<1x128x128xf32, #tpu.memory_space<vmem>>
      %dma_start3A_288 = tpu.memref_squeeze %dma_start3A_287 : memref<1x128x128xf32, #tpu.memory_space<vmem>> -> memref<128x128xf32, #tpu.memory_space<vmem>>
      %dma_start3A_289 = arith.constant 0 : i32
      %dma_start3A_290 = tpu.memref_slice %arg10[%rem3A_35, %dma_start3A_284, %dma_start3A_289] : memref<2x8x128xi32, #tpu.memory_space<vmem>> -> memref<1x1x128xi32, #tpu.memory_space<vmem>>
      %dma_start3A_291 = tpu.memref_squeeze %dma_start3A_290 : memref<1x1x128xi32, #tpu.memory_space<vmem>> -> memref<128xi32, #tpu.memory_space<vmem>>
      %dma_start3A_292 = arith.constant 0 : i32
      %dma_start3A_293 = arith.constant 0 : i32
      %dma_start3A_294 = tpu.memref_slice %arg13[%dma_start3A_292, %dma_start3A_293] : memref<10112x128xf32, #tpu.memory_space<vmem_shared>> -> memref<10112x128xf32, #tpu.memory_space<vmem_shared>>
      tpu.enqueue_indirect_dma source(%dma_start3A_288 : memref<128x128xf32, #tpu.memory_space<vmem>>) target(%dma_start3A_294 : memref<10112x128xf32, #tpu.memory_space<vmem_shared>>) offsets(%dma_start3A_291 : memref<128xi32, #tpu.memory_space<vmem>>) semaphore(%arg17 : memref<!tpu.dma_semaphore, #tpu.memory_space<semaphore_mem>>) {add = true}
      %dma_wait3A_295 = arith.constant 0 : i32
      %dma_wait3A_296 = arith.constant 0 : i32
      %dma_wait3A_297 = arith.constant 0 : i32
      %dma_wait3A_298 = arith.constant 0 : i32
      %dma_wait3A_299 = arith.constant 0 : i32
      %dma_wait3A_300 = tpu.memref_slice %arg11[%dma_wait3A_295, %dma_wait3A_298, %dma_wait3A_299] : memref<2x128x128xf32, #tpu.memory_space<vmem>> -> memref<1x128x128xf32, #tpu.memory_space<vmem>>
      %dma_wait3A_301 = tpu.memref_squeeze %dma_wait3A_300 : memref<1x128x128xf32, #tpu.memory_space<vmem>> -> memref<128x128xf32, #tpu.memory_space<vmem>>
      %dma_wait3A_302 = arith.constant 0 : i32
      %dma_wait3A_303 = tpu.memref_slice %arg10[%dma_wait3A_296, %dma_wait3A_297, %dma_wait3A_302] : memref<2x8x128xi32, #tpu.memory_space<vmem>> -> memref<1x1x128xi32, #tpu.memory_space<vmem>>
      %dma_wait3A_304 = tpu.memref_squeeze %dma_wait3A_303 : memref<1x1x128xi32, #tpu.memory_space<vmem>> -> memref<128xi32, #tpu.memory_space<vmem>>
      %dma_wait3A_305 = arith.constant 0 : i32
      %dma_wait3A_306 = arith.constant 0 : i32
      %dma_wait3A_307 = tpu.memref_slice %arg13[%dma_wait3A_305, %dma_wait3A_306] : memref<10112x128xf32, #tpu.memory_space<vmem_shared>> -> memref<10112x128xf32, #tpu.memory_space<vmem_shared>>
      tpu.wait_indirect_dma semaphore(%arg17 : memref<!tpu.dma_semaphore, #tpu.memory_space<semaphore_mem>>) src(%dma_wait3A_301 : memref<128x128xf32, #tpu.memory_space<vmem>>) dst(%dma_wait3A_307 : memref<10112x128xf32, #tpu.memory_space<vmem_shared>>)
      %mul3A_308 = arith.constant 1024 : i32
      %mul3A_309 = arith.muli %rem3A_35, %mul3A_308 : i32
      %add3A_310 = arith.constant 768 : i32
      %add3A_311 = arith.addi %mul3A_309, %add3A_310 : i32
      %multiple_of3A_312 = tpu.assume_multiple %add3A_311, 8 : i32
      %dma_start3A_313 = arith.constant 0 : i32
      %dma_start3A_314 = arith.constant 0 : i32
      %dma_start3A_315 = arith.constant 0 : i32
      %dma_start3A_316 = tpu.memref_slice %arg11[%dma_start3A_313, %dma_start3A_314, %dma_start3A_315] : memref<2x128x128xf32, #tpu.memory_space<vmem>> -> memref<1x128x128xf32, #tpu.memory_space<vmem>>
      %dma_start3A_317 = tpu.memref_squeeze %dma_start3A_316 : memref<1x128x128xf32, #tpu.memory_space<vmem>> -> memref<128x128xf32, #tpu.memory_space<vmem>>
      %dma_start3A_318 = tpu.memref_slice %arg9[%multiple_of3A_312] : memref<2048xi32, #tpu.memory_space<vmem>> -> memref<128xi32, #tpu.memory_space<vmem>>
      %dma_start3A_319 = arith.constant 0 : i32
      %dma_start3A_320 = arith.constant 0 : i32
      %dma_start3A_321 = tpu.memref_slice %arg2[%dma_start3A_319, %dma_start3A_320] : memref<10000x128xf32, #tpu.memory_space<hbm>> -> memref<10000x128xf32, #tpu.memory_space<hbm>>
      tpu.enqueue_indirect_dma source(%dma_start3A_321 : memref<10000x128xf32, #tpu.memory_space<hbm>>) target(%dma_start3A_317 : memref<128x128xf32, #tpu.memory_space<vmem>>) offsets(%dma_start3A_318 : memref<128xi32, #tpu.memory_space<vmem>>) semaphore(%arg15 : memref<!tpu.dma_semaphore, #tpu.memory_space<semaphore_mem>>)
      %mul3A_322 = arith.constant 1024 : i32
      %mul3A_323 = arith.muli %rem3A_35, %mul3A_322 : i32
      %add3A_324 = arith.constant 640 : i32
      %add3A_325 = arith.addi %mul3A_323, %add3A_324 : i32
      %multiple_of3A_326 = tpu.assume_multiple %add3A_325, 8 : i32
      %dma_wait3A_327 = arith.constant 1 : i32
      %dma_wait3A_328 = arith.constant 0 : i32
      %dma_wait3A_329 = arith.constant 0 : i32
      %dma_wait3A_330 = tpu.memref_slice %arg11[%dma_wait3A_327, %dma_wait3A_328, %dma_wait3A_329] : memref<2x128x128xf32, #tpu.memory_space<vmem>> -> memref<1x128x128xf32, #tpu.memory_space<vmem>>
      %dma_wait3A_331 = tpu.memref_squeeze %dma_wait3A_330 : memref<1x128x128xf32, #tpu.memory_space<vmem>> -> memref<128x128xf32, #tpu.memory_space<vmem>>
      %dma_wait3A_332 = tpu.memref_slice %arg9[%multiple_of3A_326] : memref<2048xi32, #tpu.memory_space<vmem>> -> memref<128xi32, #tpu.memory_space<vmem>>
      %dma_wait3A_333 = arith.constant 0 : i32
      %dma_wait3A_334 = arith.constant 0 : i32
      %dma_wait3A_335 = tpu.memref_slice %arg2[%dma_wait3A_333, %dma_wait3A_334] : memref<10000x128xf32, #tpu.memory_space<hbm>> -> memref<10000x128xf32, #tpu.memory_space<hbm>>
      tpu.wait_indirect_dma semaphore(%arg16 : memref<!tpu.dma_semaphore, #tpu.memory_space<semaphore_mem>>) src(%dma_wait3A_335 : memref<10000x128xf32, #tpu.memory_space<hbm>>) dst(%dma_wait3A_331 : memref<128x128xf32, #tpu.memory_space<vmem>>)
      %dma_start3A_336 = arith.constant 1 : i32
      %dma_start3A_337 = arith.constant 5 : i32
      %dma_start3A_338 = arith.constant 0 : i32
      %dma_start3A_339 = arith.constant 0 : i32
      %dma_start3A_340 = tpu.memref_slice %arg11[%dma_start3A_336, %dma_start3A_338, %dma_start3A_339] : memref<2x128x128xf32, #tpu.memory_space<vmem>> -> memref<1x128x128xf32, #tpu.memory_space<vmem>>
      %dma_start3A_341 = tpu.memref_squeeze %dma_start3A_340 : memref<1x128x128xf32, #tpu.memory_space<vmem>> -> memref<128x128xf32, #tpu.memory_space<vmem>>
      %dma_start3A_342 = arith.constant 0 : i32
      %dma_start3A_343 = tpu.memref_slice %arg10[%rem3A_35, %dma_start3A_337, %dma_start3A_342] : memref<2x8x128xi32, #tpu.memory_space<vmem>> -> memref<1x1x128xi32, #tpu.memory_space<vmem>>
      %dma_start3A_344 = tpu.memref_squeeze %dma_start3A_343 : memref<1x1x128xi32, #tpu.memory_space<vmem>> -> memref<128xi32, #tpu.memory_space<vmem>>
      %dma_start3A_345 = arith.constant 0 : i32
      %dma_start3A_346 = arith.constant 0 : i32
      %dma_start3A_347 = tpu.memref_slice %arg13[%dma_start3A_345, %dma_start3A_346] : memref<10112x128xf32, #tpu.memory_space<vmem_shared>> -> memref<10112x128xf32, #tpu.memory_space<vmem_shared>>
      tpu.enqueue_indirect_dma source(%dma_start3A_341 : memref<128x128xf32, #tpu.memory_space<vmem>>) target(%dma_start3A_347 : memref<10112x128xf32, #tpu.memory_space<vmem_shared>>) offsets(%dma_start3A_344 : memref<128xi32, #tpu.memory_space<vmem>>) semaphore(%arg18 : memref<!tpu.dma_semaphore, #tpu.memory_space<semaphore_mem>>) {add = true}
      %dma_wait3A_348 = arith.constant 1 : i32
      %dma_wait3A_349 = arith.constant 0 : i32
      %dma_wait3A_350 = arith.constant 0 : i32
      %dma_wait3A_351 = arith.constant 0 : i32
      %dma_wait3A_352 = arith.constant 0 : i32
      %dma_wait3A_353 = tpu.memref_slice %arg11[%dma_wait3A_348, %dma_wait3A_351, %dma_wait3A_352] : memref<2x128x128xf32, #tpu.memory_space<vmem>> -> memref<1x128x128xf32, #tpu.memory_space<vmem>>
      %dma_wait3A_354 = tpu.memref_squeeze %dma_wait3A_353 : memref<1x128x128xf32, #tpu.memory_space<vmem>> -> memref<128x128xf32, #tpu.memory_space<vmem>>
      %dma_wait3A_355 = arith.constant 0 : i32
      %dma_wait3A_356 = tpu.memref_slice %arg10[%dma_wait3A_349, %dma_wait3A_350, %dma_wait3A_355] : memref<2x8x128xi32, #tpu.memory_space<vmem>> -> memref<1x1x128xi32, #tpu.memory_space<vmem>>
      %dma_wait3A_357 = tpu.memref_squeeze %dma_wait3A_356 : memref<1x1x128xi32, #tpu.memory_space<vmem>> -> memref<128xi32, #tpu.memory_space<vmem>>
      %dma_wait3A_358 = arith.constant 0 : i32
      %dma_wait3A_359 = arith.constant 0 : i32
      %dma_wait3A_360 = tpu.memref_slice %arg13[%dma_wait3A_358, %dma_wait3A_359] : memref<10112x128xf32, #tpu.memory_space<vmem_shared>> -> memref<10112x128xf32, #tpu.memory_space<vmem_shared>>
      tpu.wait_indirect_dma semaphore(%arg18 : memref<!tpu.dma_semaphore, #tpu.memory_space<semaphore_mem>>) src(%dma_wait3A_354 : memref<128x128xf32, #tpu.memory_space<vmem>>) dst(%dma_wait3A_360 : memref<10112x128xf32, #tpu.memory_space<vmem_shared>>)
      %mul3A_361 = arith.constant 1024 : i32
      %mul3A_362 = arith.muli %rem3A_35, %mul3A_361 : i32
      %add3A_363 = arith.constant 896 : i32
      %add3A_364 = arith.addi %mul3A_362, %add3A_363 : i32
      %multiple_of3A_365 = tpu.assume_multiple %add3A_364, 8 : i32
      %dma_start3A_366 = arith.constant 1 : i32
      %dma_start3A_367 = arith.constant 0 : i32
      %dma_start3A_368 = arith.constant 0 : i32
      %dma_start3A_369 = tpu.memref_slice %arg11[%dma_start3A_366, %dma_start3A_367, %dma_start3A_368] : memref<2x128x128xf32, #tpu.memory_space<vmem>> -> memref<1x128x128xf32, #tpu.memory_space<vmem>>
      %dma_start3A_370 = tpu.memref_squeeze %dma_start3A_369 : memref<1x128x128xf32, #tpu.memory_space<vmem>> -> memref<128x128xf32, #tpu.memory_space<vmem>>
      %dma_start3A_371 = tpu.memref_slice %arg9[%multiple_of3A_365] : memref<2048xi32, #tpu.memory_space<vmem>> -> memref<128xi32, #tpu.memory_space<vmem>>
      %dma_start3A_372 = arith.constant 0 : i32
      %dma_start3A_373 = arith.constant 0 : i32
      %dma_start3A_374 = tpu.memref_slice %arg2[%dma_start3A_372, %dma_start3A_373] : memref<10000x128xf32, #tpu.memory_space<hbm>> -> memref<10000x128xf32, #tpu.memory_space<hbm>>
      tpu.enqueue_indirect_dma source(%dma_start3A_374 : memref<10000x128xf32, #tpu.memory_space<hbm>>) target(%dma_start3A_370 : memref<128x128xf32, #tpu.memory_space<vmem>>) offsets(%dma_start3A_371 : memref<128xi32, #tpu.memory_space<vmem>>) semaphore(%arg16 : memref<!tpu.dma_semaphore, #tpu.memory_space<semaphore_mem>>)
      %mul3A_375 = arith.constant 1024 : i32
      %mul3A_376 = arith.muli %rem3A_35, %mul3A_375 : i32
      %add3A_377 = arith.constant 768 : i32
      %add3A_378 = arith.addi %mul3A_376, %add3A_377 : i32
      %multiple_of3A_379 = tpu.assume_multiple %add3A_378, 8 : i32
      %dma_wait3A_380 = arith.constant 0 : i32
      %dma_wait3A_381 = arith.constant 0 : i32
      %dma_wait3A_382 = arith.constant 0 : i32
      %dma_wait3A_383 = tpu.memref_slice %arg11[%dma_wait3A_380, %dma_wait3A_381, %dma_wait3A_382] : memref<2x128x128xf32, #tpu.memory_space<vmem>> -> memref<1x128x128xf32, #tpu.memory_space<vmem>>
      %dma_wait3A_384 = tpu.memref_squeeze %dma_wait3A_383 : memref<1x128x128xf32, #tpu.memory_space<vmem>> -> memref<128x128xf32, #tpu.memory_space<vmem>>
      %dma_wait3A_385 = tpu.memref_slice %arg9[%multiple_of3A_379] : memref<2048xi32, #tpu.memory_space<vmem>> -> memref<128xi32, #tpu.memory_space<vmem>>
      %dma_wait3A_386 = arith.constant 0 : i32
      %dma_wait3A_387 = arith.constant 0 : i32
      %dma_wait3A_388 = tpu.memref_slice %arg2[%dma_wait3A_386, %dma_wait3A_387] : memref<10000x128xf32, #tpu.memory_space<hbm>> -> memref<10000x128xf32, #tpu.memory_space<hbm>>
      tpu.wait_indirect_dma semaphore(%arg15 : memref<!tpu.dma_semaphore, #tpu.memory_space<semaphore_mem>>) src(%dma_wait3A_388 : memref<10000x128xf32, #tpu.memory_space<hbm>>) dst(%dma_wait3A_384 : memref<128x128xf32, #tpu.memory_space<vmem>>)
      %dma_start3A_389 = arith.constant 0 : i32
      %dma_start3A_390 = arith.constant 6 : i32
      %dma_start3A_391 = arith.constant 0 : i32
      %dma_start3A_392 = arith.constant 0 : i32
      %dma_start3A_393 = tpu.memref_slice %arg11[%dma_start3A_389, %dma_start3A_391, %dma_start3A_392] : memref<2x128x128xf32, #tpu.memory_space<vmem>> -> memref<1x128x128xf32, #tpu.memory_space<vmem>>
      %dma_start3A_394 = tpu.memref_squeeze %dma_start3A_393 : memref<1x128x128xf32, #tpu.memory_space<vmem>> -> memref<128x128xf32, #tpu.memory_space<vmem>>
      %dma_start3A_395 = arith.constant 0 : i32
      %dma_start3A_396 = tpu.memref_slice %arg10[%rem3A_35, %dma_start3A_390, %dma_start3A_395] : memref<2x8x128xi32, #tpu.memory_space<vmem>> -> memref<1x1x128xi32, #tpu.memory_space<vmem>>
      %dma_start3A_397 = tpu.memref_squeeze %dma_start3A_396 : memref<1x1x128xi32, #tpu.memory_space<vmem>> -> memref<128xi32, #tpu.memory_space<vmem>>
      %dma_start3A_398 = arith.constant 0 : i32
      %dma_start3A_399 = arith.constant 0 : i32
      %dma_start3A_400 = tpu.memref_slice %arg13[%dma_start3A_398, %dma_start3A_399] : memref<10112x128xf32, #tpu.memory_space<vmem_shared>> -> memref<10112x128xf32, #tpu.memory_space<vmem_shared>>
      tpu.enqueue_indirect_dma source(%dma_start3A_394 : memref<128x128xf32, #tpu.memory_space<vmem>>) target(%dma_start3A_400 : memref<10112x128xf32, #tpu.memory_space<vmem_shared>>) offsets(%dma_start3A_397 : memref<128xi32, #tpu.memory_space<vmem>>) semaphore(%arg17 : memref<!tpu.dma_semaphore, #tpu.memory_space<semaphore_mem>>) {add = true}
      %dma_wait3A_401 = arith.constant 0 : i32
      %dma_wait3A_402 = arith.constant 0 : i32
      %dma_wait3A_403 = arith.constant 0 : i32
      %dma_wait3A_404 = arith.constant 0 : i32
      %dma_wait3A_405 = arith.constant 0 : i32
      %dma_wait3A_406 = tpu.memref_slice %arg11[%dma_wait3A_401, %dma_wait3A_404, %dma_wait3A_405] : memref<2x128x128xf32, #tpu.memory_space<vmem>> -> memref<1x128x128xf32, #tpu.memory_space<vmem>>
      %dma_wait3A_407 = tpu.memref_squeeze %dma_wait3A_406 : memref<1x128x128xf32, #tpu.memory_space<vmem>> -> memref<128x128xf32, #tpu.memory_space<vmem>>
      %dma_wait3A_408 = arith.constant 0 : i32
      %dma_wait3A_409 = tpu.memref_slice %arg10[%dma_wait3A_402, %dma_wait3A_403, %dma_wait3A_408] : memref<2x8x128xi32, #tpu.memory_space<vmem>> -> memref<1x1x128xi32, #tpu.memory_space<vmem>>
      %dma_wait3A_410 = tpu.memref_squeeze %dma_wait3A_409 : memref<1x1x128xi32, #tpu.memory_space<vmem>> -> memref<128xi32, #tpu.memory_space<vmem>>
      %dma_wait3A_411 = arith.constant 0 : i32
      %dma_wait3A_412 = arith.constant 0 : i32
      %dma_wait3A_413 = tpu.memref_slice %arg13[%dma_wait3A_411, %dma_wait3A_412] : memref<10112x128xf32, #tpu.memory_space<vmem_shared>> -> memref<10112x128xf32, #tpu.memory_space<vmem_shared>>
      tpu.wait_indirect_dma semaphore(%arg17 : memref<!tpu.dma_semaphore, #tpu.memory_space<semaphore_mem>>) src(%dma_wait3A_407 : memref<128x128xf32, #tpu.memory_space<vmem>>) dst(%dma_wait3A_413 : memref<10112x128xf32, #tpu.memory_space<vmem_shared>>)
      %lt3A_414 = arith.constant 9 : i32
      %lt3A_415 = arith.cmpi slt, %scan3A_34, %lt3A_414 : i32
      %convert_element_type3A_416 = arith.extui %lt3A_415 : i1 to i32
      %cond3A_417 = arith.constant 0 : i32
      %cond3A_418 = arith.cmpi ne, %convert_element_type3A_416, %cond3A_417 : i32
      scf.if %cond3A_418 {
        %add3A_445 = arith.constant 1 : i32
        %add3A_446 = arith.addi %scan3A_34, %add3A_445 : i32
        %mul3A_447 = arith.constant 8 : i32
        %mul3A_448 = arith.muli %add3A_446, %mul3A_447 : i32
        %mul3A_449 = arith.constant 128 : i32
        %mul3A_450 = arith.muli %mul3A_448, %mul3A_449 : i32
        %multiple_of3A_451 = tpu.assume_multiple %mul3A_450, 8 : i32
        %mul3A_452 = arith.constant 1024 : i32
        %mul3A_453 = arith.muli %sub3A_36, %mul3A_452 : i32
        %dma_wait3A_454 = tpu.memref_slice %arg9[%mul3A_453] : memref<2048xi32, #tpu.memory_space<vmem>> -> memref<1024xi32, #tpu.memory_space<vmem>>
        %dma_wait3A_455 = tpu.memref_slice %arg3[%add3A, %multiple_of3A_451] : memref<32x10240xi32, #tpu.memory_space<hbm>> -> memref<1x1024xi32, #tpu.memory_space<hbm>>
        %dma_wait3A_456 = tpu.memref_squeeze %dma_wait3A_455 : memref<1x1024xi32, #tpu.memory_space<hbm>> -> memref<1024xi32, #tpu.memory_space<hbm>>
        %dma_wait3A_457 = tpu.memref_slice %arg9[%mul3A_453] : memref<2048xi32, #tpu.memory_space<vmem>> -> memref<1024xi32, #tpu.memory_space<vmem>>
        %dma_wait3A_458 = tpu.memref_slice %arg3[%add3A, %multiple_of3A_451] : memref<32x10240xi32, #tpu.memory_space<hbm>> -> memref<1x1024xi32, #tpu.memory_space<hbm>>
        %dma_wait3A_459 = tpu.memref_squeeze %dma_wait3A_458 : memref<1x1024xi32, #tpu.memory_space<hbm>> -> memref<1024xi32, #tpu.memory_space<hbm>>
        tpu.wait_dma2 semaphore(%arg19 : memref<!tpu.dma_semaphore, #tpu.memory_space<semaphore_mem>>) src(%dma_wait3A_459 : memref<1024xi32, #tpu.memory_space<hbm>>) dst(%dma_wait3A_457 : memref<1024xi32, #tpu.memory_space<vmem>>)
        %add3A_460 = arith.constant 1 : i32
        %add3A_461 = arith.addi %scan3A_34, %add3A_460 : i32
        %dma_wait3A_462 = arith.constant 0 : i32
        %dma_wait3A_463 = arith.constant 0 : i32
        %dma_wait3A_464 = tpu.memref_slice %arg10[%sub3A_36, %dma_wait3A_462, %dma_wait3A_463] : memref<2x8x128xi32, #tpu.memory_space<vmem>> -> memref<1x8x128xi32, #tpu.memory_space<vmem>>
        %dma_wait3A_465 = tpu.memref_squeeze %dma_wait3A_464 : memref<1x8x128xi32, #tpu.memory_space<vmem>> -> memref<8x128xi32, #tpu.memory_space<vmem>>
        %dma_wait3A_466 = arith.constant 0 : i32
        %dma_wait3A_467 = arith.constant 0 : i32
        %dma_wait3A_468 = tpu.memref_slice %arg4[%add3A, %add3A_461, %dma_wait3A_466, %dma_wait3A_467] : memref<32x10x8x128xi32, #tpu.memory_space<hbm>> -> memref<1x1x8x128xi32, #tpu.memory_space<hbm>>
        %dma_wait3A_469 = tpu.memref_squeeze %dma_wait3A_468 : memref<1x1x8x128xi32, #tpu.memory_space<hbm>> -> memref<8x128xi32, #tpu.memory_space<hbm>>
        %dma_wait3A_470 = arith.constant 0 : i32
        %dma_wait3A_471 = arith.constant 0 : i32
        %dma_wait3A_472 = tpu.memref_slice %arg10[%sub3A_36, %dma_wait3A_470, %dma_wait3A_471] : memref<2x8x128xi32, #tpu.memory_space<vmem>> -> memref<1x8x128xi32, #tpu.memory_space<vmem>>
        %dma_wait3A_473 = tpu.memref_squeeze %dma_wait3A_472 : memref<1x8x128xi32, #tpu.memory_space<vmem>> -> memref<8x128xi32, #tpu.memory_space<vmem>>
        %dma_wait3A_474 = arith.constant 0 : i32
        %dma_wait3A_475 = arith.constant 0 : i32
        %dma_wait3A_476 = tpu.memref_slice %arg4[%add3A, %add3A_461, %dma_wait3A_474, %dma_wait3A_475] : memref<32x10x8x128xi32, #tpu.memory_space<hbm>> -> memref<1x1x8x128xi32, #tpu.memory_space<hbm>>
        %dma_wait3A_477 = tpu.memref_squeeze %dma_wait3A_476 : memref<1x1x8x128xi32, #tpu.memory_space<hbm>> -> memref<8x128xi32, #tpu.memory_space<hbm>>
        tpu.wait_dma2 semaphore(%arg19 : memref<!tpu.dma_semaphore, #tpu.memory_space<semaphore_mem>>) src(%dma_wait3A_477 : memref<8x128xi32, #tpu.memory_space<hbm>>) dst(%dma_wait3A_473 : memref<8x128xi32, #tpu.memory_space<vmem>>)
        %mul3A_478 = arith.constant 1024 : i32
        %mul3A_479 = arith.muli %sub3A_36, %mul3A_478 : i32
        %add3A_480 = arith.constant 0 : i32
        %add3A_481 = arith.addi %mul3A_479, %add3A_480 : i32
        %multiple_of3A_482 = tpu.assume_multiple %add3A_481, 8 : i32
        %dma_start3A_483 = arith.constant 0 : i32
        %dma_start3A_484 = arith.constant 0 : i32
        %dma_start3A_485 = arith.constant 0 : i32
        %dma_start3A_486 = tpu.memref_slice %arg11[%dma_start3A_483, %dma_start3A_484, %dma_start3A_485] : memref<2x128x128xf32, #tpu.memory_space<vmem>> -> memref<1x128x128xf32, #tpu.memory_space<vmem>>
        %dma_start3A_487 = tpu.memref_squeeze %dma_start3A_486 : memref<1x128x128xf32, #tpu.memory_space<vmem>> -> memref<128x128xf32, #tpu.memory_space<vmem>>
        %dma_start3A_488 = tpu.memref_slice %arg9[%multiple_of3A_482] : memref<2048xi32, #tpu.memory_space<vmem>> -> memref<128xi32, #tpu.memory_space<vmem>>
        %dma_start3A_489 = arith.constant 0 : i32
        %dma_start3A_490 = arith.constant 0 : i32
        %dma_start3A_491 = tpu.memref_slice %arg2[%dma_start3A_489, %dma_start3A_490] : memref<10000x128xf32, #tpu.memory_space<hbm>> -> memref<10000x128xf32, #tpu.memory_space<hbm>>
        tpu.enqueue_indirect_dma source(%dma_start3A_491 : memref<10000x128xf32, #tpu.memory_space<hbm>>) target(%dma_start3A_487 : memref<128x128xf32, #tpu.memory_space<vmem>>) offsets(%dma_start3A_488 : memref<128xi32, #tpu.memory_space<vmem>>) semaphore(%arg15 : memref<!tpu.dma_semaphore, #tpu.memory_space<semaphore_mem>>)
      } else {
      }
      %mul3A_419 = arith.constant 1024 : i32
      %mul3A_420 = arith.muli %rem3A_35, %mul3A_419 : i32
      %add3A_421 = arith.constant 896 : i32
      %add3A_422 = arith.addi %mul3A_420, %add3A_421 : i32
      %multiple_of3A_423 = tpu.assume_multiple %add3A_422, 8 : i32
      %dma_wait3A_424 = arith.constant 1 : i32
      %dma_wait3A_425 = arith.constant 0 : i32
      %dma_wait3A_426 = arith.constant 0 : i32
      %dma_wait3A_427 = tpu.memref_slice %arg11[%dma_wait3A_424, %dma_wait3A_425, %dma_wait3A_426] : memref<2x128x128xf32, #tpu.memory_space<vmem>> -> memref<1x128x128xf32, #tpu.memory_space<vmem>>
      %dma_wait3A_428 = tpu.memref_squeeze %dma_wait3A_427 : memref<1x128x128xf32, #tpu.memory_space<vmem>> -> memref<128x128xf32, #tpu.memory_space<vmem>>
      %dma_wait3A_429 = tpu.memref_slice %arg9[%multiple_of3A_423] : memref<2048xi32, #tpu.memory_space<vmem>> -> memref<128xi32, #tpu.memory_space<vmem>>
      %dma_wait3A_430 = arith.constant 0 : i32
      %dma_wait3A_431 = arith.constant 0 : i32
      %dma_wait3A_432 = tpu.memref_slice %arg2[%dma_wait3A_430, %dma_wait3A_431] : memref<10000x128xf32, #tpu.memory_space<hbm>> -> memref<10000x128xf32, #tpu.memory_space<hbm>>
      tpu.wait_indirect_dma semaphore(%arg16 : memref<!tpu.dma_semaphore, #tpu.memory_space<semaphore_mem>>) src(%dma_wait3A_432 : memref<10000x128xf32, #tpu.memory_space<hbm>>) dst(%dma_wait3A_428 : memref<128x128xf32, #tpu.memory_space<vmem>>)
      %dma_start3A_433 = arith.constant 1 : i32
      %dma_start3A_434 = arith.constant 7 : i32
      %dma_start3A_435 = arith.constant 0 : i32
      %dma_start3A_436 = arith.constant 0 : i32
      %dma_start3A_437 = tpu.memref_slice %arg11[%dma_start3A_433, %dma_start3A_435, %dma_start3A_436] : memref<2x128x128xf32, #tpu.memory_space<vmem>> -> memref<1x128x128xf32, #tpu.memory_space<vmem>>
      %dma_start3A_438 = tpu.memref_squeeze %dma_start3A_437 : memref<1x128x128xf32, #tpu.memory_space<vmem>> -> memref<128x128xf32, #tpu.memory_space<vmem>>
      %dma_start3A_439 = arith.constant 0 : i32
      %dma_start3A_440 = tpu.memref_slice %arg10[%rem3A_35, %dma_start3A_434, %dma_start3A_439] : memref<2x8x128xi32, #tpu.memory_space<vmem>> -> memref<1x1x128xi32, #tpu.memory_space<vmem>>
      %dma_start3A_441 = tpu.memref_squeeze %dma_start3A_440 : memref<1x1x128xi32, #tpu.memory_space<vmem>> -> memref<128xi32, #tpu.memory_space<vmem>>
      %dma_start3A_442 = arith.constant 0 : i32
      %dma_start3A_443 = arith.constant 0 : i32
      %dma_start3A_444 = tpu.memref_slice %arg13[%dma_start3A_442, %dma_start3A_443] : memref<10112x128xf32, #tpu.memory_space<vmem_shared>> -> memref<10112x128xf32, #tpu.memory_space<vmem_shared>>
      tpu.enqueue_indirect_dma source(%dma_start3A_438 : memref<128x128xf32, #tpu.memory_space<vmem>>) target(%dma_start3A_444 : memref<10112x128xf32, #tpu.memory_space<vmem_shared>>) offsets(%dma_start3A_441 : memref<128xi32, #tpu.memory_space<vmem>>) semaphore(%arg18 : memref<!tpu.dma_semaphore, #tpu.memory_space<semaphore_mem>>) {add = true}
    }
    %scan3A_17 = arith.constant 10 : i32
    %dma_wait3A = arith.constant 1 : i32
    %dma_wait3A_18 = arith.constant 0 : i32
    %dma_wait3A_19 = arith.constant 0 : i32
    %dma_wait3A_20 = arith.constant 0 : i32
    %dma_wait3A_21 = arith.constant 0 : i32
    %dma_wait3A_22 = tpu.memref_slice %arg11[%dma_wait3A, %dma_wait3A_20, %dma_wait3A_21] : memref<2x128x128xf32, #tpu.memory_space<vmem>> -> memref<1x128x128xf32, #tpu.memory_space<vmem>>
    %dma_wait3A_23 = tpu.memref_squeeze %dma_wait3A_22 : memref<1x128x128xf32, #tpu.memory_space<vmem>> -> memref<128x128xf32, #tpu.memory_space<vmem>>
    %dma_wait3A_24 = arith.constant 0 : i32
    %dma_wait3A_25 = tpu.memref_slice %arg10[%dma_wait3A_18, %dma_wait3A_19, %dma_wait3A_24] : memref<2x8x128xi32, #tpu.memory_space<vmem>> -> memref<1x1x128xi32, #tpu.memory_space<vmem>>
    %dma_wait3A_26 = tpu.memref_squeeze %dma_wait3A_25 : memref<1x1x128xi32, #tpu.memory_space<vmem>> -> memref<128xi32, #tpu.memory_space<vmem>>
    %dma_wait3A_27 = arith.constant 0 : i32
    %dma_wait3A_28 = arith.constant 0 : i32
    %dma_wait3A_29 = tpu.memref_slice %arg13[%dma_wait3A_27, %dma_wait3A_28] : memref<10112x128xf32, #tpu.memory_space<vmem_shared>> -> memref<10112x128xf32, #tpu.memory_space<vmem_shared>>
    tpu.wait_indirect_dma semaphore(%arg18 : memref<!tpu.dma_semaphore, #tpu.memory_space<semaphore_mem>>) src(%dma_wait3A_23 : memref<128x128xf32, #tpu.memory_space<vmem>>) dst(%dma_wait3A_29 : memref<10112x128xf32, #tpu.memory_space<vmem_shared>>)
    %barrier3A_30 = arith.constant 0 : index
    tpu.barrier barrier_id(%barrier3A_30)
    %mul3A_31 = arith.constant 10112 : i32
    %mul3A_32 = arith.muli %arg0, %mul3A_31 : i32
    %add3A_33 = arith.addi %mul3A_32, %mul3A_2 : i32
    "tpu.region"() ({
      %run_scoped3A_34 = tpu.sem_alloc : memref<!tpu.dma_semaphore, #tpu.memory_space<semaphore_mem>>
      %dma_start3A_35 = arith.constant 0 : i32
      %dma_start3A_36 = tpu.memref_slice %arg8[%add3A_33, %dma_start3A_35] : memref<20224x128xf32, #tpu.memory_space<hbm>> -> memref<632x128xf32, #tpu.memory_space<hbm>>
      %dma_start3A_37 = arith.constant 0 : i32
      %dma_start3A_38 = tpu.memref_slice %arg13[%mul3A_2, %dma_start3A_37] : memref<10112x128xf32, #tpu.memory_space<vmem_shared>> -> memref<632x128xf32, #tpu.memory_space<vmem_shared>>
      tpu.enqueue_dma source(%dma_start3A_38 : memref<632x128xf32, #tpu.memory_space<vmem_shared>>) target(%dma_start3A_36 : memref<632x128xf32, #tpu.memory_space<hbm>>) target_semaphore(%run_scoped3A_34 : memref<!tpu.dma_semaphore, #tpu.memory_space<semaphore_mem>>)
      %dma_wait3A_39 = arith.constant 0 : i32
      %dma_wait3A_40 = tpu.memref_slice %arg8[%add3A_33, %dma_wait3A_39] : memref<20224x128xf32, #tpu.memory_space<hbm>> -> memref<632x128xf32, #tpu.memory_space<hbm>>
      %dma_wait3A_41 = arith.constant 0 : i32
      %dma_wait3A_42 = tpu.memref_slice %arg13[%mul3A_2, %dma_wait3A_41] : memref<10112x128xf32, #tpu.memory_space<vmem_shared>> -> memref<632x128xf32, #tpu.memory_space<vmem_shared>>
      tpu.wait_dma2 semaphore(%run_scoped3A_34 : memref<!tpu.dma_semaphore, #tpu.memory_space<semaphore_mem>>) src(%dma_wait3A_42 : memref<632x128xf32, #tpu.memory_space<vmem_shared>>) dst(%dma_wait3A_40 : memref<632x128xf32, #tpu.memory_space<hbm>>)
      tpu.yield
    }) : () -> ()
    return
  }
}

#map = affine_map<(d0, d1) -> (0, 0)>
#map1 = affine_map<(d0, d1) -> (0, 0, 0, 0)>
#map2 = affine_map<(d0, d1) -> (0)>
module attributes {stable_mosaic.version = 14 : i64} {
  func.func @sc_gather_scatter_add(%arg0: i32, %arg1: i32, %arg2: memref<10000x128xf32, #tpu.memory_space<hbm>>, %arg3: memref<32x10240xi32, #tpu.memory_space<hbm>>, %arg4: memref<32x10x8x128xi32, #tpu.memory_space<hbm>>, %arg5: memref<632x128xf32, #tpu.memory_space<hbm>>, %arg6: memref<10112xf32, #tpu.memory_space<hbm>>, %arg7: memref<128xf32, #tpu.memory_space<hbm>>, %arg8: memref<20224x128xf32, #tpu.memory_space<hbm>>, %arg9: memref<20224xf32, #tpu.memory_space<hbm>>, %arg10: memref<2048xi32, #tpu.memory_space<vmem>>, %arg11: memref<2x8x128xi32, #tpu.memory_space<vmem>>, %arg12: memref<2x128x128xf32, #tpu.memory_space<vmem>>, %arg13: memref<128xf32, #tpu.memory_space<vmem>>, %arg14: memref<10112x128xf32, #tpu.memory_space<vmem_shared>>, %arg15: memref<10112xf32, #tpu.memory_space<vmem_shared>>, %arg16: memref<!tpu.dma_semaphore, #tpu.memory_space<semaphore_mem>>, %arg17: memref<!tpu.dma_semaphore, #tpu.memory_space<semaphore_mem>>, %arg18: memref<!tpu.dma_semaphore, #tpu.memory_space<semaphore_mem>>, %arg19: memref<!tpu.dma_semaphore, #tpu.memory_space<semaphore_mem>>, %arg20: memref<!tpu.dma_semaphore, #tpu.memory_space<semaphore_mem>>, %arg21: memref<!tpu.dma_semaphore, #tpu.memory_space<semaphore_mem>>) attributes {dimension_semantics = [#tpu.dimension_semantics<core_parallel>, #tpu.dimension_semantics<subcore_parallel>], iteration_bounds = array<i64: 2, 16>, scalar_prefetch = 0 : i64, scratch_operands = 12 : i64, tpu.core_type = #tpu.core_type<sc_vector_subcore>, window_params = [{transform_indices = #map}, {transform_indices = #map}, {transform_indices = #map1}, {transform_indices = #map}, {transform_indices = #map2}, {transform_indices = #map2}, {transform_indices = #map}, {transform_indices = #map2}]} {
    %mul3A = arith.constant 16 : i32
    %mul3A_0 = arith.muli %arg0, %mul3A : i32
    %add3A = arith.addi %mul3A_0, %arg1 : i32
    %mul3A_1 = arith.constant 632 : i32
    %mul3A_2 = arith.muli %arg1, %mul3A_1 : i32
    "tpu.region"() ({
      %run_scoped3A_48 = tpu.sem_alloc : memref<!tpu.dma_semaphore, #tpu.memory_space<semaphore_mem>>
      %dma_start3A_49 = arith.constant 0 : i32
      %dma_start3A_50 = tpu.memref_slice %arg14[%mul3A_2, %dma_start3A_49] : memref<10112x128xf32, #tpu.memory_space<vmem_shared>> -> memref<632x128xf32, #tpu.memory_space<vmem_shared>>
      tpu.enqueue_dma source(%arg5 : memref<632x128xf32, #tpu.memory_space<hbm>>) target(%dma_start3A_50 : memref<632x128xf32, #tpu.memory_space<vmem_shared>>) target_semaphore(%run_scoped3A_48 : memref<!tpu.dma_semaphore, #tpu.memory_space<semaphore_mem>>)
      %dma_wait3A_51 = arith.constant 0 : i32
      %dma_wait3A_52 = tpu.memref_slice %arg14[%mul3A_2, %dma_wait3A_51] : memref<10112x128xf32, #tpu.memory_space<vmem_shared>> -> memref<632x128xf32, #tpu.memory_space<vmem_shared>>
      tpu.wait_dma2 semaphore(%run_scoped3A_48 : memref<!tpu.dma_semaphore, #tpu.memory_space<semaphore_mem>>) src(%arg5 : memref<632x128xf32, #tpu.memory_space<hbm>>) dst(%dma_wait3A_52 : memref<632x128xf32, #tpu.memory_space<vmem_shared>>)
      tpu.yield
    }) : () -> ()
    "tpu.region"() ({
      %run_scoped3A_48 = tpu.sem_alloc : memref<!tpu.dma_semaphore, #tpu.memory_space<semaphore_mem>>
      %dma_start3A_49 = arith.constant 0 : i32
      %dma_start3A_50 = tpu.memref_slice %arg10[%dma_start3A_49] : memref<2048xi32, #tpu.memory_space<vmem>> -> memref<1024xi32, #tpu.memory_space<vmem>>
      %dma_start3A_51 = arith.constant 0 : i32
      %dma_start3A_52 = tpu.memref_slice %arg3[%add3A, %dma_start3A_51] : memref<32x10240xi32, #tpu.memory_space<hbm>> -> memref<1x1024xi32, #tpu.memory_space<hbm>>
      %dma_start3A_53 = tpu.memref_squeeze %dma_start3A_52 : memref<1x1024xi32, #tpu.memory_space<hbm>> -> memref<1024xi32, #tpu.memory_space<hbm>>
      %dma_start3A_54 = arith.constant 0 : i32
      %dma_start3A_55 = tpu.memref_slice %arg10[%dma_start3A_54] : memref<2048xi32, #tpu.memory_space<vmem>> -> memref<1024xi32, #tpu.memory_space<vmem>>
      %dma_start3A_56 = arith.constant 0 : i32
      %dma_start3A_57 = tpu.memref_slice %arg3[%add3A, %dma_start3A_56] : memref<32x10240xi32, #tpu.memory_space<hbm>> -> memref<1x1024xi32, #tpu.memory_space<hbm>>
      %dma_start3A_58 = tpu.memref_squeeze %dma_start3A_57 : memref<1x1024xi32, #tpu.memory_space<hbm>> -> memref<1024xi32, #tpu.memory_space<hbm>>
      tpu.enqueue_dma source(%dma_start3A_58 : memref<1024xi32, #tpu.memory_space<hbm>>) target(%dma_start3A_55 : memref<1024xi32, #tpu.memory_space<vmem>>) target_semaphore(%run_scoped3A_48 : memref<!tpu.dma_semaphore, #tpu.memory_space<semaphore_mem>>)
      %dma_wait3A_59 = arith.constant 0 : i32
      %dma_wait3A_60 = tpu.memref_slice %arg10[%dma_wait3A_59] : memref<2048xi32, #tpu.memory_space<vmem>> -> memref<1024xi32, #tpu.memory_space<vmem>>
      %dma_wait3A_61 = arith.constant 0 : i32
      %dma_wait3A_62 = tpu.memref_slice %arg3[%add3A, %dma_wait3A_61] : memref<32x10240xi32, #tpu.memory_space<hbm>> -> memref<1x1024xi32, #tpu.memory_space<hbm>>
      %dma_wait3A_63 = tpu.memref_squeeze %dma_wait3A_62 : memref<1x1024xi32, #tpu.memory_space<hbm>> -> memref<1024xi32, #tpu.memory_space<hbm>>
      %dma_wait3A_64 = arith.constant 0 : i32
      %dma_wait3A_65 = tpu.memref_slice %arg10[%dma_wait3A_64] : memref<2048xi32, #tpu.memory_space<vmem>> -> memref<1024xi32, #tpu.memory_space<vmem>>
      %dma_wait3A_66 = arith.constant 0 : i32
      %dma_wait3A_67 = tpu.memref_slice %arg3[%add3A, %dma_wait3A_66] : memref<32x10240xi32, #tpu.memory_space<hbm>> -> memref<1x1024xi32, #tpu.memory_space<hbm>>
      %dma_wait3A_68 = tpu.memref_squeeze %dma_wait3A_67 : memref<1x1024xi32, #tpu.memory_space<hbm>> -> memref<1024xi32, #tpu.memory_space<hbm>>
      tpu.wait_dma2 semaphore(%run_scoped3A_48 : memref<!tpu.dma_semaphore, #tpu.memory_space<semaphore_mem>>) src(%dma_wait3A_68 : memref<1024xi32, #tpu.memory_space<hbm>>) dst(%dma_wait3A_65 : memref<1024xi32, #tpu.memory_space<vmem>>)
      tpu.yield
    }) : () -> ()
    %run_scoped3A = arith.constant 0 : i32
    %run_scoped3A_3 = arith.constant 0 : i32
    "tpu.region"() ({
      %run_scoped3A_48 = tpu.sem_alloc : memref<!tpu.dma_semaphore, #tpu.memory_space<semaphore_mem>>
      %dma_start3A_49 = arith.constant 0 : i32
      %dma_start3A_50 = arith.constant 0 : i32
      %dma_start3A_51 = tpu.memref_slice %arg11[%run_scoped3A_3, %dma_start3A_49, %dma_start3A_50] : memref<2x8x128xi32, #tpu.memory_space<vmem>> -> memref<1x8x128xi32, #tpu.memory_space<vmem>>
      %dma_start3A_52 = tpu.memref_squeeze %dma_start3A_51 : memref<1x8x128xi32, #tpu.memory_space<vmem>> -> memref<8x128xi32, #tpu.memory_space<vmem>>
      %dma_start3A_53 = arith.constant 0 : i32
      %dma_start3A_54 = arith.constant 0 : i32
      %dma_start3A_55 = tpu.memref_slice %arg4[%add3A, %run_scoped3A, %dma_start3A_53, %dma_start3A_54] : memref<32x10x8x128xi32, #tpu.memory_space<hbm>> -> memref<1x1x8x128xi32, #tpu.memory_space<hbm>>
      %dma_start3A_56 = tpu.memref_squeeze %dma_start3A_55 : memref<1x1x8x128xi32, #tpu.memory_space<hbm>> -> memref<8x128xi32, #tpu.memory_space<hbm>>
      %dma_start3A_57 = arith.constant 0 : i32
      %dma_start3A_58 = arith.constant 0 : i32
      %dma_start3A_59 = tpu.memref_slice %arg11[%run_scoped3A_3, %dma_start3A_57, %dma_start3A_58] : memref<2x8x128xi32, #tpu.memory_space<vmem>> -> memref<1x8x128xi32, #tpu.memory_space<vmem>>
      %dma_start3A_60 = tpu.memref_squeeze %dma_start3A_59 : memref<1x8x128xi32, #tpu.memory_space<vmem>> -> memref<8x128xi32, #tpu.memory_space<vmem>>
      %dma_start3A_61 = arith.constant 0 : i32
      %dma_start3A_62 = arith.constant 0 : i32
      %dma_start3A_63 = tpu.memref_slice %arg4[%add3A, %run_scoped3A, %dma_start3A_61, %dma_start3A_62] : memref<32x10x8x128xi32, #tpu.memory_space<hbm>> -> memref<1x1x8x128xi32, #tpu.memory_space<hbm>>
      %dma_start3A_64 = tpu.memref_squeeze %dma_start3A_63 : memref<1x1x8x128xi32, #tpu.memory_space<hbm>> -> memref<8x128xi32, #tpu.memory_space<hbm>>
      tpu.enqueue_dma source(%dma_start3A_64 : memref<8x128xi32, #tpu.memory_space<hbm>>) target(%dma_start3A_60 : memref<8x128xi32, #tpu.memory_space<vmem>>) target_semaphore(%run_scoped3A_48 : memref<!tpu.dma_semaphore, #tpu.memory_space<semaphore_mem>>)
      %dma_wait3A_65 = arith.constant 0 : i32
      %dma_wait3A_66 = arith.constant 0 : i32
      %dma_wait3A_67 = tpu.memref_slice %arg11[%run_scoped3A_3, %dma_wait3A_65, %dma_wait3A_66] : memref<2x8x128xi32, #tpu.memory_space<vmem>> -> memref<1x8x128xi32, #tpu.memory_space<vmem>>
      %dma_wait3A_68 = tpu.memref_squeeze %dma_wait3A_67 : memref<1x8x128xi32, #tpu.memory_space<vmem>> -> memref<8x128xi32, #tpu.memory_space<vmem>>
      %dma_wait3A_69 = arith.constant 0 : i32
      %dma_wait3A_70 = arith.constant 0 : i32
      %dma_wait3A_71 = tpu.memref_slice %arg4[%add3A, %run_scoped3A, %dma_wait3A_69, %dma_wait3A_70] : memref<32x10x8x128xi32, #tpu.memory_space<hbm>> -> memref<1x1x8x128xi32, #tpu.memory_space<hbm>>
      %dma_wait3A_72 = tpu.memref_squeeze %dma_wait3A_71 : memref<1x1x8x128xi32, #tpu.memory_space<hbm>> -> memref<8x128xi32, #tpu.memory_space<hbm>>
      %dma_wait3A_73 = arith.constant 0 : i32
      %dma_wait3A_74 = arith.constant 0 : i32
      %dma_wait3A_75 = tpu.memref_slice %arg11[%run_scoped3A_3, %dma_wait3A_73, %dma_wait3A_74] : memref<2x8x128xi32, #tpu.memory_space<vmem>> -> memref<1x8x128xi32, #tpu.memory_space<vmem>>
      %dma_wait3A_76 = tpu.memref_squeeze %dma_wait3A_75 : memref<1x8x128xi32, #tpu.memory_space<vmem>> -> memref<8x128xi32, #tpu.memory_space<vmem>>
      %dma_wait3A_77 = arith.constant 0 : i32
      %dma_wait3A_78 = arith.constant 0 : i32
      %dma_wait3A_79 = tpu.memref_slice %arg4[%add3A, %run_scoped3A, %dma_wait3A_77, %dma_wait3A_78] : memref<32x10x8x128xi32, #tpu.memory_space<hbm>> -> memref<1x1x8x128xi32, #tpu.memory_space<hbm>>
      %dma_wait3A_80 = tpu.memref_squeeze %dma_wait3A_79 : memref<1x1x8x128xi32, #tpu.memory_space<hbm>> -> memref<8x128xi32, #tpu.memory_space<hbm>>
      tpu.wait_dma2 semaphore(%run_scoped3A_48 : memref<!tpu.dma_semaphore, #tpu.memory_space<semaphore_mem>>) src(%dma_wait3A_80 : memref<8x128xi32, #tpu.memory_space<hbm>>) dst(%dma_wait3A_76 : memref<8x128xi32, #tpu.memory_space<vmem>>)
      tpu.yield
    }) : () -> ()
    %eq3A = arith.constant 0 : i32
    %eq3A_4 = arith.cmpi eq, %arg1, %eq3A : i32
    %convert_element_type3A = arith.extui %eq3A_4 : i1 to i32
    %cond3A = arith.constant 0 : i32
    %cond3A_5 = arith.cmpi ne, %convert_element_type3A, %cond3A : i32
    scf.if %cond3A_5 {
      "tpu.region"() ({
        %run_scoped3A_48 = tpu.sem_alloc : memref<!tpu.dma_semaphore, #tpu.memory_space<semaphore_mem>>
        tpu.enqueue_dma source(%arg6 : memref<10112xf32, #tpu.memory_space<hbm>>) target(%arg15 : memref<10112xf32, #tpu.memory_space<vmem_shared>>) target_semaphore(%run_scoped3A_48 : memref<!tpu.dma_semaphore, #tpu.memory_space<semaphore_mem>>)
        tpu.wait_dma2 semaphore(%run_scoped3A_48 : memref<!tpu.dma_semaphore, #tpu.memory_space<semaphore_mem>>) src(%arg6 : memref<10112xf32, #tpu.memory_space<hbm>>) dst(%arg15 : memref<10112xf32, #tpu.memory_space<vmem_shared>>)
        tpu.yield
      }) : () -> ()
    } else {
    }
    "tpu.region"() ({
      %run_scoped3A_48 = tpu.sem_alloc : memref<!tpu.dma_semaphore, #tpu.memory_space<semaphore_mem>>
      tpu.enqueue_dma source(%arg7 : memref<128xf32, #tpu.memory_space<hbm>>) target(%arg13 : memref<128xf32, #tpu.memory_space<vmem>>) target_semaphore(%run_scoped3A_48 : memref<!tpu.dma_semaphore, #tpu.memory_space<semaphore_mem>>)
      tpu.wait_dma2 semaphore(%run_scoped3A_48 : memref<!tpu.dma_semaphore, #tpu.memory_space<semaphore_mem>>) src(%arg7 : memref<128xf32, #tpu.memory_space<hbm>>) dst(%arg13 : memref<128xf32, #tpu.memory_space<vmem>>)
      tpu.yield
    }) : () -> ()
    %barrier3A = arith.constant 0 : index
    tpu.barrier barrier_id(%barrier3A)
    %multiple_of3A = arith.constant 0 : i32
    %multiple_of3A_6 = tpu.assume_multiple %multiple_of3A, 8 : i32
    %dma_start3A = arith.constant 0 : i32
    %dma_start3A_7 = arith.constant 0 : i32
    %dma_start3A_8 = arith.constant 0 : i32
    %dma_start3A_9 = tpu.memref_slice %arg12[%dma_start3A, %dma_start3A_7, %dma_start3A_8] : memref<2x128x128xf32, #tpu.memory_space<vmem>> -> memref<1x128x128xf32, #tpu.memory_space<vmem>>
    %dma_start3A_10 = tpu.memref_squeeze %dma_start3A_9 : memref<1x128x128xf32, #tpu.memory_space<vmem>> -> memref<128x128xf32, #tpu.memory_space<vmem>>
    %dma_start3A_11 = tpu.memref_slice %arg10[%multiple_of3A_6] : memref<2048xi32, #tpu.memory_space<vmem>> -> memref<128xi32, #tpu.memory_space<vmem>>
    %dma_start3A_12 = arith.constant 0 : i32
    %dma_start3A_13 = arith.constant 0 : i32
    %dma_start3A_14 = tpu.memref_slice %arg2[%dma_start3A_12, %dma_start3A_13] : memref<10000x128xf32, #tpu.memory_space<hbm>> -> memref<10000x128xf32, #tpu.memory_space<hbm>>
    tpu.enqueue_indirect_dma source(%dma_start3A_14 : memref<10000x128xf32, #tpu.memory_space<hbm>>) target(%dma_start3A_10 : memref<128x128xf32, #tpu.memory_space<vmem>>) offsets(%dma_start3A_11 : memref<128xi32, #tpu.memory_space<vmem>>) semaphore(%arg16 : memref<!tpu.dma_semaphore, #tpu.memory_space<semaphore_mem>>)
    %scan3A = arith.constant 0 : i32
    %scan3A_15 = arith.constant 0 : i32
    %scan3A_16 = arith.constant 10 : i32
    %scan3A_17 = arith.addi %scan3A_15, %scan3A_16 : i32
    %scan3A_18 = arith.constant 1 : i32
    scf.for %scan3A_48 = %scan3A_15 to %scan3A_17 step %scan3A_18  : i32 {
      %rem3A = arith.constant 2 : i32
      %rem3A_49 = arith.remsi %scan3A_48, %rem3A : i32
      %sub3A = arith.constant 1 : i32
      %sub3A_50 = arith.subi %sub3A, %rem3A_49 : i32
      %lt3A = arith.constant 9 : i32
      %lt3A_51 = arith.cmpi slt, %scan3A_48, %lt3A : i32
      %convert_element_type3A_52 = arith.extui %lt3A_51 : i1 to i32
      %cond3A_53 = arith.constant 0 : i32
      %cond3A_54 = arith.cmpi ne, %convert_element_type3A_52, %cond3A_53 : i32
      scf.if %cond3A_54 {
        %add3A_563 = arith.constant 1 : i32
        %add3A_564 = arith.addi %scan3A_48, %add3A_563 : i32
        %mul3A_565 = arith.constant 8 : i32
        %mul3A_566 = arith.muli %add3A_564, %mul3A_565 : i32
        %mul3A_567 = arith.constant 128 : i32
        %mul3A_568 = arith.muli %mul3A_566, %mul3A_567 : i32
        %multiple_of3A_569 = tpu.assume_multiple %mul3A_568, 8 : i32
        %mul3A_570 = arith.constant 1024 : i32
        %mul3A_571 = arith.muli %sub3A_50, %mul3A_570 : i32
        %dma_start3A_572 = tpu.memref_slice %arg10[%mul3A_571] : memref<2048xi32, #tpu.memory_space<vmem>> -> memref<1024xi32, #tpu.memory_space<vmem>>
        %dma_start3A_573 = tpu.memref_slice %arg3[%add3A, %multiple_of3A_569] : memref<32x10240xi32, #tpu.memory_space<hbm>> -> memref<1x1024xi32, #tpu.memory_space<hbm>>
        %dma_start3A_574 = tpu.memref_squeeze %dma_start3A_573 : memref<1x1024xi32, #tpu.memory_space<hbm>> -> memref<1024xi32, #tpu.memory_space<hbm>>
        %dma_start3A_575 = tpu.memref_slice %arg10[%mul3A_571] : memref<2048xi32, #tpu.memory_space<vmem>> -> memref<1024xi32, #tpu.memory_space<vmem>>
        %dma_start3A_576 = tpu.memref_slice %arg3[%add3A, %multiple_of3A_569] : memref<32x10240xi32, #tpu.memory_space<hbm>> -> memref<1x1024xi32, #tpu.memory_space<hbm>>
        %dma_start3A_577 = tpu.memref_squeeze %dma_start3A_576 : memref<1x1024xi32, #tpu.memory_space<hbm>> -> memref<1024xi32, #tpu.memory_space<hbm>>
        tpu.enqueue_dma source(%dma_start3A_577 : memref<1024xi32, #tpu.memory_space<hbm>>) target(%dma_start3A_575 : memref<1024xi32, #tpu.memory_space<vmem>>) target_semaphore(%arg20 : memref<!tpu.dma_semaphore, #tpu.memory_space<semaphore_mem>>)
        %add3A_578 = arith.constant 1 : i32
        %add3A_579 = arith.addi %scan3A_48, %add3A_578 : i32
        %dma_start3A_580 = arith.constant 0 : i32
        %dma_start3A_581 = arith.constant 0 : i32
        %dma_start3A_582 = tpu.memref_slice %arg11[%sub3A_50, %dma_start3A_580, %dma_start3A_581] : memref<2x8x128xi32, #tpu.memory_space<vmem>> -> memref<1x8x128xi32, #tpu.memory_space<vmem>>
        %dma_start3A_583 = tpu.memref_squeeze %dma_start3A_582 : memref<1x8x128xi32, #tpu.memory_space<vmem>> -> memref<8x128xi32, #tpu.memory_space<vmem>>
        %dma_start3A_584 = arith.constant 0 : i32
        %dma_start3A_585 = arith.constant 0 : i32
        %dma_start3A_586 = tpu.memref_slice %arg4[%add3A, %add3A_579, %dma_start3A_584, %dma_start3A_585] : memref<32x10x8x128xi32, #tpu.memory_space<hbm>> -> memref<1x1x8x128xi32, #tpu.memory_space<hbm>>
        %dma_start3A_587 = tpu.memref_squeeze %dma_start3A_586 : memref<1x1x8x128xi32, #tpu.memory_space<hbm>> -> memref<8x128xi32, #tpu.memory_space<hbm>>
        %dma_start3A_588 = arith.constant 0 : i32
        %dma_start3A_589 = arith.constant 0 : i32
        %dma_start3A_590 = tpu.memref_slice %arg11[%sub3A_50, %dma_start3A_588, %dma_start3A_589] : memref<2x8x128xi32, #tpu.memory_space<vmem>> -> memref<1x8x128xi32, #tpu.memory_space<vmem>>
        %dma_start3A_591 = tpu.memref_squeeze %dma_start3A_590 : memref<1x8x128xi32, #tpu.memory_space<vmem>> -> memref<8x128xi32, #tpu.memory_space<vmem>>
        %dma_start3A_592 = arith.constant 0 : i32
        %dma_start3A_593 = arith.constant 0 : i32
        %dma_start3A_594 = tpu.memref_slice %arg4[%add3A, %add3A_579, %dma_start3A_592, %dma_start3A_593] : memref<32x10x8x128xi32, #tpu.memory_space<hbm>> -> memref<1x1x8x128xi32, #tpu.memory_space<hbm>>
        %dma_start3A_595 = tpu.memref_squeeze %dma_start3A_594 : memref<1x1x8x128xi32, #tpu.memory_space<hbm>> -> memref<8x128xi32, #tpu.memory_space<hbm>>
        tpu.enqueue_dma source(%dma_start3A_595 : memref<8x128xi32, #tpu.memory_space<hbm>>) target(%dma_start3A_591 : memref<8x128xi32, #tpu.memory_space<vmem>>) target_semaphore(%arg20 : memref<!tpu.dma_semaphore, #tpu.memory_space<semaphore_mem>>)
      } else {
      }
      %gt3A = arith.constant 0 : i32
      %gt3A_55 = arith.cmpi sgt, %scan3A_48, %gt3A : i32
      %convert_element_type3A_56 = arith.extui %gt3A_55 : i1 to i32
      %cond3A_57 = arith.constant 0 : i32
      %cond3A_58 = arith.cmpi ne, %convert_element_type3A_56, %cond3A_57 : i32
      scf.if %cond3A_58 {
        %dma_wait3A_563 = arith.constant 1 : i32
        %dma_wait3A_564 = arith.constant 0 : i32
        %dma_wait3A_565 = arith.constant 0 : i32
        %dma_wait3A_566 = arith.constant 0 : i32
        %dma_wait3A_567 = arith.constant 0 : i32
        %dma_wait3A_568 = tpu.memref_slice %arg12[%dma_wait3A_563, %dma_wait3A_566, %dma_wait3A_567] : memref<2x128x128xf32, #tpu.memory_space<vmem>> -> memref<1x128x128xf32, #tpu.memory_space<vmem>>
        %dma_wait3A_569 = tpu.memref_squeeze %dma_wait3A_568 : memref<1x128x128xf32, #tpu.memory_space<vmem>> -> memref<128x128xf32, #tpu.memory_space<vmem>>
        %dma_wait3A_570 = arith.constant 0 : i32
        %dma_wait3A_571 = tpu.memref_slice %arg11[%dma_wait3A_564, %dma_wait3A_565, %dma_wait3A_570] : memref<2x8x128xi32, #tpu.memory_space<vmem>> -> memref<1x1x128xi32, #tpu.memory_space<vmem>>
        %dma_wait3A_572 = tpu.memref_squeeze %dma_wait3A_571 : memref<1x1x128xi32, #tpu.memory_space<vmem>> -> memref<128xi32, #tpu.memory_space<vmem>>
        %dma_wait3A_573 = arith.constant 0 : i32
        %dma_wait3A_574 = arith.constant 0 : i32
        %dma_wait3A_575 = tpu.memref_slice %arg14[%dma_wait3A_573, %dma_wait3A_574] : memref<10112x128xf32, #tpu.memory_space<vmem_shared>> -> memref<10112x128xf32, #tpu.memory_space<vmem_shared>>
        tpu.wait_indirect_dma semaphore(%arg19 : memref<!tpu.dma_semaphore, #tpu.memory_space<semaphore_mem>>) src(%dma_wait3A_569 : memref<128x128xf32, #tpu.memory_space<vmem>>) dst(%dma_wait3A_575 : memref<10112x128xf32, #tpu.memory_space<vmem_shared>>)
      } else {
      }
      %mul3A_59 = arith.constant 1024 : i32
      %mul3A_60 = arith.muli %rem3A_49, %mul3A_59 : i32
      %add3A_61 = arith.constant 128 : i32
      %add3A_62 = arith.addi %mul3A_60, %add3A_61 : i32
      %multiple_of3A_63 = tpu.assume_multiple %add3A_62, 8 : i32
      %dma_start3A_64 = arith.constant 1 : i32
      %dma_start3A_65 = arith.constant 0 : i32
      %dma_start3A_66 = arith.constant 0 : i32
      %dma_start3A_67 = tpu.memref_slice %arg12[%dma_start3A_64, %dma_start3A_65, %dma_start3A_66] : memref<2x128x128xf32, #tpu.memory_space<vmem>> -> memref<1x128x128xf32, #tpu.memory_space<vmem>>
      %dma_start3A_68 = tpu.memref_squeeze %dma_start3A_67 : memref<1x128x128xf32, #tpu.memory_space<vmem>> -> memref<128x128xf32, #tpu.memory_space<vmem>>
      %dma_start3A_69 = tpu.memref_slice %arg10[%multiple_of3A_63] : memref<2048xi32, #tpu.memory_space<vmem>> -> memref<128xi32, #tpu.memory_space<vmem>>
      %dma_start3A_70 = arith.constant 0 : i32
      %dma_start3A_71 = arith.constant 0 : i32
      %dma_start3A_72 = tpu.memref_slice %arg2[%dma_start3A_70, %dma_start3A_71] : memref<10000x128xf32, #tpu.memory_space<hbm>> -> memref<10000x128xf32, #tpu.memory_space<hbm>>
      tpu.enqueue_indirect_dma source(%dma_start3A_72 : memref<10000x128xf32, #tpu.memory_space<hbm>>) target(%dma_start3A_68 : memref<128x128xf32, #tpu.memory_space<vmem>>) offsets(%dma_start3A_69 : memref<128xi32, #tpu.memory_space<vmem>>) semaphore(%arg17 : memref<!tpu.dma_semaphore, #tpu.memory_space<semaphore_mem>>)
      %mul3A_73 = arith.constant 1024 : i32
      %mul3A_74 = arith.muli %rem3A_49, %mul3A_73 : i32
      %add3A_75 = arith.constant 0 : i32
      %add3A_76 = arith.addi %mul3A_74, %add3A_75 : i32
      %multiple_of3A_77 = tpu.assume_multiple %add3A_76, 8 : i32
      %dma_wait3A_78 = arith.constant 0 : i32
      %dma_wait3A_79 = arith.constant 0 : i32
      %dma_wait3A_80 = arith.constant 0 : i32
      %dma_wait3A_81 = tpu.memref_slice %arg12[%dma_wait3A_78, %dma_wait3A_79, %dma_wait3A_80] : memref<2x128x128xf32, #tpu.memory_space<vmem>> -> memref<1x128x128xf32, #tpu.memory_space<vmem>>
      %dma_wait3A_82 = tpu.memref_squeeze %dma_wait3A_81 : memref<1x128x128xf32, #tpu.memory_space<vmem>> -> memref<128x128xf32, #tpu.memory_space<vmem>>
      %dma_wait3A_83 = tpu.memref_slice %arg10[%multiple_of3A_77] : memref<2048xi32, #tpu.memory_space<vmem>> -> memref<128xi32, #tpu.memory_space<vmem>>
      %dma_wait3A_84 = arith.constant 0 : i32
      %dma_wait3A_85 = arith.constant 0 : i32
      %dma_wait3A_86 = tpu.memref_slice %arg2[%dma_wait3A_84, %dma_wait3A_85] : memref<10000x128xf32, #tpu.memory_space<hbm>> -> memref<10000x128xf32, #tpu.memory_space<hbm>>
      tpu.wait_indirect_dma semaphore(%arg16 : memref<!tpu.dma_semaphore, #tpu.memory_space<semaphore_mem>>) src(%dma_wait3A_86 : memref<10000x128xf32, #tpu.memory_space<hbm>>) dst(%dma_wait3A_82 : memref<128x128xf32, #tpu.memory_space<vmem>>)
      %dma_start3A_87 = arith.constant 0 : i32
      %dma_start3A_88 = arith.constant 0 : i32
      %dma_start3A_89 = arith.constant 0 : i32
      %dma_start3A_90 = arith.constant 0 : i32
      %dma_start3A_91 = tpu.memref_slice %arg12[%dma_start3A_87, %dma_start3A_89, %dma_start3A_90] : memref<2x128x128xf32, #tpu.memory_space<vmem>> -> memref<1x128x128xf32, #tpu.memory_space<vmem>>
      %dma_start3A_92 = tpu.memref_squeeze %dma_start3A_91 : memref<1x128x128xf32, #tpu.memory_space<vmem>> -> memref<128x128xf32, #tpu.memory_space<vmem>>
      %dma_start3A_93 = arith.constant 0 : i32
      %dma_start3A_94 = tpu.memref_slice %arg11[%rem3A_49, %dma_start3A_88, %dma_start3A_93] : memref<2x8x128xi32, #tpu.memory_space<vmem>> -> memref<1x1x128xi32, #tpu.memory_space<vmem>>
      %dma_start3A_95 = tpu.memref_squeeze %dma_start3A_94 : memref<1x1x128xi32, #tpu.memory_space<vmem>> -> memref<128xi32, #tpu.memory_space<vmem>>
      %dma_start3A_96 = arith.constant 0 : i32
      %dma_start3A_97 = arith.constant 0 : i32
      %dma_start3A_98 = tpu.memref_slice %arg14[%dma_start3A_96, %dma_start3A_97] : memref<10112x128xf32, #tpu.memory_space<vmem_shared>> -> memref<10112x128xf32, #tpu.memory_space<vmem_shared>>
      tpu.enqueue_indirect_dma source(%dma_start3A_92 : memref<128x128xf32, #tpu.memory_space<vmem>>) target(%dma_start3A_98 : memref<10112x128xf32, #tpu.memory_space<vmem_shared>>) offsets(%dma_start3A_95 : memref<128xi32, #tpu.memory_space<vmem>>) semaphore(%arg18 : memref<!tpu.dma_semaphore, #tpu.memory_space<semaphore_mem>>) {add = true}
      %gt3A_99 = arith.constant 0 : i32
      %gt3A_100 = arith.cmpi sgt, %scan3A_48, %gt3A_99 : i32
      %convert_element_type3A_101 = arith.extui %gt3A_100 : i1 to i32
      %cond3A_102 = arith.constant 0 : i32
      %cond3A_103 = arith.cmpi ne, %convert_element_type3A_101, %cond3A_102 : i32
      scf.if %cond3A_103 {
        %dma_wait3A_563 = arith.constant 0 : i32
        %dma_wait3A_564 = arith.constant 0 : i32
        %dma_wait3A_565 = arith.constant 0 : i32
        %dma_wait3A_566 = tpu.memref_slice %arg11[%dma_wait3A_563, %dma_wait3A_564, %dma_wait3A_565] : memref<2x8x128xi32, #tpu.memory_space<vmem>> -> memref<1x1x128xi32, #tpu.memory_space<vmem>>
        %dma_wait3A_567 = tpu.memref_squeeze %dma_wait3A_566 : memref<1x1x128xi32, #tpu.memory_space<vmem>> -> memref<128xi32, #tpu.memory_space<vmem>>
        %dma_wait3A_568 = arith.constant 0 : i32
        %dma_wait3A_569 = tpu.memref_slice %arg15[%dma_wait3A_568] : memref<10112xf32, #tpu.memory_space<vmem_shared>> -> memref<10112xf32, #tpu.memory_space<vmem_shared>>
        tpu.wait_indirect_dma semaphore(%arg21 : memref<!tpu.dma_semaphore, #tpu.memory_space<semaphore_mem>>) src(%arg13 : memref<128xf32, #tpu.memory_space<vmem>>) dst(%dma_wait3A_569 : memref<10112xf32, #tpu.memory_space<vmem_shared>>)
      } else {
      }
      %dma_start3A_104 = arith.constant 0 : i32
      %dma_start3A_105 = arith.constant 0 : i32
      %dma_start3A_106 = tpu.memref_slice %arg11[%rem3A_49, %dma_start3A_104, %dma_start3A_105] : memref<2x8x128xi32, #tpu.memory_space<vmem>> -> memref<1x1x128xi32, #tpu.memory_space<vmem>>
      %dma_start3A_107 = tpu.memref_squeeze %dma_start3A_106 : memref<1x1x128xi32, #tpu.memory_space<vmem>> -> memref<128xi32, #tpu.memory_space<vmem>>
      %dma_start3A_108 = arith.constant 0 : i32
      %dma_start3A_109 = tpu.memref_slice %arg15[%dma_start3A_108] : memref<10112xf32, #tpu.memory_space<vmem_shared>> -> memref<10112xf32, #tpu.memory_space<vmem_shared>>
      tpu.enqueue_indirect_dma source(%arg13 : memref<128xf32, #tpu.memory_space<vmem>>) target(%dma_start3A_109 : memref<10112xf32, #tpu.memory_space<vmem_shared>>) offsets(%dma_start3A_107 : memref<128xi32, #tpu.memory_space<vmem>>) semaphore(%arg21 : memref<!tpu.dma_semaphore, #tpu.memory_space<semaphore_mem>>) {add = true}
      %dma_wait3A_110 = arith.constant 0 : i32
      %dma_wait3A_111 = arith.constant 0 : i32
      %dma_wait3A_112 = arith.constant 0 : i32
      %dma_wait3A_113 = arith.constant 0 : i32
      %dma_wait3A_114 = arith.constant 0 : i32
      %dma_wait3A_115 = tpu.memref_slice %arg12[%dma_wait3A_110, %dma_wait3A_113, %dma_wait3A_114] : memref<2x128x128xf32, #tpu.memory_space<vmem>> -> memref<1x128x128xf32, #tpu.memory_space<vmem>>
      %dma_wait3A_116 = tpu.memref_squeeze %dma_wait3A_115 : memref<1x128x128xf32, #tpu.memory_space<vmem>> -> memref<128x128xf32, #tpu.memory_space<vmem>>
      %dma_wait3A_117 = arith.constant 0 : i32
      %dma_wait3A_118 = tpu.memref_slice %arg11[%dma_wait3A_111, %dma_wait3A_112, %dma_wait3A_117] : memref<2x8x128xi32, #tpu.memory_space<vmem>> -> memref<1x1x128xi32, #tpu.memory_space<vmem>>
      %dma_wait3A_119 = tpu.memref_squeeze %dma_wait3A_118 : memref<1x1x128xi32, #tpu.memory_space<vmem>> -> memref<128xi32, #tpu.memory_space<vmem>>
      %dma_wait3A_120 = arith.constant 0 : i32
      %dma_wait3A_121 = arith.constant 0 : i32
      %dma_wait3A_122 = tpu.memref_slice %arg14[%dma_wait3A_120, %dma_wait3A_121] : memref<10112x128xf32, #tpu.memory_space<vmem_shared>> -> memref<10112x128xf32, #tpu.memory_space<vmem_shared>>
      tpu.wait_indirect_dma semaphore(%arg18 : memref<!tpu.dma_semaphore, #tpu.memory_space<semaphore_mem>>) src(%dma_wait3A_116 : memref<128x128xf32, #tpu.memory_space<vmem>>) dst(%dma_wait3A_122 : memref<10112x128xf32, #tpu.memory_space<vmem_shared>>)
      %mul3A_123 = arith.constant 1024 : i32
      %mul3A_124 = arith.muli %rem3A_49, %mul3A_123 : i32
      %add3A_125 = arith.constant 256 : i32
      %add3A_126 = arith.addi %mul3A_124, %add3A_125 : i32
      %multiple_of3A_127 = tpu.assume_multiple %add3A_126, 8 : i32
      %dma_start3A_128 = arith.constant 0 : i32
      %dma_start3A_129 = arith.constant 0 : i32
      %dma_start3A_130 = arith.constant 0 : i32
      %dma_start3A_131 = tpu.memref_slice %arg12[%dma_start3A_128, %dma_start3A_129, %dma_start3A_130] : memref<2x128x128xf32, #tpu.memory_space<vmem>> -> memref<1x128x128xf32, #tpu.memory_space<vmem>>
      %dma_start3A_132 = tpu.memref_squeeze %dma_start3A_131 : memref<1x128x128xf32, #tpu.memory_space<vmem>> -> memref<128x128xf32, #tpu.memory_space<vmem>>
      %dma_start3A_133 = tpu.memref_slice %arg10[%multiple_of3A_127] : memref<2048xi32, #tpu.memory_space<vmem>> -> memref<128xi32, #tpu.memory_space<vmem>>
      %dma_start3A_134 = arith.constant 0 : i32
      %dma_start3A_135 = arith.constant 0 : i32
      %dma_start3A_136 = tpu.memref_slice %arg2[%dma_start3A_134, %dma_start3A_135] : memref<10000x128xf32, #tpu.memory_space<hbm>> -> memref<10000x128xf32, #tpu.memory_space<hbm>>
      tpu.enqueue_indirect_dma source(%dma_start3A_136 : memref<10000x128xf32, #tpu.memory_space<hbm>>) target(%dma_start3A_132 : memref<128x128xf32, #tpu.memory_space<vmem>>) offsets(%dma_start3A_133 : memref<128xi32, #tpu.memory_space<vmem>>) semaphore(%arg16 : memref<!tpu.dma_semaphore, #tpu.memory_space<semaphore_mem>>)
      %mul3A_137 = arith.constant 1024 : i32
      %mul3A_138 = arith.muli %rem3A_49, %mul3A_137 : i32
      %add3A_139 = arith.constant 128 : i32
      %add3A_140 = arith.addi %mul3A_138, %add3A_139 : i32
      %multiple_of3A_141 = tpu.assume_multiple %add3A_140, 8 : i32
      %dma_wait3A_142 = arith.constant 1 : i32
      %dma_wait3A_143 = arith.constant 0 : i32
      %dma_wait3A_144 = arith.constant 0 : i32
      %dma_wait3A_145 = tpu.memref_slice %arg12[%dma_wait3A_142, %dma_wait3A_143, %dma_wait3A_144] : memref<2x128x128xf32, #tpu.memory_space<vmem>> -> memref<1x128x128xf32, #tpu.memory_space<vmem>>
      %dma_wait3A_146 = tpu.memref_squeeze %dma_wait3A_145 : memref<1x128x128xf32, #tpu.memory_space<vmem>> -> memref<128x128xf32, #tpu.memory_space<vmem>>
      %dma_wait3A_147 = tpu.memref_slice %arg10[%multiple_of3A_141] : memref<2048xi32, #tpu.memory_space<vmem>> -> memref<128xi32, #tpu.memory_space<vmem>>
      %dma_wait3A_148 = arith.constant 0 : i32
      %dma_wait3A_149 = arith.constant 0 : i32
      %dma_wait3A_150 = tpu.memref_slice %arg2[%dma_wait3A_148, %dma_wait3A_149] : memref<10000x128xf32, #tpu.memory_space<hbm>> -> memref<10000x128xf32, #tpu.memory_space<hbm>>
      tpu.wait_indirect_dma semaphore(%arg17 : memref<!tpu.dma_semaphore, #tpu.memory_space<semaphore_mem>>) src(%dma_wait3A_150 : memref<10000x128xf32, #tpu.memory_space<hbm>>) dst(%dma_wait3A_146 : memref<128x128xf32, #tpu.memory_space<vmem>>)
      %dma_start3A_151 = arith.constant 1 : i32
      %dma_start3A_152 = arith.constant 1 : i32
      %dma_start3A_153 = arith.constant 0 : i32
      %dma_start3A_154 = arith.constant 0 : i32
      %dma_start3A_155 = tpu.memref_slice %arg12[%dma_start3A_151, %dma_start3A_153, %dma_start3A_154] : memref<2x128x128xf32, #tpu.memory_space<vmem>> -> memref<1x128x128xf32, #tpu.memory_space<vmem>>
      %dma_start3A_156 = tpu.memref_squeeze %dma_start3A_155 : memref<1x128x128xf32, #tpu.memory_space<vmem>> -> memref<128x128xf32, #tpu.memory_space<vmem>>
      %dma_start3A_157 = arith.constant 0 : i32
      %dma_start3A_158 = tpu.memref_slice %arg11[%rem3A_49, %dma_start3A_152, %dma_start3A_157] : memref<2x8x128xi32, #tpu.memory_space<vmem>> -> memref<1x1x128xi32, #tpu.memory_space<vmem>>
      %dma_start3A_159 = tpu.memref_squeeze %dma_start3A_158 : memref<1x1x128xi32, #tpu.memory_space<vmem>> -> memref<128xi32, #tpu.memory_space<vmem>>
      %dma_start3A_160 = arith.constant 0 : i32
      %dma_start3A_161 = arith.constant 0 : i32
      %dma_start3A_162 = tpu.memref_slice %arg14[%dma_start3A_160, %dma_start3A_161] : memref<10112x128xf32, #tpu.memory_space<vmem_shared>> -> memref<10112x128xf32, #tpu.memory_space<vmem_shared>>
      tpu.enqueue_indirect_dma source(%dma_start3A_156 : memref<128x128xf32, #tpu.memory_space<vmem>>) target(%dma_start3A_162 : memref<10112x128xf32, #tpu.memory_space<vmem_shared>>) offsets(%dma_start3A_159 : memref<128xi32, #tpu.memory_space<vmem>>) semaphore(%arg19 : memref<!tpu.dma_semaphore, #tpu.memory_space<semaphore_mem>>) {add = true}
      %dma_wait3A_163 = arith.constant 0 : i32
      %dma_wait3A_164 = arith.constant 0 : i32
      %dma_wait3A_165 = arith.constant 0 : i32
      %dma_wait3A_166 = tpu.memref_slice %arg11[%dma_wait3A_163, %dma_wait3A_164, %dma_wait3A_165] : memref<2x8x128xi32, #tpu.memory_space<vmem>> -> memref<1x1x128xi32, #tpu.memory_space<vmem>>
      %dma_wait3A_167 = tpu.memref_squeeze %dma_wait3A_166 : memref<1x1x128xi32, #tpu.memory_space<vmem>> -> memref<128xi32, #tpu.memory_space<vmem>>
      %dma_wait3A_168 = arith.constant 0 : i32
      %dma_wait3A_169 = tpu.memref_slice %arg15[%dma_wait3A_168] : memref<10112xf32, #tpu.memory_space<vmem_shared>> -> memref<10112xf32, #tpu.memory_space<vmem_shared>>
      tpu.wait_indirect_dma semaphore(%arg21 : memref<!tpu.dma_semaphore, #tpu.memory_space<semaphore_mem>>) src(%arg13 : memref<128xf32, #tpu.memory_space<vmem>>) dst(%dma_wait3A_169 : memref<10112xf32, #tpu.memory_space<vmem_shared>>)
      %dma_start3A_170 = arith.constant 1 : i32
      %dma_start3A_171 = arith.constant 0 : i32
      %dma_start3A_172 = tpu.memref_slice %arg11[%rem3A_49, %dma_start3A_170, %dma_start3A_171] : memref<2x8x128xi32, #tpu.memory_space<vmem>> -> memref<1x1x128xi32, #tpu.memory_space<vmem>>
      %dma_start3A_173 = tpu.memref_squeeze %dma_start3A_172 : memref<1x1x128xi32, #tpu.memory_space<vmem>> -> memref<128xi32, #tpu.memory_space<vmem>>
      %dma_start3A_174 = arith.constant 0 : i32
      %dma_start3A_175 = tpu.memref_slice %arg15[%dma_start3A_174] : memref<10112xf32, #tpu.memory_space<vmem_shared>> -> memref<10112xf32, #tpu.memory_space<vmem_shared>>
      tpu.enqueue_indirect_dma source(%arg13 : memref<128xf32, #tpu.memory_space<vmem>>) target(%dma_start3A_175 : memref<10112xf32, #tpu.memory_space<vmem_shared>>) offsets(%dma_start3A_173 : memref<128xi32, #tpu.memory_space<vmem>>) semaphore(%arg21 : memref<!tpu.dma_semaphore, #tpu.memory_space<semaphore_mem>>) {add = true}
      %dma_wait3A_176 = arith.constant 1 : i32
      %dma_wait3A_177 = arith.constant 0 : i32
      %dma_wait3A_178 = arith.constant 0 : i32
      %dma_wait3A_179 = arith.constant 0 : i32
      %dma_wait3A_180 = arith.constant 0 : i32
      %dma_wait3A_181 = tpu.memref_slice %arg12[%dma_wait3A_176, %dma_wait3A_179, %dma_wait3A_180] : memref<2x128x128xf32, #tpu.memory_space<vmem>> -> memref<1x128x128xf32, #tpu.memory_space<vmem>>
      %dma_wait3A_182 = tpu.memref_squeeze %dma_wait3A_181 : memref<1x128x128xf32, #tpu.memory_space<vmem>> -> memref<128x128xf32, #tpu.memory_space<vmem>>
      %dma_wait3A_183 = arith.constant 0 : i32
      %dma_wait3A_184 = tpu.memref_slice %arg11[%dma_wait3A_177, %dma_wait3A_178, %dma_wait3A_183] : memref<2x8x128xi32, #tpu.memory_space<vmem>> -> memref<1x1x128xi32, #tpu.memory_space<vmem>>
      %dma_wait3A_185 = tpu.memref_squeeze %dma_wait3A_184 : memref<1x1x128xi32, #tpu.memory_space<vmem>> -> memref<128xi32, #tpu.memory_space<vmem>>
      %dma_wait3A_186 = arith.constant 0 : i32
      %dma_wait3A_187 = arith.constant 0 : i32
      %dma_wait3A_188 = tpu.memref_slice %arg14[%dma_wait3A_186, %dma_wait3A_187] : memref<10112x128xf32, #tpu.memory_space<vmem_shared>> -> memref<10112x128xf32, #tpu.memory_space<vmem_shared>>
      tpu.wait_indirect_dma semaphore(%arg19 : memref<!tpu.dma_semaphore, #tpu.memory_space<semaphore_mem>>) src(%dma_wait3A_182 : memref<128x128xf32, #tpu.memory_space<vmem>>) dst(%dma_wait3A_188 : memref<10112x128xf32, #tpu.memory_space<vmem_shared>>)
      %mul3A_189 = arith.constant 1024 : i32
      %mul3A_190 = arith.muli %rem3A_49, %mul3A_189 : i32
      %add3A_191 = arith.constant 384 : i32
      %add3A_192 = arith.addi %mul3A_190, %add3A_191 : i32
      %multiple_of3A_193 = tpu.assume_multiple %add3A_192, 8 : i32
      %dma_start3A_194 = arith.constant 1 : i32
      %dma_start3A_195 = arith.constant 0 : i32
      %dma_start3A_196 = arith.constant 0 : i32
      %dma_start3A_197 = tpu.memref_slice %arg12[%dma_start3A_194, %dma_start3A_195, %dma_start3A_196] : memref<2x128x128xf32, #tpu.memory_space<vmem>> -> memref<1x128x128xf32, #tpu.memory_space<vmem>>
      %dma_start3A_198 = tpu.memref_squeeze %dma_start3A_197 : memref<1x128x128xf32, #tpu.memory_space<vmem>> -> memref<128x128xf32, #tpu.memory_space<vmem>>
      %dma_start3A_199 = tpu.memref_slice %arg10[%multiple_of3A_193] : memref<2048xi32, #tpu.memory_space<vmem>> -> memref<128xi32, #tpu.memory_space<vmem>>
      %dma_start3A_200 = arith.constant 0 : i32
      %dma_start3A_201 = arith.constant 0 : i32
      %dma_start3A_202 = tpu.memref_slice %arg2[%dma_start3A_200, %dma_start3A_201] : memref<10000x128xf32, #tpu.memory_space<hbm>> -> memref<10000x128xf32, #tpu.memory_space<hbm>>
      tpu.enqueue_indirect_dma source(%dma_start3A_202 : memref<10000x128xf32, #tpu.memory_space<hbm>>) target(%dma_start3A_198 : memref<128x128xf32, #tpu.memory_space<vmem>>) offsets(%dma_start3A_199 : memref<128xi32, #tpu.memory_space<vmem>>) semaphore(%arg17 : memref<!tpu.dma_semaphore, #tpu.memory_space<semaphore_mem>>)
      %mul3A_203 = arith.constant 1024 : i32
      %mul3A_204 = arith.muli %rem3A_49, %mul3A_203 : i32
      %add3A_205 = arith.constant 256 : i32
      %add3A_206 = arith.addi %mul3A_204, %add3A_205 : i32
      %multiple_of3A_207 = tpu.assume_multiple %add3A_206, 8 : i32
      %dma_wait3A_208 = arith.constant 0 : i32
      %dma_wait3A_209 = arith.constant 0 : i32
      %dma_wait3A_210 = arith.constant 0 : i32
      %dma_wait3A_211 = tpu.memref_slice %arg12[%dma_wait3A_208, %dma_wait3A_209, %dma_wait3A_210] : memref<2x128x128xf32, #tpu.memory_space<vmem>> -> memref<1x128x128xf32, #tpu.memory_space<vmem>>
      %dma_wait3A_212 = tpu.memref_squeeze %dma_wait3A_211 : memref<1x128x128xf32, #tpu.memory_space<vmem>> -> memref<128x128xf32, #tpu.memory_space<vmem>>
      %dma_wait3A_213 = tpu.memref_slice %arg10[%multiple_of3A_207] : memref<2048xi32, #tpu.memory_space<vmem>> -> memref<128xi32, #tpu.memory_space<vmem>>
      %dma_wait3A_214 = arith.constant 0 : i32
      %dma_wait3A_215 = arith.constant 0 : i32
      %dma_wait3A_216 = tpu.memref_slice %arg2[%dma_wait3A_214, %dma_wait3A_215] : memref<10000x128xf32, #tpu.memory_space<hbm>> -> memref<10000x128xf32, #tpu.memory_space<hbm>>
      tpu.wait_indirect_dma semaphore(%arg16 : memref<!tpu.dma_semaphore, #tpu.memory_space<semaphore_mem>>) src(%dma_wait3A_216 : memref<10000x128xf32, #tpu.memory_space<hbm>>) dst(%dma_wait3A_212 : memref<128x128xf32, #tpu.memory_space<vmem>>)
      %dma_start3A_217 = arith.constant 0 : i32
      %dma_start3A_218 = arith.constant 2 : i32
      %dma_start3A_219 = arith.constant 0 : i32
      %dma_start3A_220 = arith.constant 0 : i32
      %dma_start3A_221 = tpu.memref_slice %arg12[%dma_start3A_217, %dma_start3A_219, %dma_start3A_220] : memref<2x128x128xf32, #tpu.memory_space<vmem>> -> memref<1x128x128xf32, #tpu.memory_space<vmem>>
      %dma_start3A_222 = tpu.memref_squeeze %dma_start3A_221 : memref<1x128x128xf32, #tpu.memory_space<vmem>> -> memref<128x128xf32, #tpu.memory_space<vmem>>
      %dma_start3A_223 = arith.constant 0 : i32
      %dma_start3A_224 = tpu.memref_slice %arg11[%rem3A_49, %dma_start3A_218, %dma_start3A_223] : memref<2x8x128xi32, #tpu.memory_space<vmem>> -> memref<1x1x128xi32, #tpu.memory_space<vmem>>
      %dma_start3A_225 = tpu.memref_squeeze %dma_start3A_224 : memref<1x1x128xi32, #tpu.memory_space<vmem>> -> memref<128xi32, #tpu.memory_space<vmem>>
      %dma_start3A_226 = arith.constant 0 : i32
      %dma_start3A_227 = arith.constant 0 : i32
      %dma_start3A_228 = tpu.memref_slice %arg14[%dma_start3A_226, %dma_start3A_227] : memref<10112x128xf32, #tpu.memory_space<vmem_shared>> -> memref<10112x128xf32, #tpu.memory_space<vmem_shared>>
      tpu.enqueue_indirect_dma source(%dma_start3A_222 : memref<128x128xf32, #tpu.memory_space<vmem>>) target(%dma_start3A_228 : memref<10112x128xf32, #tpu.memory_space<vmem_shared>>) offsets(%dma_start3A_225 : memref<128xi32, #tpu.memory_space<vmem>>) semaphore(%arg18 : memref<!tpu.dma_semaphore, #tpu.memory_space<semaphore_mem>>) {add = true}
      %dma_wait3A_229 = arith.constant 0 : i32
      %dma_wait3A_230 = arith.constant 0 : i32
      %dma_wait3A_231 = arith.constant 0 : i32
      %dma_wait3A_232 = tpu.memref_slice %arg11[%dma_wait3A_229, %dma_wait3A_230, %dma_wait3A_231] : memref<2x8x128xi32, #tpu.memory_space<vmem>> -> memref<1x1x128xi32, #tpu.memory_space<vmem>>
      %dma_wait3A_233 = tpu.memref_squeeze %dma_wait3A_232 : memref<1x1x128xi32, #tpu.memory_space<vmem>> -> memref<128xi32, #tpu.memory_space<vmem>>
      %dma_wait3A_234 = arith.constant 0 : i32
      %dma_wait3A_235 = tpu.memref_slice %arg15[%dma_wait3A_234] : memref<10112xf32, #tpu.memory_space<vmem_shared>> -> memref<10112xf32, #tpu.memory_space<vmem_shared>>
      tpu.wait_indirect_dma semaphore(%arg21 : memref<!tpu.dma_semaphore, #tpu.memory_space<semaphore_mem>>) src(%arg13 : memref<128xf32, #tpu.memory_space<vmem>>) dst(%dma_wait3A_235 : memref<10112xf32, #tpu.memory_space<vmem_shared>>)
      %dma_start3A_236 = arith.constant 2 : i32
      %dma_start3A_237 = arith.constant 0 : i32
      %dma_start3A_238 = tpu.memref_slice %arg11[%rem3A_49, %dma_start3A_236, %dma_start3A_237] : memref<2x8x128xi32, #tpu.memory_space<vmem>> -> memref<1x1x128xi32, #tpu.memory_space<vmem>>
      %dma_start3A_239 = tpu.memref_squeeze %dma_start3A_238 : memref<1x1x128xi32, #tpu.memory_space<vmem>> -> memref<128xi32, #tpu.memory_space<vmem>>
      %dma_start3A_240 = arith.constant 0 : i32
      %dma_start3A_241 = tpu.memref_slice %arg15[%dma_start3A_240] : memref<10112xf32, #tpu.memory_space<vmem_shared>> -> memref<10112xf32, #tpu.memory_space<vmem_shared>>
      tpu.enqueue_indirect_dma source(%arg13 : memref<128xf32, #tpu.memory_space<vmem>>) target(%dma_start3A_241 : memref<10112xf32, #tpu.memory_space<vmem_shared>>) offsets(%dma_start3A_239 : memref<128xi32, #tpu.memory_space<vmem>>) semaphore(%arg21 : memref<!tpu.dma_semaphore, #tpu.memory_space<semaphore_mem>>) {add = true}
      %dma_wait3A_242 = arith.constant 0 : i32
      %dma_wait3A_243 = arith.constant 0 : i32
      %dma_wait3A_244 = arith.constant 0 : i32
      %dma_wait3A_245 = arith.constant 0 : i32
      %dma_wait3A_246 = arith.constant 0 : i32
      %dma_wait3A_247 = tpu.memref_slice %arg12[%dma_wait3A_242, %dma_wait3A_245, %dma_wait3A_246] : memref<2x128x128xf32, #tpu.memory_space<vmem>> -> memref<1x128x128xf32, #tpu.memory_space<vmem>>
      %dma_wait3A_248 = tpu.memref_squeeze %dma_wait3A_247 : memref<1x128x128xf32, #tpu.memory_space<vmem>> -> memref<128x128xf32, #tpu.memory_space<vmem>>
      %dma_wait3A_249 = arith.constant 0 : i32
      %dma_wait3A_250 = tpu.memref_slice %arg11[%dma_wait3A_243, %dma_wait3A_244, %dma_wait3A_249] : memref<2x8x128xi32, #tpu.memory_space<vmem>> -> memref<1x1x128xi32, #tpu.memory_space<vmem>>
      %dma_wait3A_251 = tpu.memref_squeeze %dma_wait3A_250 : memref<1x1x128xi32, #tpu.memory_space<vmem>> -> memref<128xi32, #tpu.memory_space<vmem>>
      %dma_wait3A_252 = arith.constant 0 : i32
      %dma_wait3A_253 = arith.constant 0 : i32
      %dma_wait3A_254 = tpu.memref_slice %arg14[%dma_wait3A_252, %dma_wait3A_253] : memref<10112x128xf32, #tpu.memory_space<vmem_shared>> -> memref<10112x128xf32, #tpu.memory_space<vmem_shared>>
      tpu.wait_indirect_dma semaphore(%arg18 : memref<!tpu.dma_semaphore, #tpu.memory_space<semaphore_mem>>) src(%dma_wait3A_248 : memref<128x128xf32, #tpu.memory_space<vmem>>) dst(%dma_wait3A_254 : memref<10112x128xf32, #tpu.memory_space<vmem_shared>>)
      %mul3A_255 = arith.constant 1024 : i32
      %mul3A_256 = arith.muli %rem3A_49, %mul3A_255 : i32
      %add3A_257 = arith.constant 512 : i32
      %add3A_258 = arith.addi %mul3A_256, %add3A_257 : i32
      %multiple_of3A_259 = tpu.assume_multiple %add3A_258, 8 : i32
      %dma_start3A_260 = arith.constant 0 : i32
      %dma_start3A_261 = arith.constant 0 : i32
      %dma_start3A_262 = arith.constant 0 : i32
      %dma_start3A_263 = tpu.memref_slice %arg12[%dma_start3A_260, %dma_start3A_261, %dma_start3A_262] : memref<2x128x128xf32, #tpu.memory_space<vmem>> -> memref<1x128x128xf32, #tpu.memory_space<vmem>>
      %dma_start3A_264 = tpu.memref_squeeze %dma_start3A_263 : memref<1x128x128xf32, #tpu.memory_space<vmem>> -> memref<128x128xf32, #tpu.memory_space<vmem>>
      %dma_start3A_265 = tpu.memref_slice %arg10[%multiple_of3A_259] : memref<2048xi32, #tpu.memory_space<vmem>> -> memref<128xi32, #tpu.memory_space<vmem>>
      %dma_start3A_266 = arith.constant 0 : i32
      %dma_start3A_267 = arith.constant 0 : i32
      %dma_start3A_268 = tpu.memref_slice %arg2[%dma_start3A_266, %dma_start3A_267] : memref<10000x128xf32, #tpu.memory_space<hbm>> -> memref<10000x128xf32, #tpu.memory_space<hbm>>
      tpu.enqueue_indirect_dma source(%dma_start3A_268 : memref<10000x128xf32, #tpu.memory_space<hbm>>) target(%dma_start3A_264 : memref<128x128xf32, #tpu.memory_space<vmem>>) offsets(%dma_start3A_265 : memref<128xi32, #tpu.memory_space<vmem>>) semaphore(%arg16 : memref<!tpu.dma_semaphore, #tpu.memory_space<semaphore_mem>>)
      %mul3A_269 = arith.constant 1024 : i32
      %mul3A_270 = arith.muli %rem3A_49, %mul3A_269 : i32
      %add3A_271 = arith.constant 384 : i32
      %add3A_272 = arith.addi %mul3A_270, %add3A_271 : i32
      %multiple_of3A_273 = tpu.assume_multiple %add3A_272, 8 : i32
      %dma_wait3A_274 = arith.constant 1 : i32
      %dma_wait3A_275 = arith.constant 0 : i32
      %dma_wait3A_276 = arith.constant 0 : i32
      %dma_wait3A_277 = tpu.memref_slice %arg12[%dma_wait3A_274, %dma_wait3A_275, %dma_wait3A_276] : memref<2x128x128xf32, #tpu.memory_space<vmem>> -> memref<1x128x128xf32, #tpu.memory_space<vmem>>
      %dma_wait3A_278 = tpu.memref_squeeze %dma_wait3A_277 : memref<1x128x128xf32, #tpu.memory_space<vmem>> -> memref<128x128xf32, #tpu.memory_space<vmem>>
      %dma_wait3A_279 = tpu.memref_slice %arg10[%multiple_of3A_273] : memref<2048xi32, #tpu.memory_space<vmem>> -> memref<128xi32, #tpu.memory_space<vmem>>
      %dma_wait3A_280 = arith.constant 0 : i32
      %dma_wait3A_281 = arith.constant 0 : i32
      %dma_wait3A_282 = tpu.memref_slice %arg2[%dma_wait3A_280, %dma_wait3A_281] : memref<10000x128xf32, #tpu.memory_space<hbm>> -> memref<10000x128xf32, #tpu.memory_space<hbm>>
      tpu.wait_indirect_dma semaphore(%arg17 : memref<!tpu.dma_semaphore, #tpu.memory_space<semaphore_mem>>) src(%dma_wait3A_282 : memref<10000x128xf32, #tpu.memory_space<hbm>>) dst(%dma_wait3A_278 : memref<128x128xf32, #tpu.memory_space<vmem>>)
      %dma_start3A_283 = arith.constant 1 : i32
      %dma_start3A_284 = arith.constant 3 : i32
      %dma_start3A_285 = arith.constant 0 : i32
      %dma_start3A_286 = arith.constant 0 : i32
      %dma_start3A_287 = tpu.memref_slice %arg12[%dma_start3A_283, %dma_start3A_285, %dma_start3A_286] : memref<2x128x128xf32, #tpu.memory_space<vmem>> -> memref<1x128x128xf32, #tpu.memory_space<vmem>>
      %dma_start3A_288 = tpu.memref_squeeze %dma_start3A_287 : memref<1x128x128xf32, #tpu.memory_space<vmem>> -> memref<128x128xf32, #tpu.memory_space<vmem>>
      %dma_start3A_289 = arith.constant 0 : i32
      %dma_start3A_290 = tpu.memref_slice %arg11[%rem3A_49, %dma_start3A_284, %dma_start3A_289] : memref<2x8x128xi32, #tpu.memory_space<vmem>> -> memref<1x1x128xi32, #tpu.memory_space<vmem>>
      %dma_start3A_291 = tpu.memref_squeeze %dma_start3A_290 : memref<1x1x128xi32, #tpu.memory_space<vmem>> -> memref<128xi32, #tpu.memory_space<vmem>>
      %dma_start3A_292 = arith.constant 0 : i32
      %dma_start3A_293 = arith.constant 0 : i32
      %dma_start3A_294 = tpu.memref_slice %arg14[%dma_start3A_292, %dma_start3A_293] : memref<10112x128xf32, #tpu.memory_space<vmem_shared>> -> memref<10112x128xf32, #tpu.memory_space<vmem_shared>>
      tpu.enqueue_indirect_dma source(%dma_start3A_288 : memref<128x128xf32, #tpu.memory_space<vmem>>) target(%dma_start3A_294 : memref<10112x128xf32, #tpu.memory_space<vmem_shared>>) offsets(%dma_start3A_291 : memref<128xi32, #tpu.memory_space<vmem>>) semaphore(%arg19 : memref<!tpu.dma_semaphore, #tpu.memory_space<semaphore_mem>>) {add = true}
      %dma_wait3A_295 = arith.constant 0 : i32
      %dma_wait3A_296 = arith.constant 0 : i32
      %dma_wait3A_297 = arith.constant 0 : i32
      %dma_wait3A_298 = tpu.memref_slice %arg11[%dma_wait3A_295, %dma_wait3A_296, %dma_wait3A_297] : memref<2x8x128xi32, #tpu.memory_space<vmem>> -> memref<1x1x128xi32, #tpu.memory_space<vmem>>
      %dma_wait3A_299 = tpu.memref_squeeze %dma_wait3A_298 : memref<1x1x128xi32, #tpu.memory_space<vmem>> -> memref<128xi32, #tpu.memory_space<vmem>>
      %dma_wait3A_300 = arith.constant 0 : i32
      %dma_wait3A_301 = tpu.memref_slice %arg15[%dma_wait3A_300] : memref<10112xf32, #tpu.memory_space<vmem_shared>> -> memref<10112xf32, #tpu.memory_space<vmem_shared>>
      tpu.wait_indirect_dma semaphore(%arg21 : memref<!tpu.dma_semaphore, #tpu.memory_space<semaphore_mem>>) src(%arg13 : memref<128xf32, #tpu.memory_space<vmem>>) dst(%dma_wait3A_301 : memref<10112xf32, #tpu.memory_space<vmem_shared>>)
      %dma_start3A_302 = arith.constant 3 : i32
      %dma_start3A_303 = arith.constant 0 : i32
      %dma_start3A_304 = tpu.memref_slice %arg11[%rem3A_49, %dma_start3A_302, %dma_start3A_303] : memref<2x8x128xi32, #tpu.memory_space<vmem>> -> memref<1x1x128xi32, #tpu.memory_space<vmem>>
      %dma_start3A_305 = tpu.memref_squeeze %dma_start3A_304 : memref<1x1x128xi32, #tpu.memory_space<vmem>> -> memref<128xi32, #tpu.memory_space<vmem>>
      %dma_start3A_306 = arith.constant 0 : i32
      %dma_start3A_307 = tpu.memref_slice %arg15[%dma_start3A_306] : memref<10112xf32, #tpu.memory_space<vmem_shared>> -> memref<10112xf32, #tpu.memory_space<vmem_shared>>
      tpu.enqueue_indirect_dma source(%arg13 : memref<128xf32, #tpu.memory_space<vmem>>) target(%dma_start3A_307 : memref<10112xf32, #tpu.memory_space<vmem_shared>>) offsets(%dma_start3A_305 : memref<128xi32, #tpu.memory_space<vmem>>) semaphore(%arg21 : memref<!tpu.dma_semaphore, #tpu.memory_space<semaphore_mem>>) {add = true}
      %dma_wait3A_308 = arith.constant 1 : i32
      %dma_wait3A_309 = arith.constant 0 : i32
      %dma_wait3A_310 = arith.constant 0 : i32
      %dma_wait3A_311 = arith.constant 0 : i32
      %dma_wait3A_312 = arith.constant 0 : i32
      %dma_wait3A_313 = tpu.memref_slice %arg12[%dma_wait3A_308, %dma_wait3A_311, %dma_wait3A_312] : memref<2x128x128xf32, #tpu.memory_space<vmem>> -> memref<1x128x128xf32, #tpu.memory_space<vmem>>
      %dma_wait3A_314 = tpu.memref_squeeze %dma_wait3A_313 : memref<1x128x128xf32, #tpu.memory_space<vmem>> -> memref<128x128xf32, #tpu.memory_space<vmem>>
      %dma_wait3A_315 = arith.constant 0 : i32
      %dma_wait3A_316 = tpu.memref_slice %arg11[%dma_wait3A_309, %dma_wait3A_310, %dma_wait3A_315] : memref<2x8x128xi32, #tpu.memory_space<vmem>> -> memref<1x1x128xi32, #tpu.memory_space<vmem>>
      %dma_wait3A_317 = tpu.memref_squeeze %dma_wait3A_316 : memref<1x1x128xi32, #tpu.memory_space<vmem>> -> memref<128xi32, #tpu.memory_space<vmem>>
      %dma_wait3A_318 = arith.constant 0 : i32
      %dma_wait3A_319 = arith.constant 0 : i32
      %dma_wait3A_320 = tpu.memref_slice %arg14[%dma_wait3A_318, %dma_wait3A_319] : memref<10112x128xf32, #tpu.memory_space<vmem_shared>> -> memref<10112x128xf32, #tpu.memory_space<vmem_shared>>
      tpu.wait_indirect_dma semaphore(%arg19 : memref<!tpu.dma_semaphore, #tpu.memory_space<semaphore_mem>>) src(%dma_wait3A_314 : memref<128x128xf32, #tpu.memory_space<vmem>>) dst(%dma_wait3A_320 : memref<10112x128xf32, #tpu.memory_space<vmem_shared>>)
      %mul3A_321 = arith.constant 1024 : i32
      %mul3A_322 = arith.muli %rem3A_49, %mul3A_321 : i32
      %add3A_323 = arith.constant 640 : i32
      %add3A_324 = arith.addi %mul3A_322, %add3A_323 : i32
      %multiple_of3A_325 = tpu.assume_multiple %add3A_324, 8 : i32
      %dma_start3A_326 = arith.constant 1 : i32
      %dma_start3A_327 = arith.constant 0 : i32
      %dma_start3A_328 = arith.constant 0 : i32
      %dma_start3A_329 = tpu.memref_slice %arg12[%dma_start3A_326, %dma_start3A_327, %dma_start3A_328] : memref<2x128x128xf32, #tpu.memory_space<vmem>> -> memref<1x128x128xf32, #tpu.memory_space<vmem>>
      %dma_start3A_330 = tpu.memref_squeeze %dma_start3A_329 : memref<1x128x128xf32, #tpu.memory_space<vmem>> -> memref<128x128xf32, #tpu.memory_space<vmem>>
      %dma_start3A_331 = tpu.memref_slice %arg10[%multiple_of3A_325] : memref<2048xi32, #tpu.memory_space<vmem>> -> memref<128xi32, #tpu.memory_space<vmem>>
      %dma_start3A_332 = arith.constant 0 : i32
      %dma_start3A_333 = arith.constant 0 : i32
      %dma_start3A_334 = tpu.memref_slice %arg2[%dma_start3A_332, %dma_start3A_333] : memref<10000x128xf32, #tpu.memory_space<hbm>> -> memref<10000x128xf32, #tpu.memory_space<hbm>>
      tpu.enqueue_indirect_dma source(%dma_start3A_334 : memref<10000x128xf32, #tpu.memory_space<hbm>>) target(%dma_start3A_330 : memref<128x128xf32, #tpu.memory_space<vmem>>) offsets(%dma_start3A_331 : memref<128xi32, #tpu.memory_space<vmem>>) semaphore(%arg17 : memref<!tpu.dma_semaphore, #tpu.memory_space<semaphore_mem>>)
      %mul3A_335 = arith.constant 1024 : i32
      %mul3A_336 = arith.muli %rem3A_49, %mul3A_335 : i32
      %add3A_337 = arith.constant 512 : i32
      %add3A_338 = arith.addi %mul3A_336, %add3A_337 : i32
      %multiple_of3A_339 = tpu.assume_multiple %add3A_338, 8 : i32
      %dma_wait3A_340 = arith.constant 0 : i32
      %dma_wait3A_341 = arith.constant 0 : i32
      %dma_wait3A_342 = arith.constant 0 : i32
      %dma_wait3A_343 = tpu.memref_slice %arg12[%dma_wait3A_340, %dma_wait3A_341, %dma_wait3A_342] : memref<2x128x128xf32, #tpu.memory_space<vmem>> -> memref<1x128x128xf32, #tpu.memory_space<vmem>>
      %dma_wait3A_344 = tpu.memref_squeeze %dma_wait3A_343 : memref<1x128x128xf32, #tpu.memory_space<vmem>> -> memref<128x128xf32, #tpu.memory_space<vmem>>
      %dma_wait3A_345 = tpu.memref_slice %arg10[%multiple_of3A_339] : memref<2048xi32, #tpu.memory_space<vmem>> -> memref<128xi32, #tpu.memory_space<vmem>>
      %dma_wait3A_346 = arith.constant 0 : i32
      %dma_wait3A_347 = arith.constant 0 : i32
      %dma_wait3A_348 = tpu.memref_slice %arg2[%dma_wait3A_346, %dma_wait3A_347] : memref<10000x128xf32, #tpu.memory_space<hbm>> -> memref<10000x128xf32, #tpu.memory_space<hbm>>
      tpu.wait_indirect_dma semaphore(%arg16 : memref<!tpu.dma_semaphore, #tpu.memory_space<semaphore_mem>>) src(%dma_wait3A_348 : memref<10000x128xf32, #tpu.memory_space<hbm>>) dst(%dma_wait3A_344 : memref<128x128xf32, #tpu.memory_space<vmem>>)
      %dma_start3A_349 = arith.constant 0 : i32
      %dma_start3A_350 = arith.constant 4 : i32
      %dma_start3A_351 = arith.constant 0 : i32
      %dma_start3A_352 = arith.constant 0 : i32
      %dma_start3A_353 = tpu.memref_slice %arg12[%dma_start3A_349, %dma_start3A_351, %dma_start3A_352] : memref<2x128x128xf32, #tpu.memory_space<vmem>> -> memref<1x128x128xf32, #tpu.memory_space<vmem>>
      %dma_start3A_354 = tpu.memref_squeeze %dma_start3A_353 : memref<1x128x128xf32, #tpu.memory_space<vmem>> -> memref<128x128xf32, #tpu.memory_space<vmem>>
      %dma_start3A_355 = arith.constant 0 : i32
      %dma_start3A_356 = tpu.memref_slice %arg11[%rem3A_49, %dma_start3A_350, %dma_start3A_355] : memref<2x8x128xi32, #tpu.memory_space<vmem>> -> memref<1x1x128xi32, #tpu.memory_space<vmem>>
      %dma_start3A_357 = tpu.memref_squeeze %dma_start3A_356 : memref<1x1x128xi32, #tpu.memory_space<vmem>> -> memref<128xi32, #tpu.memory_space<vmem>>
      %dma_start3A_358 = arith.constant 0 : i32
      %dma_start3A_359 = arith.constant 0 : i32
      %dma_start3A_360 = tpu.memref_slice %arg14[%dma_start3A_358, %dma_start3A_359] : memref<10112x128xf32, #tpu.memory_space<vmem_shared>> -> memref<10112x128xf32, #tpu.memory_space<vmem_shared>>
      tpu.enqueue_indirect_dma source(%dma_start3A_354 : memref<128x128xf32, #tpu.memory_space<vmem>>) target(%dma_start3A_360 : memref<10112x128xf32, #tpu.memory_space<vmem_shared>>) offsets(%dma_start3A_357 : memref<128xi32, #tpu.memory_space<vmem>>) semaphore(%arg18 : memref<!tpu.dma_semaphore, #tpu.memory_space<semaphore_mem>>) {add = true}
      %dma_wait3A_361 = arith.constant 0 : i32
      %dma_wait3A_362 = arith.constant 0 : i32
      %dma_wait3A_363 = arith.constant 0 : i32
      %dma_wait3A_364 = tpu.memref_slice %arg11[%dma_wait3A_361, %dma_wait3A_362, %dma_wait3A_363] : memref<2x8x128xi32, #tpu.memory_space<vmem>> -> memref<1x1x128xi32, #tpu.memory_space<vmem>>
      %dma_wait3A_365 = tpu.memref_squeeze %dma_wait3A_364 : memref<1x1x128xi32, #tpu.memory_space<vmem>> -> memref<128xi32, #tpu.memory_space<vmem>>
      %dma_wait3A_366 = arith.constant 0 : i32
      %dma_wait3A_367 = tpu.memref_slice %arg15[%dma_wait3A_366] : memref<10112xf32, #tpu.memory_space<vmem_shared>> -> memref<10112xf32, #tpu.memory_space<vmem_shared>>
      tpu.wait_indirect_dma semaphore(%arg21 : memref<!tpu.dma_semaphore, #tpu.memory_space<semaphore_mem>>) src(%arg13 : memref<128xf32, #tpu.memory_space<vmem>>) dst(%dma_wait3A_367 : memref<10112xf32, #tpu.memory_space<vmem_shared>>)
      %dma_start3A_368 = arith.constant 4 : i32
      %dma_start3A_369 = arith.constant 0 : i32
      %dma_start3A_370 = tpu.memref_slice %arg11[%rem3A_49, %dma_start3A_368, %dma_start3A_369] : memref<2x8x128xi32, #tpu.memory_space<vmem>> -> memref<1x1x128xi32, #tpu.memory_space<vmem>>
      %dma_start3A_371 = tpu.memref_squeeze %dma_start3A_370 : memref<1x1x128xi32, #tpu.memory_space<vmem>> -> memref<128xi32, #tpu.memory_space<vmem>>
      %dma_start3A_372 = arith.constant 0 : i32
      %dma_start3A_373 = tpu.memref_slice %arg15[%dma_start3A_372] : memref<10112xf32, #tpu.memory_space<vmem_shared>> -> memref<10112xf32, #tpu.memory_space<vmem_shared>>
      tpu.enqueue_indirect_dma source(%arg13 : memref<128xf32, #tpu.memory_space<vmem>>) target(%dma_start3A_373 : memref<10112xf32, #tpu.memory_space<vmem_shared>>) offsets(%dma_start3A_371 : memref<128xi32, #tpu.memory_space<vmem>>) semaphore(%arg21 : memref<!tpu.dma_semaphore, #tpu.memory_space<semaphore_mem>>) {add = true}
      %dma_wait3A_374 = arith.constant 0 : i32
      %dma_wait3A_375 = arith.constant 0 : i32
      %dma_wait3A_376 = arith.constant 0 : i32
      %dma_wait3A_377 = arith.constant 0 : i32
      %dma_wait3A_378 = arith.constant 0 : i32
      %dma_wait3A_379 = tpu.memref_slice %arg12[%dma_wait3A_374, %dma_wait3A_377, %dma_wait3A_378] : memref<2x128x128xf32, #tpu.memory_space<vmem>> -> memref<1x128x128xf32, #tpu.memory_space<vmem>>
      %dma_wait3A_380 = tpu.memref_squeeze %dma_wait3A_379 : memref<1x128x128xf32, #tpu.memory_space<vmem>> -> memref<128x128xf32, #tpu.memory_space<vmem>>
      %dma_wait3A_381 = arith.constant 0 : i32
      %dma_wait3A_382 = tpu.memref_slice %arg11[%dma_wait3A_375, %dma_wait3A_376, %dma_wait3A_381] : memref<2x8x128xi32, #tpu.memory_space<vmem>> -> memref<1x1x128xi32, #tpu.memory_space<vmem>>
      %dma_wait3A_383 = tpu.memref_squeeze %dma_wait3A_382 : memref<1x1x128xi32, #tpu.memory_space<vmem>> -> memref<128xi32, #tpu.memory_space<vmem>>
      %dma_wait3A_384 = arith.constant 0 : i32
      %dma_wait3A_385 = arith.constant 0 : i32
      %dma_wait3A_386 = tpu.memref_slice %arg14[%dma_wait3A_384, %dma_wait3A_385] : memref<10112x128xf32, #tpu.memory_space<vmem_shared>> -> memref<10112x128xf32, #tpu.memory_space<vmem_shared>>
      tpu.wait_indirect_dma semaphore(%arg18 : memref<!tpu.dma_semaphore, #tpu.memory_space<semaphore_mem>>) src(%dma_wait3A_380 : memref<128x128xf32, #tpu.memory_space<vmem>>) dst(%dma_wait3A_386 : memref<10112x128xf32, #tpu.memory_space<vmem_shared>>)
      %mul3A_387 = arith.constant 1024 : i32
      %mul3A_388 = arith.muli %rem3A_49, %mul3A_387 : i32
      %add3A_389 = arith.constant 768 : i32
      %add3A_390 = arith.addi %mul3A_388, %add3A_389 : i32
      %multiple_of3A_391 = tpu.assume_multiple %add3A_390, 8 : i32
      %dma_start3A_392 = arith.constant 0 : i32
      %dma_start3A_393 = arith.constant 0 : i32
      %dma_start3A_394 = arith.constant 0 : i32
      %dma_start3A_395 = tpu.memref_slice %arg12[%dma_start3A_392, %dma_start3A_393, %dma_start3A_394] : memref<2x128x128xf32, #tpu.memory_space<vmem>> -> memref<1x128x128xf32, #tpu.memory_space<vmem>>
      %dma_start3A_396 = tpu.memref_squeeze %dma_start3A_395 : memref<1x128x128xf32, #tpu.memory_space<vmem>> -> memref<128x128xf32, #tpu.memory_space<vmem>>
      %dma_start3A_397 = tpu.memref_slice %arg10[%multiple_of3A_391] : memref<2048xi32, #tpu.memory_space<vmem>> -> memref<128xi32, #tpu.memory_space<vmem>>
      %dma_start3A_398 = arith.constant 0 : i32
      %dma_start3A_399 = arith.constant 0 : i32
      %dma_start3A_400 = tpu.memref_slice %arg2[%dma_start3A_398, %dma_start3A_399] : memref<10000x128xf32, #tpu.memory_space<hbm>> -> memref<10000x128xf32, #tpu.memory_space<hbm>>
      tpu.enqueue_indirect_dma source(%dma_start3A_400 : memref<10000x128xf32, #tpu.memory_space<hbm>>) target(%dma_start3A_396 : memref<128x128xf32, #tpu.memory_space<vmem>>) offsets(%dma_start3A_397 : memref<128xi32, #tpu.memory_space<vmem>>) semaphore(%arg16 : memref<!tpu.dma_semaphore, #tpu.memory_space<semaphore_mem>>)
      %mul3A_401 = arith.constant 1024 : i32
      %mul3A_402 = arith.muli %rem3A_49, %mul3A_401 : i32
      %add3A_403 = arith.constant 640 : i32
      %add3A_404 = arith.addi %mul3A_402, %add3A_403 : i32
      %multiple_of3A_405 = tpu.assume_multiple %add3A_404, 8 : i32
      %dma_wait3A_406 = arith.constant 1 : i32
      %dma_wait3A_407 = arith.constant 0 : i32
      %dma_wait3A_408 = arith.constant 0 : i32
      %dma_wait3A_409 = tpu.memref_slice %arg12[%dma_wait3A_406, %dma_wait3A_407, %dma_wait3A_408] : memref<2x128x128xf32, #tpu.memory_space<vmem>> -> memref<1x128x128xf32, #tpu.memory_space<vmem>>
      %dma_wait3A_410 = tpu.memref_squeeze %dma_wait3A_409 : memref<1x128x128xf32, #tpu.memory_space<vmem>> -> memref<128x128xf32, #tpu.memory_space<vmem>>
      %dma_wait3A_411 = tpu.memref_slice %arg10[%multiple_of3A_405] : memref<2048xi32, #tpu.memory_space<vmem>> -> memref<128xi32, #tpu.memory_space<vmem>>
      %dma_wait3A_412 = arith.constant 0 : i32
      %dma_wait3A_413 = arith.constant 0 : i32
      %dma_wait3A_414 = tpu.memref_slice %arg2[%dma_wait3A_412, %dma_wait3A_413] : memref<10000x128xf32, #tpu.memory_space<hbm>> -> memref<10000x128xf32, #tpu.memory_space<hbm>>
      tpu.wait_indirect_dma semaphore(%arg17 : memref<!tpu.dma_semaphore, #tpu.memory_space<semaphore_mem>>) src(%dma_wait3A_414 : memref<10000x128xf32, #tpu.memory_space<hbm>>) dst(%dma_wait3A_410 : memref<128x128xf32, #tpu.memory_space<vmem>>)
      %dma_start3A_415 = arith.constant 1 : i32
      %dma_start3A_416 = arith.constant 5 : i32
      %dma_start3A_417 = arith.constant 0 : i32
      %dma_start3A_418 = arith.constant 0 : i32
      %dma_start3A_419 = tpu.memref_slice %arg12[%dma_start3A_415, %dma_start3A_417, %dma_start3A_418] : memref<2x128x128xf32, #tpu.memory_space<vmem>> -> memref<1x128x128xf32, #tpu.memory_space<vmem>>
      %dma_start3A_420 = tpu.memref_squeeze %dma_start3A_419 : memref<1x128x128xf32, #tpu.memory_space<vmem>> -> memref<128x128xf32, #tpu.memory_space<vmem>>
      %dma_start3A_421 = arith.constant 0 : i32
      %dma_start3A_422 = tpu.memref_slice %arg11[%rem3A_49, %dma_start3A_416, %dma_start3A_421] : memref<2x8x128xi32, #tpu.memory_space<vmem>> -> memref<1x1x128xi32, #tpu.memory_space<vmem>>
      %dma_start3A_423 = tpu.memref_squeeze %dma_start3A_422 : memref<1x1x128xi32, #tpu.memory_space<vmem>> -> memref<128xi32, #tpu.memory_space<vmem>>
      %dma_start3A_424 = arith.constant 0 : i32
      %dma_start3A_425 = arith.constant 0 : i32
      %dma_start3A_426 = tpu.memref_slice %arg14[%dma_start3A_424, %dma_start3A_425] : memref<10112x128xf32, #tpu.memory_space<vmem_shared>> -> memref<10112x128xf32, #tpu.memory_space<vmem_shared>>
      tpu.enqueue_indirect_dma source(%dma_start3A_420 : memref<128x128xf32, #tpu.memory_space<vmem>>) target(%dma_start3A_426 : memref<10112x128xf32, #tpu.memory_space<vmem_shared>>) offsets(%dma_start3A_423 : memref<128xi32, #tpu.memory_space<vmem>>) semaphore(%arg19 : memref<!tpu.dma_semaphore, #tpu.memory_space<semaphore_mem>>) {add = true}
      %dma_wait3A_427 = arith.constant 0 : i32
      %dma_wait3A_428 = arith.constant 0 : i32
      %dma_wait3A_429 = arith.constant 0 : i32
      %dma_wait3A_430 = tpu.memref_slice %arg11[%dma_wait3A_427, %dma_wait3A_428, %dma_wait3A_429] : memref<2x8x128xi32, #tpu.memory_space<vmem>> -> memref<1x1x128xi32, #tpu.memory_space<vmem>>
      %dma_wait3A_431 = tpu.memref_squeeze %dma_wait3A_430 : memref<1x1x128xi32, #tpu.memory_space<vmem>> -> memref<128xi32, #tpu.memory_space<vmem>>
      %dma_wait3A_432 = arith.constant 0 : i32
      %dma_wait3A_433 = tpu.memref_slice %arg15[%dma_wait3A_432] : memref<10112xf32, #tpu.memory_space<vmem_shared>> -> memref<10112xf32, #tpu.memory_space<vmem_shared>>
      tpu.wait_indirect_dma semaphore(%arg21 : memref<!tpu.dma_semaphore, #tpu.memory_space<semaphore_mem>>) src(%arg13 : memref<128xf32, #tpu.memory_space<vmem>>) dst(%dma_wait3A_433 : memref<10112xf32, #tpu.memory_space<vmem_shared>>)
      %dma_start3A_434 = arith.constant 5 : i32
      %dma_start3A_435 = arith.constant 0 : i32
      %dma_start3A_436 = tpu.memref_slice %arg11[%rem3A_49, %dma_start3A_434, %dma_start3A_435] : memref<2x8x128xi32, #tpu.memory_space<vmem>> -> memref<1x1x128xi32, #tpu.memory_space<vmem>>
      %dma_start3A_437 = tpu.memref_squeeze %dma_start3A_436 : memref<1x1x128xi32, #tpu.memory_space<vmem>> -> memref<128xi32, #tpu.memory_space<vmem>>
      %dma_start3A_438 = arith.constant 0 : i32
      %dma_start3A_439 = tpu.memref_slice %arg15[%dma_start3A_438] : memref<10112xf32, #tpu.memory_space<vmem_shared>> -> memref<10112xf32, #tpu.memory_space<vmem_shared>>
      tpu.enqueue_indirect_dma source(%arg13 : memref<128xf32, #tpu.memory_space<vmem>>) target(%dma_start3A_439 : memref<10112xf32, #tpu.memory_space<vmem_shared>>) offsets(%dma_start3A_437 : memref<128xi32, #tpu.memory_space<vmem>>) semaphore(%arg21 : memref<!tpu.dma_semaphore, #tpu.memory_space<semaphore_mem>>) {add = true}
      %dma_wait3A_440 = arith.constant 1 : i32
      %dma_wait3A_441 = arith.constant 0 : i32
      %dma_wait3A_442 = arith.constant 0 : i32
      %dma_wait3A_443 = arith.constant 0 : i32
      %dma_wait3A_444 = arith.constant 0 : i32
      %dma_wait3A_445 = tpu.memref_slice %arg12[%dma_wait3A_440, %dma_wait3A_443, %dma_wait3A_444] : memref<2x128x128xf32, #tpu.memory_space<vmem>> -> memref<1x128x128xf32, #tpu.memory_space<vmem>>
      %dma_wait3A_446 = tpu.memref_squeeze %dma_wait3A_445 : memref<1x128x128xf32, #tpu.memory_space<vmem>> -> memref<128x128xf32, #tpu.memory_space<vmem>>
      %dma_wait3A_447 = arith.constant 0 : i32
      %dma_wait3A_448 = tpu.memref_slice %arg11[%dma_wait3A_441, %dma_wait3A_442, %dma_wait3A_447] : memref<2x8x128xi32, #tpu.memory_space<vmem>> -> memref<1x1x128xi32, #tpu.memory_space<vmem>>
      %dma_wait3A_449 = tpu.memref_squeeze %dma_wait3A_448 : memref<1x1x128xi32, #tpu.memory_space<vmem>> -> memref<128xi32, #tpu.memory_space<vmem>>
      %dma_wait3A_450 = arith.constant 0 : i32
      %dma_wait3A_451 = arith.constant 0 : i32
      %dma_wait3A_452 = tpu.memref_slice %arg14[%dma_wait3A_450, %dma_wait3A_451] : memref<10112x128xf32, #tpu.memory_space<vmem_shared>> -> memref<10112x128xf32, #tpu.memory_space<vmem_shared>>
      tpu.wait_indirect_dma semaphore(%arg19 : memref<!tpu.dma_semaphore, #tpu.memory_space<semaphore_mem>>) src(%dma_wait3A_446 : memref<128x128xf32, #tpu.memory_space<vmem>>) dst(%dma_wait3A_452 : memref<10112x128xf32, #tpu.memory_space<vmem_shared>>)
      %mul3A_453 = arith.constant 1024 : i32
      %mul3A_454 = arith.muli %rem3A_49, %mul3A_453 : i32
      %add3A_455 = arith.constant 896 : i32
      %add3A_456 = arith.addi %mul3A_454, %add3A_455 : i32
      %multiple_of3A_457 = tpu.assume_multiple %add3A_456, 8 : i32
      %dma_start3A_458 = arith.constant 1 : i32
      %dma_start3A_459 = arith.constant 0 : i32
      %dma_start3A_460 = arith.constant 0 : i32
      %dma_start3A_461 = tpu.memref_slice %arg12[%dma_start3A_458, %dma_start3A_459, %dma_start3A_460] : memref<2x128x128xf32, #tpu.memory_space<vmem>> -> memref<1x128x128xf32, #tpu.memory_space<vmem>>
      %dma_start3A_462 = tpu.memref_squeeze %dma_start3A_461 : memref<1x128x128xf32, #tpu.memory_space<vmem>> -> memref<128x128xf32, #tpu.memory_space<vmem>>
      %dma_start3A_463 = tpu.memref_slice %arg10[%multiple_of3A_457] : memref<2048xi32, #tpu.memory_space<vmem>> -> memref<128xi32, #tpu.memory_space<vmem>>
      %dma_start3A_464 = arith.constant 0 : i32
      %dma_start3A_465 = arith.constant 0 : i32
      %dma_start3A_466 = tpu.memref_slice %arg2[%dma_start3A_464, %dma_start3A_465] : memref<10000x128xf32, #tpu.memory_space<hbm>> -> memref<10000x128xf32, #tpu.memory_space<hbm>>
      tpu.enqueue_indirect_dma source(%dma_start3A_466 : memref<10000x128xf32, #tpu.memory_space<hbm>>) target(%dma_start3A_462 : memref<128x128xf32, #tpu.memory_space<vmem>>) offsets(%dma_start3A_463 : memref<128xi32, #tpu.memory_space<vmem>>) semaphore(%arg17 : memref<!tpu.dma_semaphore, #tpu.memory_space<semaphore_mem>>)
      %mul3A_467 = arith.constant 1024 : i32
      %mul3A_468 = arith.muli %rem3A_49, %mul3A_467 : i32
      %add3A_469 = arith.constant 768 : i32
      %add3A_470 = arith.addi %mul3A_468, %add3A_469 : i32
      %multiple_of3A_471 = tpu.assume_multiple %add3A_470, 8 : i32
      %dma_wait3A_472 = arith.constant 0 : i32
      %dma_wait3A_473 = arith.constant 0 : i32
      %dma_wait3A_474 = arith.constant 0 : i32
      %dma_wait3A_475 = tpu.memref_slice %arg12[%dma_wait3A_472, %dma_wait3A_473, %dma_wait3A_474] : memref<2x128x128xf32, #tpu.memory_space<vmem>> -> memref<1x128x128xf32, #tpu.memory_space<vmem>>
      %dma_wait3A_476 = tpu.memref_squeeze %dma_wait3A_475 : memref<1x128x128xf32, #tpu.memory_space<vmem>> -> memref<128x128xf32, #tpu.memory_space<vmem>>
      %dma_wait3A_477 = tpu.memref_slice %arg10[%multiple_of3A_471] : memref<2048xi32, #tpu.memory_space<vmem>> -> memref<128xi32, #tpu.memory_space<vmem>>
      %dma_wait3A_478 = arith.constant 0 : i32
      %dma_wait3A_479 = arith.constant 0 : i32
      %dma_wait3A_480 = tpu.memref_slice %arg2[%dma_wait3A_478, %dma_wait3A_479] : memref<10000x128xf32, #tpu.memory_space<hbm>> -> memref<10000x128xf32, #tpu.memory_space<hbm>>
      tpu.wait_indirect_dma semaphore(%arg16 : memref<!tpu.dma_semaphore, #tpu.memory_space<semaphore_mem>>) src(%dma_wait3A_480 : memref<10000x128xf32, #tpu.memory_space<hbm>>) dst(%dma_wait3A_476 : memref<128x128xf32, #tpu.memory_space<vmem>>)
      %dma_start3A_481 = arith.constant 0 : i32
      %dma_start3A_482 = arith.constant 6 : i32
      %dma_start3A_483 = arith.constant 0 : i32
      %dma_start3A_484 = arith.constant 0 : i32
      %dma_start3A_485 = tpu.memref_slice %arg12[%dma_start3A_481, %dma_start3A_483, %dma_start3A_484] : memref<2x128x128xf32, #tpu.memory_space<vmem>> -> memref<1x128x128xf32, #tpu.memory_space<vmem>>
      %dma_start3A_486 = tpu.memref_squeeze %dma_start3A_485 : memref<1x128x128xf32, #tpu.memory_space<vmem>> -> memref<128x128xf32, #tpu.memory_space<vmem>>
      %dma_start3A_487 = arith.constant 0 : i32
      %dma_start3A_488 = tpu.memref_slice %arg11[%rem3A_49, %dma_start3A_482, %dma_start3A_487] : memref<2x8x128xi32, #tpu.memory_space<vmem>> -> memref<1x1x128xi32, #tpu.memory_space<vmem>>
      %dma_start3A_489 = tpu.memref_squeeze %dma_start3A_488 : memref<1x1x128xi32, #tpu.memory_space<vmem>> -> memref<128xi32, #tpu.memory_space<vmem>>
      %dma_start3A_490 = arith.constant 0 : i32
      %dma_start3A_491 = arith.constant 0 : i32
      %dma_start3A_492 = tpu.memref_slice %arg14[%dma_start3A_490, %dma_start3A_491] : memref<10112x128xf32, #tpu.memory_space<vmem_shared>> -> memref<10112x128xf32, #tpu.memory_space<vmem_shared>>
      tpu.enqueue_indirect_dma source(%dma_start3A_486 : memref<128x128xf32, #tpu.memory_space<vmem>>) target(%dma_start3A_492 : memref<10112x128xf32, #tpu.memory_space<vmem_shared>>) offsets(%dma_start3A_489 : memref<128xi32, #tpu.memory_space<vmem>>) semaphore(%arg18 : memref<!tpu.dma_semaphore, #tpu.memory_space<semaphore_mem>>) {add = true}
      %dma_wait3A_493 = arith.constant 0 : i32
      %dma_wait3A_494 = arith.constant 0 : i32
      %dma_wait3A_495 = arith.constant 0 : i32
      %dma_wait3A_496 = tpu.memref_slice %arg11[%dma_wait3A_493, %dma_wait3A_494, %dma_wait3A_495] : memref<2x8x128xi32, #tpu.memory_space<vmem>> -> memref<1x1x128xi32, #tpu.memory_space<vmem>>
      %dma_wait3A_497 = tpu.memref_squeeze %dma_wait3A_496 : memref<1x1x128xi32, #tpu.memory_space<vmem>> -> memref<128xi32, #tpu.memory_space<vmem>>
      %dma_wait3A_498 = arith.constant 0 : i32
      %dma_wait3A_499 = tpu.memref_slice %arg15[%dma_wait3A_498] : memref<10112xf32, #tpu.memory_space<vmem_shared>> -> memref<10112xf32, #tpu.memory_space<vmem_shared>>
      tpu.wait_indirect_dma semaphore(%arg21 : memref<!tpu.dma_semaphore, #tpu.memory_space<semaphore_mem>>) src(%arg13 : memref<128xf32, #tpu.memory_space<vmem>>) dst(%dma_wait3A_499 : memref<10112xf32, #tpu.memory_space<vmem_shared>>)
      %dma_start3A_500 = arith.constant 6 : i32
      %dma_start3A_501 = arith.constant 0 : i32
      %dma_start3A_502 = tpu.memref_slice %arg11[%rem3A_49, %dma_start3A_500, %dma_start3A_501] : memref<2x8x128xi32, #tpu.memory_space<vmem>> -> memref<1x1x128xi32, #tpu.memory_space<vmem>>
      %dma_start3A_503 = tpu.memref_squeeze %dma_start3A_502 : memref<1x1x128xi32, #tpu.memory_space<vmem>> -> memref<128xi32, #tpu.memory_space<vmem>>
      %dma_start3A_504 = arith.constant 0 : i32
      %dma_start3A_505 = tpu.memref_slice %arg15[%dma_start3A_504] : memref<10112xf32, #tpu.memory_space<vmem_shared>> -> memref<10112xf32, #tpu.memory_space<vmem_shared>>
      tpu.enqueue_indirect_dma source(%arg13 : memref<128xf32, #tpu.memory_space<vmem>>) target(%dma_start3A_505 : memref<10112xf32, #tpu.memory_space<vmem_shared>>) offsets(%dma_start3A_503 : memref<128xi32, #tpu.memory_space<vmem>>) semaphore(%arg21 : memref<!tpu.dma_semaphore, #tpu.memory_space<semaphore_mem>>) {add = true}
      %dma_wait3A_506 = arith.constant 0 : i32
      %dma_wait3A_507 = arith.constant 0 : i32
      %dma_wait3A_508 = arith.constant 0 : i32
      %dma_wait3A_509 = arith.constant 0 : i32
      %dma_wait3A_510 = arith.constant 0 : i32
      %dma_wait3A_511 = tpu.memref_slice %arg12[%dma_wait3A_506, %dma_wait3A_509, %dma_wait3A_510] : memref<2x128x128xf32, #tpu.memory_space<vmem>> -> memref<1x128x128xf32, #tpu.memory_space<vmem>>
      %dma_wait3A_512 = tpu.memref_squeeze %dma_wait3A_511 : memref<1x128x128xf32, #tpu.memory_space<vmem>> -> memref<128x128xf32, #tpu.memory_space<vmem>>
      %dma_wait3A_513 = arith.constant 0 : i32
      %dma_wait3A_514 = tpu.memref_slice %arg11[%dma_wait3A_507, %dma_wait3A_508, %dma_wait3A_513] : memref<2x8x128xi32, #tpu.memory_space<vmem>> -> memref<1x1x128xi32, #tpu.memory_space<vmem>>
      %dma_wait3A_515 = tpu.memref_squeeze %dma_wait3A_514 : memref<1x1x128xi32, #tpu.memory_space<vmem>> -> memref<128xi32, #tpu.memory_space<vmem>>
      %dma_wait3A_516 = arith.constant 0 : i32
      %dma_wait3A_517 = arith.constant 0 : i32
      %dma_wait3A_518 = tpu.memref_slice %arg14[%dma_wait3A_516, %dma_wait3A_517] : memref<10112x128xf32, #tpu.memory_space<vmem_shared>> -> memref<10112x128xf32, #tpu.memory_space<vmem_shared>>
      tpu.wait_indirect_dma semaphore(%arg18 : memref<!tpu.dma_semaphore, #tpu.memory_space<semaphore_mem>>) src(%dma_wait3A_512 : memref<128x128xf32, #tpu.memory_space<vmem>>) dst(%dma_wait3A_518 : memref<10112x128xf32, #tpu.memory_space<vmem_shared>>)
      %lt3A_519 = arith.constant 9 : i32
      %lt3A_520 = arith.cmpi slt, %scan3A_48, %lt3A_519 : i32
      %convert_element_type3A_521 = arith.extui %lt3A_520 : i1 to i32
      %cond3A_522 = arith.constant 0 : i32
      %cond3A_523 = arith.cmpi ne, %convert_element_type3A_521, %cond3A_522 : i32
      scf.if %cond3A_523 {
        %add3A_563 = arith.constant 1 : i32
        %add3A_564 = arith.addi %scan3A_48, %add3A_563 : i32
        %mul3A_565 = arith.constant 8 : i32
        %mul3A_566 = arith.muli %add3A_564, %mul3A_565 : i32
        %mul3A_567 = arith.constant 128 : i32
        %mul3A_568 = arith.muli %mul3A_566, %mul3A_567 : i32
        %multiple_of3A_569 = tpu.assume_multiple %mul3A_568, 8 : i32
        %mul3A_570 = arith.constant 1024 : i32
        %mul3A_571 = arith.muli %sub3A_50, %mul3A_570 : i32
        %dma_wait3A_572 = tpu.memref_slice %arg10[%mul3A_571] : memref<2048xi32, #tpu.memory_space<vmem>> -> memref<1024xi32, #tpu.memory_space<vmem>>
        %dma_wait3A_573 = tpu.memref_slice %arg3[%add3A, %multiple_of3A_569] : memref<32x10240xi32, #tpu.memory_space<hbm>> -> memref<1x1024xi32, #tpu.memory_space<hbm>>
        %dma_wait3A_574 = tpu.memref_squeeze %dma_wait3A_573 : memref<1x1024xi32, #tpu.memory_space<hbm>> -> memref<1024xi32, #tpu.memory_space<hbm>>
        %dma_wait3A_575 = tpu.memref_slice %arg10[%mul3A_571] : memref<2048xi32, #tpu.memory_space<vmem>> -> memref<1024xi32, #tpu.memory_space<vmem>>
        %dma_wait3A_576 = tpu.memref_slice %arg3[%add3A, %multiple_of3A_569] : memref<32x10240xi32, #tpu.memory_space<hbm>> -> memref<1x1024xi32, #tpu.memory_space<hbm>>
        %dma_wait3A_577 = tpu.memref_squeeze %dma_wait3A_576 : memref<1x1024xi32, #tpu.memory_space<hbm>> -> memref<1024xi32, #tpu.memory_space<hbm>>
        tpu.wait_dma2 semaphore(%arg20 : memref<!tpu.dma_semaphore, #tpu.memory_space<semaphore_mem>>) src(%dma_wait3A_577 : memref<1024xi32, #tpu.memory_space<hbm>>) dst(%dma_wait3A_575 : memref<1024xi32, #tpu.memory_space<vmem>>)
        %add3A_578 = arith.constant 1 : i32
        %add3A_579 = arith.addi %scan3A_48, %add3A_578 : i32
        %dma_wait3A_580 = arith.constant 0 : i32
        %dma_wait3A_581 = arith.constant 0 : i32
        %dma_wait3A_582 = tpu.memref_slice %arg11[%sub3A_50, %dma_wait3A_580, %dma_wait3A_581] : memref<2x8x128xi32, #tpu.memory_space<vmem>> -> memref<1x8x128xi32, #tpu.memory_space<vmem>>
        %dma_wait3A_583 = tpu.memref_squeeze %dma_wait3A_582 : memref<1x8x128xi32, #tpu.memory_space<vmem>> -> memref<8x128xi32, #tpu.memory_space<vmem>>
        %dma_wait3A_584 = arith.constant 0 : i32
        %dma_wait3A_585 = arith.constant 0 : i32
        %dma_wait3A_586 = tpu.memref_slice %arg4[%add3A, %add3A_579, %dma_wait3A_584, %dma_wait3A_585] : memref<32x10x8x128xi32, #tpu.memory_space<hbm>> -> memref<1x1x8x128xi32, #tpu.memory_space<hbm>>
        %dma_wait3A_587 = tpu.memref_squeeze %dma_wait3A_586 : memref<1x1x8x128xi32, #tpu.memory_space<hbm>> -> memref<8x128xi32, #tpu.memory_space<hbm>>
        %dma_wait3A_588 = arith.constant 0 : i32
        %dma_wait3A_589 = arith.constant 0 : i32
        %dma_wait3A_590 = tpu.memref_slice %arg11[%sub3A_50, %dma_wait3A_588, %dma_wait3A_589] : memref<2x8x128xi32, #tpu.memory_space<vmem>> -> memref<1x8x128xi32, #tpu.memory_space<vmem>>
        %dma_wait3A_591 = tpu.memref_squeeze %dma_wait3A_590 : memref<1x8x128xi32, #tpu.memory_space<vmem>> -> memref<8x128xi32, #tpu.memory_space<vmem>>
        %dma_wait3A_592 = arith.constant 0 : i32
        %dma_wait3A_593 = arith.constant 0 : i32
        %dma_wait3A_594 = tpu.memref_slice %arg4[%add3A, %add3A_579, %dma_wait3A_592, %dma_wait3A_593] : memref<32x10x8x128xi32, #tpu.memory_space<hbm>> -> memref<1x1x8x128xi32, #tpu.memory_space<hbm>>
        %dma_wait3A_595 = tpu.memref_squeeze %dma_wait3A_594 : memref<1x1x8x128xi32, #tpu.memory_space<hbm>> -> memref<8x128xi32, #tpu.memory_space<hbm>>
        tpu.wait_dma2 semaphore(%arg20 : memref<!tpu.dma_semaphore, #tpu.memory_space<semaphore_mem>>) src(%dma_wait3A_595 : memref<8x128xi32, #tpu.memory_space<hbm>>) dst(%dma_wait3A_591 : memref<8x128xi32, #tpu.memory_space<vmem>>)
        %mul3A_596 = arith.constant 1024 : i32
        %mul3A_597 = arith.muli %sub3A_50, %mul3A_596 : i32
        %add3A_598 = arith.constant 0 : i32
        %add3A_599 = arith.addi %mul3A_597, %add3A_598 : i32
        %multiple_of3A_600 = tpu.assume_multiple %add3A_599, 8 : i32
        %dma_start3A_601 = arith.constant 0 : i32
        %dma_start3A_602 = arith.constant 0 : i32
        %dma_start3A_603 = arith.constant 0 : i32
        %dma_start3A_604 = tpu.memref_slice %arg12[%dma_start3A_601, %dma_start3A_602, %dma_start3A_603] : memref<2x128x128xf32, #tpu.memory_space<vmem>> -> memref<1x128x128xf32, #tpu.memory_space<vmem>>
        %dma_start3A_605 = tpu.memref_squeeze %dma_start3A_604 : memref<1x128x128xf32, #tpu.memory_space<vmem>> -> memref<128x128xf32, #tpu.memory_space<vmem>>
        %dma_start3A_606 = tpu.memref_slice %arg10[%multiple_of3A_600] : memref<2048xi32, #tpu.memory_space<vmem>> -> memref<128xi32, #tpu.memory_space<vmem>>
        %dma_start3A_607 = arith.constant 0 : i32
        %dma_start3A_608 = arith.constant 0 : i32
        %dma_start3A_609 = tpu.memref_slice %arg2[%dma_start3A_607, %dma_start3A_608] : memref<10000x128xf32, #tpu.memory_space<hbm>> -> memref<10000x128xf32, #tpu.memory_space<hbm>>
        tpu.enqueue_indirect_dma source(%dma_start3A_609 : memref<10000x128xf32, #tpu.memory_space<hbm>>) target(%dma_start3A_605 : memref<128x128xf32, #tpu.memory_space<vmem>>) offsets(%dma_start3A_606 : memref<128xi32, #tpu.memory_space<vmem>>) semaphore(%arg16 : memref<!tpu.dma_semaphore, #tpu.memory_space<semaphore_mem>>)
      } else {
      }
      %mul3A_524 = arith.constant 1024 : i32
      %mul3A_525 = arith.muli %rem3A_49, %mul3A_524 : i32
      %add3A_526 = arith.constant 896 : i32
      %add3A_527 = arith.addi %mul3A_525, %add3A_526 : i32
      %multiple_of3A_528 = tpu.assume_multiple %add3A_527, 8 : i32
      %dma_wait3A_529 = arith.constant 1 : i32
      %dma_wait3A_530 = arith.constant 0 : i32
      %dma_wait3A_531 = arith.constant 0 : i32
      %dma_wait3A_532 = tpu.memref_slice %arg12[%dma_wait3A_529, %dma_wait3A_530, %dma_wait3A_531] : memref<2x128x128xf32, #tpu.memory_space<vmem>> -> memref<1x128x128xf32, #tpu.memory_space<vmem>>
      %dma_wait3A_533 = tpu.memref_squeeze %dma_wait3A_532 : memref<1x128x128xf32, #tpu.memory_space<vmem>> -> memref<128x128xf32, #tpu.memory_space<vmem>>
      %dma_wait3A_534 = tpu.memref_slice %arg10[%multiple_of3A_528] : memref<2048xi32, #tpu.memory_space<vmem>> -> memref<128xi32, #tpu.memory_space<vmem>>
      %dma_wait3A_535 = arith.constant 0 : i32
      %dma_wait3A_536 = arith.constant 0 : i32
      %dma_wait3A_537 = tpu.memref_slice %arg2[%dma_wait3A_535, %dma_wait3A_536] : memref<10000x128xf32, #tpu.memory_space<hbm>> -> memref<10000x128xf32, #tpu.memory_space<hbm>>
      tpu.wait_indirect_dma semaphore(%arg17 : memref<!tpu.dma_semaphore, #tpu.memory_space<semaphore_mem>>) src(%dma_wait3A_537 : memref<10000x128xf32, #tpu.memory_space<hbm>>) dst(%dma_wait3A_533 : memref<128x128xf32, #tpu.memory_space<vmem>>)
      %dma_start3A_538 = arith.constant 1 : i32
      %dma_start3A_539 = arith.constant 7 : i32
      %dma_start3A_540 = arith.constant 0 : i32
      %dma_start3A_541 = arith.constant 0 : i32
      %dma_start3A_542 = tpu.memref_slice %arg12[%dma_start3A_538, %dma_start3A_540, %dma_start3A_541] : memref<2x128x128xf32, #tpu.memory_space<vmem>> -> memref<1x128x128xf32, #tpu.memory_space<vmem>>
      %dma_start3A_543 = tpu.memref_squeeze %dma_start3A_542 : memref<1x128x128xf32, #tpu.memory_space<vmem>> -> memref<128x128xf32, #tpu.memory_space<vmem>>
      %dma_start3A_544 = arith.constant 0 : i32
      %dma_start3A_545 = tpu.memref_slice %arg11[%rem3A_49, %dma_start3A_539, %dma_start3A_544] : memref<2x8x128xi32, #tpu.memory_space<vmem>> -> memref<1x1x128xi32, #tpu.memory_space<vmem>>
      %dma_start3A_546 = tpu.memref_squeeze %dma_start3A_545 : memref<1x1x128xi32, #tpu.memory_space<vmem>> -> memref<128xi32, #tpu.memory_space<vmem>>
      %dma_start3A_547 = arith.constant 0 : i32
      %dma_start3A_548 = arith.constant 0 : i32
      %dma_start3A_549 = tpu.memref_slice %arg14[%dma_start3A_547, %dma_start3A_548] : memref<10112x128xf32, #tpu.memory_space<vmem_shared>> -> memref<10112x128xf32, #tpu.memory_space<vmem_shared>>
      tpu.enqueue_indirect_dma source(%dma_start3A_543 : memref<128x128xf32, #tpu.memory_space<vmem>>) target(%dma_start3A_549 : memref<10112x128xf32, #tpu.memory_space<vmem_shared>>) offsets(%dma_start3A_546 : memref<128xi32, #tpu.memory_space<vmem>>) semaphore(%arg19 : memref<!tpu.dma_semaphore, #tpu.memory_space<semaphore_mem>>) {add = true}
      %dma_wait3A_550 = arith.constant 0 : i32
      %dma_wait3A_551 = arith.constant 0 : i32
      %dma_wait3A_552 = arith.constant 0 : i32
      %dma_wait3A_553 = tpu.memref_slice %arg11[%dma_wait3A_550, %dma_wait3A_551, %dma_wait3A_552] : memref<2x8x128xi32, #tpu.memory_space<vmem>> -> memref<1x1x128xi32, #tpu.memory_space<vmem>>
      %dma_wait3A_554 = tpu.memref_squeeze %dma_wait3A_553 : memref<1x1x128xi32, #tpu.memory_space<vmem>> -> memref<128xi32, #tpu.memory_space<vmem>>
      %dma_wait3A_555 = arith.constant 0 : i32
      %dma_wait3A_556 = tpu.memref_slice %arg15[%dma_wait3A_555] : memref<10112xf32, #tpu.memory_space<vmem_shared>> -> memref<10112xf32, #tpu.memory_space<vmem_shared>>
      tpu.wait_indirect_dma semaphore(%arg21 : memref<!tpu.dma_semaphore, #tpu.memory_space<semaphore_mem>>) src(%arg13 : memref<128xf32, #tpu.memory_space<vmem>>) dst(%dma_wait3A_556 : memref<10112xf32, #tpu.memory_space<vmem_shared>>)
      %dma_start3A_557 = arith.constant 7 : i32
      %dma_start3A_558 = arith.constant 0 : i32
      %dma_start3A_559 = tpu.memref_slice %arg11[%rem3A_49, %dma_start3A_557, %dma_start3A_558] : memref<2x8x128xi32, #tpu.memory_space<vmem>> -> memref<1x1x128xi32, #tpu.memory_space<vmem>>
      %dma_start3A_560 = tpu.memref_squeeze %dma_start3A_559 : memref<1x1x128xi32, #tpu.memory_space<vmem>> -> memref<128xi32, #tpu.memory_space<vmem>>
      %dma_start3A_561 = arith.constant 0 : i32
      %dma_start3A_562 = tpu.memref_slice %arg15[%dma_start3A_561] : memref<10112xf32, #tpu.memory_space<vmem_shared>> -> memref<10112xf32, #tpu.memory_space<vmem_shared>>
      tpu.enqueue_indirect_dma source(%arg13 : memref<128xf32, #tpu.memory_space<vmem>>) target(%dma_start3A_562 : memref<10112xf32, #tpu.memory_space<vmem_shared>>) offsets(%dma_start3A_560 : memref<128xi32, #tpu.memory_space<vmem>>) semaphore(%arg21 : memref<!tpu.dma_semaphore, #tpu.memory_space<semaphore_mem>>) {add = true}
    }
    %scan3A_19 = arith.constant 10 : i32
    %dma_wait3A = arith.constant 1 : i32
    %dma_wait3A_20 = arith.constant 0 : i32
    %dma_wait3A_21 = arith.constant 0 : i32
    %dma_wait3A_22 = arith.constant 0 : i32
    %dma_wait3A_23 = arith.constant 0 : i32
    %dma_wait3A_24 = tpu.memref_slice %arg12[%dma_wait3A, %dma_wait3A_22, %dma_wait3A_23] : memref<2x128x128xf32, #tpu.memory_space<vmem>> -> memref<1x128x128xf32, #tpu.memory_space<vmem>>
    %dma_wait3A_25 = tpu.memref_squeeze %dma_wait3A_24 : memref<1x128x128xf32, #tpu.memory_space<vmem>> -> memref<128x128xf32, #tpu.memory_space<vmem>>
    %dma_wait3A_26 = arith.constant 0 : i32
    %dma_wait3A_27 = tpu.memref_slice %arg11[%dma_wait3A_20, %dma_wait3A_21, %dma_wait3A_26] : memref<2x8x128xi32, #tpu.memory_space<vmem>> -> memref<1x1x128xi32, #tpu.memory_space<vmem>>
    %dma_wait3A_28 = tpu.memref_squeeze %dma_wait3A_27 : memref<1x1x128xi32, #tpu.memory_space<vmem>> -> memref<128xi32, #tpu.memory_space<vmem>>
    %dma_wait3A_29 = arith.constant 0 : i32
    %dma_wait3A_30 = arith.constant 0 : i32
    %dma_wait3A_31 = tpu.memref_slice %arg14[%dma_wait3A_29, %dma_wait3A_30] : memref<10112x128xf32, #tpu.memory_space<vmem_shared>> -> memref<10112x128xf32, #tpu.memory_space<vmem_shared>>
    tpu.wait_indirect_dma semaphore(%arg19 : memref<!tpu.dma_semaphore, #tpu.memory_space<semaphore_mem>>) src(%dma_wait3A_25 : memref<128x128xf32, #tpu.memory_space<vmem>>) dst(%dma_wait3A_31 : memref<10112x128xf32, #tpu.memory_space<vmem_shared>>)
    %dma_wait3A_32 = arith.constant 0 : i32
    %dma_wait3A_33 = arith.constant 0 : i32
    %dma_wait3A_34 = arith.constant 0 : i32
    %dma_wait3A_35 = tpu.memref_slice %arg11[%dma_wait3A_32, %dma_wait3A_33, %dma_wait3A_34] : memref<2x8x128xi32, #tpu.memory_space<vmem>> -> memref<1x1x128xi32, #tpu.memory_space<vmem>>
    %dma_wait3A_36 = tpu.memref_squeeze %dma_wait3A_35 : memref<1x1x128xi32, #tpu.memory_space<vmem>> -> memref<128xi32, #tpu.memory_space<vmem>>
    %dma_wait3A_37 = arith.constant 0 : i32
    %dma_wait3A_38 = tpu.memref_slice %arg15[%dma_wait3A_37] : memref<10112xf32, #tpu.memory_space<vmem_shared>> -> memref<10112xf32, #tpu.memory_space<vmem_shared>>
    tpu.wait_indirect_dma semaphore(%arg21 : memref<!tpu.dma_semaphore, #tpu.memory_space<semaphore_mem>>) src(%arg13 : memref<128xf32, #tpu.memory_space<vmem>>) dst(%dma_wait3A_38 : memref<10112xf32, #tpu.memory_space<vmem_shared>>)
    %barrier3A_39 = arith.constant 0 : index
    tpu.barrier barrier_id(%barrier3A_39)
    %mul3A_40 = arith.constant 10112 : i32
    %mul3A_41 = arith.muli %arg0, %mul3A_40 : i32
    %add3A_42 = arith.addi %mul3A_41, %mul3A_2 : i32
    "tpu.region"() ({
      %run_scoped3A_48 = tpu.sem_alloc : memref<!tpu.dma_semaphore, #tpu.memory_space<semaphore_mem>>
      %dma_start3A_49 = arith.constant 0 : i32
      %dma_start3A_50 = tpu.memref_slice %arg8[%add3A_42, %dma_start3A_49] : memref<20224x128xf32, #tpu.memory_space<hbm>> -> memref<632x128xf32, #tpu.memory_space<hbm>>
      %dma_start3A_51 = arith.constant 0 : i32
      %dma_start3A_52 = tpu.memref_slice %arg14[%mul3A_2, %dma_start3A_51] : memref<10112x128xf32, #tpu.memory_space<vmem_shared>> -> memref<632x128xf32, #tpu.memory_space<vmem_shared>>
      tpu.enqueue_dma source(%dma_start3A_52 : memref<632x128xf32, #tpu.memory_space<vmem_shared>>) target(%dma_start3A_50 : memref<632x128xf32, #tpu.memory_space<hbm>>) target_semaphore(%run_scoped3A_48 : memref<!tpu.dma_semaphore, #tpu.memory_space<semaphore_mem>>)
      %dma_wait3A_53 = arith.constant 0 : i32
      %dma_wait3A_54 = tpu.memref_slice %arg8[%add3A_42, %dma_wait3A_53] : memref<20224x128xf32, #tpu.memory_space<hbm>> -> memref<632x128xf32, #tpu.memory_space<hbm>>
      %dma_wait3A_55 = arith.constant 0 : i32
      %dma_wait3A_56 = tpu.memref_slice %arg14[%mul3A_2, %dma_wait3A_55] : memref<10112x128xf32, #tpu.memory_space<vmem_shared>> -> memref<632x128xf32, #tpu.memory_space<vmem_shared>>
      tpu.wait_dma2 semaphore(%run_scoped3A_48 : memref<!tpu.dma_semaphore, #tpu.memory_space<semaphore_mem>>) src(%dma_wait3A_56 : memref<632x128xf32, #tpu.memory_space<vmem_shared>>) dst(%dma_wait3A_54 : memref<632x128xf32, #tpu.memory_space<hbm>>)
      tpu.yield
    }) : () -> ()
    %eq3A_43 = arith.constant 0 : i32
    %eq3A_44 = arith.cmpi eq, %arg1, %eq3A_43 : i32
    %convert_element_type3A_45 = arith.extui %eq3A_44 : i1 to i32
    %cond3A_46 = arith.constant 0 : i32
    %cond3A_47 = arith.cmpi ne, %convert_element_type3A_45, %cond3A_46 : i32
    scf.if %cond3A_47 {
      %mul3A_48 = arith.constant 10112 : i32
      %mul3A_49 = arith.muli %arg0, %mul3A_48 : i32
      "tpu.region"() ({
        %run_scoped3A_50 = tpu.sem_alloc : memref<!tpu.dma_semaphore, #tpu.memory_space<semaphore_mem>>
        %dma_start3A_51 = tpu.memref_slice %arg9[%mul3A_49] : memref<20224xf32, #tpu.memory_space<hbm>> -> memref<10112xf32, #tpu.memory_space<hbm>>
        tpu.enqueue_dma source(%arg15 : memref<10112xf32, #tpu.memory_space<vmem_shared>>) target(%dma_start3A_51 : memref<10112xf32, #tpu.memory_space<hbm>>) target_semaphore(%run_scoped3A_50 : memref<!tpu.dma_semaphore, #tpu.memory_space<semaphore_mem>>)
        %dma_wait3A_52 = tpu.memref_slice %arg9[%mul3A_49] : memref<20224xf32, #tpu.memory_space<hbm>> -> memref<10112xf32, #tpu.memory_space<hbm>>
        tpu.wait_dma2 semaphore(%run_scoped3A_50 : memref<!tpu.dma_semaphore, #tpu.memory_space<semaphore_mem>>) src(%arg15 : memref<10112xf32, #tpu.memory_space<vmem_shared>>) dst(%dma_wait3A_52 : memref<10112xf32, #tpu.memory_space<hbm>>)
        tpu.yield
      }) : () -> ()
    } else {
    }
    return
  }
}

module attributes {stable_mosaic.version = 14 : i64} {
  func.func @body(%arg0: i32, %arg1: memref<2000x128xf32, #tpu.memory_space<vmem>>, %arg2: memref<2x2000x128xf32, #tpu.memory_space<vmem>>, %arg3: memref<2x2000x1xf32, #tpu.memory_space<vmem>>, %arg4: memref<128x128xf32, #tpu.memory_space<vmem>>, %arg5: memref<128x128xf32, #tpu.memory_space<vmem>>, %arg6: memref<1x128xf32, #tpu.memory_space<vmem>>, %arg7: memref<2000x128xf32, #tpu.memory_space<vmem>>) attributes {dimension_semantics = [#tpu.dimension_semantics<arbitrary>], iteration_bounds = array<i64: 5>, scalar_prefetch = 0 : i64, scratch_operands = 0 : i64, tpu.core_type = #tpu.core_type<tc>, window_params = [{transform_indices = @transform_0, window_bounds = array<i64: 2000, 128>}, {transform_indices = @transform_1, window_bounds = array<i64: 2, 2000, 128>}, {transform_indices = @transform_2, window_bounds = array<i64: 2, 2000, 1>}, {pipeline_mode = #tpu.pipeline_mode<synchronous>, transform_indices = @transform_3, window_bounds = array<i64: 128, 128>}, {pipeline_mode = #tpu.pipeline_mode<synchronous>, transform_indices = @transform_4, window_bounds = array<i64: 128, 128>}, {pipeline_mode = #tpu.pipeline_mode<synchronous>, transform_indices = @transform_5, window_bounds = array<i64: 1, 128>}, {transform_indices = @transform_6, window_bounds = array<i64: 2000, 128>}]} {
    %get3A = arith.constant 0 : index
    %get3A_0 = arith.constant 0 : index
    %get3A_1 = arith.constant 0 : index
    %get3A_2 = vector.load %arg3[%get3A, %get3A_0, %get3A_1] : memref<2x2000x1xf32, #tpu.memory_space<vmem>>, vector<1x2000x1xf32>
    %get3A_3 = vector.shape_cast %get3A_2 : vector<1x2000x1xf32> to vector<2000x1xf32>
    %get3A_4 = arith.constant 1 : index
    %get3A_5 = arith.constant 0 : index
    %get3A_6 = arith.constant 0 : index
    %get3A_7 = vector.load %arg3[%get3A_4, %get3A_5, %get3A_6] : memref<2x2000x1xf32, #tpu.memory_space<vmem>>, vector<1x2000x1xf32>
    %get3A_8 = vector.shape_cast %get3A_7 : vector<1x2000x1xf32> to vector<2000x1xf32>
    %add3A = arith.addf %get3A_3, %get3A_8 : vector<2000x1xf32>
    %max3A = arith.constant 1.000000e+00 : f32
    %max3A_9 = vector.broadcast %max3A : f32 to vector<2000x1xf32>
    %max3A_10 = arith.maximumf %add3A, %max3A_9 : vector<2000x1xf32>
    %div3A = arith.constant 1.000000e+00 : f32
    %div3A_11 = vector.broadcast %div3A : f32 to vector<2000x1xf32>
    %div3A_12 = arith.divf %div3A_11, %max3A_10 : vector<2000x1xf32>
    %get3A_13 = arith.constant 0 : index
    %get3A_14 = arith.constant 0 : index
    %get3A_15 = arith.constant 0 : index
    %get3A_16 = vector.load %arg2[%get3A_13, %get3A_14, %get3A_15] : memref<2x2000x128xf32, #tpu.memory_space<vmem>>, vector<1x2000x128xf32>
    %get3A_17 = vector.shape_cast %get3A_16 : vector<1x2000x128xf32> to vector<2000x128xf32>
    %get3A_18 = arith.constant 1 : index
    %get3A_19 = arith.constant 0 : index
    %get3A_20 = arith.constant 0 : index
    %get3A_21 = vector.load %arg2[%get3A_18, %get3A_19, %get3A_20] : memref<2x2000x128xf32, #tpu.memory_space<vmem>>, vector<1x2000x128xf32>
    %get3A_22 = vector.shape_cast %get3A_21 : vector<1x2000x128xf32> to vector<2000x128xf32>
    %add3A_23 = arith.addf %get3A_17, %get3A_22 : vector<2000x128xf32>
    %mul3A = vector.broadcast %div3A_12 : vector<2000x1xf32> to vector<2000x128xf32>
    %mul3A_24 = arith.mulf %add3A_23, %mul3A : vector<2000x128xf32>
    %get3A_25 = arith.constant 0 : index
    %get3A_26 = arith.constant 0 : index
    %get3A_27 = vector.load %arg1[%get3A_25, %get3A_26] : memref<2000x128xf32, #tpu.memory_space<vmem>>, vector<2000x128xf32>
    %get3A_28 = arith.constant 0 : index
    %get3A_29 = arith.constant 0 : index
    %get3A_30 = vector.load %arg4[%get3A_28, %get3A_29] : memref<128x128xf32, #tpu.memory_space<vmem>>, vector<128x128xf32>
    %dot_general3A = arith.constant dense<0.000000e+00> : vector<2000x128xf32>
    %dot_general3A_31 = tpu.matmul %get3A_27, %get3A_30, %dot_general3A {dimension_numbers = #tpu.dot_dimension_numbers<[1], [0], [0], [1], [0, 0, 1, 1], [], []>, transpose_lhs_hint = false} : vector<2000x128xf32>, vector<128x128xf32>, vector<2000x128xf32> -> vector<2000x128xf32>
    %get3A_32 = arith.constant 0 : index
    %get3A_33 = arith.constant 0 : index
    %get3A_34 = vector.load %arg5[%get3A_32, %get3A_33] : memref<128x128xf32, #tpu.memory_space<vmem>>, vector<128x128xf32>
    %dot_general3A_35 = arith.constant dense<0.000000e+00> : vector<2000x128xf32>
    %dot_general3A_36 = tpu.matmul %mul3A_24, %get3A_34, %dot_general3A_35 {dimension_numbers = #tpu.dot_dimension_numbers<[1], [0], [0], [1], [0, 0, 1, 1], [], []>, transpose_lhs_hint = false} : vector<2000x128xf32>, vector<128x128xf32>, vector<2000x128xf32> -> vector<2000x128xf32>
    %add3A_37 = arith.addf %dot_general3A_31, %dot_general3A_36 : vector<2000x128xf32>
    %get3A_38 = arith.constant 0 : index
    %get3A_39 = arith.constant 0 : index
    %get3A_40 = vector.load %arg6[%get3A_38, %get3A_39] : memref<1x128xf32, #tpu.memory_space<vmem>>, vector<1x128xf32>
    %add3A_41 = vector.broadcast %get3A_40 : vector<1x128xf32> to vector<2000x128xf32>
    %add3A_42 = arith.addf %add3A_37, %add3A_41 : vector<2000x128xf32>
    %max3A_43 = arith.constant 0.000000e+00 : f32
    %max3A_44 = vector.broadcast %max3A_43 : f32 to vector<2000x128xf32>
    %max3A_45 = arith.maximumf %add3A_42, %max3A_44 : vector<2000x128xf32>
    %swap3A = arith.constant 0 : index
    %swap3A_46 = arith.constant 0 : index
    %swap3A_47 = vector.load %arg7[%swap3A, %swap3A_46] : memref<2000x128xf32, #tpu.memory_space<vmem>>, vector<2000x128xf32>
    tpu.vector_store %arg7[%swap3A, %swap3A_46], %max3A_45 {strides = array<i32>} : memref<2000x128xf32, #tpu.memory_space<vmem>>, vector<2000x128xf32>,
    return
  }
  func.func @transform_0(%arg0: i32) -> (i32, i32) {
    %c0_i32 = arith.constant 0 : i32
    %c0_i32_0 = arith.constant 0 : i32
    return %arg0, %c0_i32 : i32, i32
  }
  func.func @transform_1(%arg0: i32) -> (i32, i32, i32) {
    %c0_i32 = arith.constant 0 : i32
    %c0_i32_0 = arith.constant 0 : i32
    %c0_i32_1 = arith.constant 0 : i32
    return %c0_i32, %arg0, %c0_i32_0 : i32, i32, i32
  }
  func.func @transform_2(%arg0: i32) -> (i32, i32, i32) {
    %c0_i32 = arith.constant 0 : i32
    %c0_i32_0 = arith.constant 0 : i32
    %c0_i32_1 = arith.constant 0 : i32
    return %c0_i32, %arg0, %c0_i32_0 : i32, i32, i32
  }
  func.func @transform_3(%arg0: i32) -> (i32, i32) {
    %c0_i32 = arith.constant 0 : i32
    %c0_i32_0 = arith.constant 0 : i32
    %c0_i32_1 = arith.constant 0 : i32
    return %c0_i32, %c0_i32_0 : i32, i32
  }
  func.func @transform_4(%arg0: i32) -> (i32, i32) {
    %c0_i32 = arith.constant 0 : i32
    %c0_i32_0 = arith.constant 0 : i32
    %c0_i32_1 = arith.constant 0 : i32
    return %c0_i32, %c0_i32_0 : i32, i32
  }
  func.func @transform_5(%arg0: i32) -> (i32, i32) {
    %c0_i32 = arith.constant 0 : i32
    %c0_i32_0 = arith.constant 0 : i32
    %c0_i32_1 = arith.constant 0 : i32
    return %c0_i32, %c0_i32_0 : i32, i32
  }
  func.func @transform_6(%arg0: i32) -> (i32, i32) {
    %c0_i32 = arith.constant 0 : i32
    %c0_i32_0 = arith.constant 0 : i32
    return %arg0, %c0_i32 : i32, i32
  }
}

module attributes {stable_mosaic.version = 14 : i64} {
  func.func @body(%arg0: i32, %arg1: memref<2000x128xf32, #tpu.memory_space<vmem>>, %arg2: memref<2x2000x128xf32, #tpu.memory_space<vmem>>, %arg3: memref<2x2000x1xf32, #tpu.memory_space<vmem>>, %arg4: memref<128x128xf32, #tpu.memory_space<vmem>>, %arg5: memref<128x128xf32, #tpu.memory_space<vmem>>, %arg6: memref<1x128xf32, #tpu.memory_space<vmem>>, %arg7: memref<256x256xf32, #tpu.memory_space<vmem>>, %arg8: memref<1x256xf32, #tpu.memory_space<vmem>>, %arg9: memref<256x24xf32, #tpu.memory_space<vmem>>, %arg10: memref<1x24xf32, #tpu.memory_space<vmem>>, %arg11: memref<2000x24xf32, #tpu.memory_space<vmem>>) attributes {dimension_semantics = [#tpu.dimension_semantics<arbitrary>], iteration_bounds = array<i64: 5>, scalar_prefetch = 0 : i64, scratch_operands = 0 : i64, tpu.core_type = #tpu.core_type<tc>, window_params = [{transform_indices = @transform_0, window_bounds = array<i64: 2000, 128>}, {transform_indices = @transform_1, window_bounds = array<i64: 2, 2000, 128>}, {transform_indices = @transform_2, window_bounds = array<i64: 2, 2000, 1>}, {pipeline_mode = #tpu.pipeline_mode<synchronous>, transform_indices = @transform_3, window_bounds = array<i64: 128, 128>}, {pipeline_mode = #tpu.pipeline_mode<synchronous>, transform_indices = @transform_4, window_bounds = array<i64: 128, 128>}, {pipeline_mode = #tpu.pipeline_mode<synchronous>, transform_indices = @transform_5, window_bounds = array<i64: 1, 128>}, {pipeline_mode = #tpu.pipeline_mode<synchronous>, transform_indices = @transform_6, window_bounds = array<i64: 256, 256>}, {pipeline_mode = #tpu.pipeline_mode<synchronous>, transform_indices = @transform_7, window_bounds = array<i64: 1, 256>}, {pipeline_mode = #tpu.pipeline_mode<synchronous>, transform_indices = @transform_8, window_bounds = array<i64: 256, 24>}, {pipeline_mode = #tpu.pipeline_mode<synchronous>, transform_indices = @transform_9, window_bounds = array<i64: 1, 24>}, {transform_indices = @transform_10, window_bounds = array<i64: 2000, 24>}]} {
    %get3A = arith.constant 0 : index
    %get3A_0 = arith.constant 0 : index
    %get3A_1 = arith.constant 0 : index
    %get3A_2 = vector.load %arg3[%get3A, %get3A_0, %get3A_1] : memref<2x2000x1xf32, #tpu.memory_space<vmem>>, vector<1x2000x1xf32>
    %get3A_3 = vector.shape_cast %get3A_2 : vector<1x2000x1xf32> to vector<2000x1xf32>
    %get3A_4 = arith.constant 1 : index
    %get3A_5 = arith.constant 0 : index
    %get3A_6 = arith.constant 0 : index
    %get3A_7 = vector.load %arg3[%get3A_4, %get3A_5, %get3A_6] : memref<2x2000x1xf32, #tpu.memory_space<vmem>>, vector<1x2000x1xf32>
    %get3A_8 = vector.shape_cast %get3A_7 : vector<1x2000x1xf32> to vector<2000x1xf32>
    %add3A = arith.addf %get3A_3, %get3A_8 : vector<2000x1xf32>
    %max3A = arith.constant 1.000000e+00 : f32
    %max3A_9 = vector.broadcast %max3A : f32 to vector<2000x1xf32>
    %max3A_10 = arith.maximumf %add3A, %max3A_9 : vector<2000x1xf32>
    %div3A = arith.constant 1.000000e+00 : f32
    %div3A_11 = vector.broadcast %div3A : f32 to vector<2000x1xf32>
    %div3A_12 = arith.divf %div3A_11, %max3A_10 : vector<2000x1xf32>
    %get3A_13 = arith.constant 0 : index
    %get3A_14 = arith.constant 0 : index
    %get3A_15 = arith.constant 0 : index
    %get3A_16 = vector.load %arg2[%get3A_13, %get3A_14, %get3A_15] : memref<2x2000x128xf32, #tpu.memory_space<vmem>>, vector<1x2000x128xf32>
    %get3A_17 = vector.shape_cast %get3A_16 : vector<1x2000x128xf32> to vector<2000x128xf32>
    %get3A_18 = arith.constant 1 : index
    %get3A_19 = arith.constant 0 : index
    %get3A_20 = arith.constant 0 : index
    %get3A_21 = vector.load %arg2[%get3A_18, %get3A_19, %get3A_20] : memref<2x2000x128xf32, #tpu.memory_space<vmem>>, vector<1x2000x128xf32>
    %get3A_22 = vector.shape_cast %get3A_21 : vector<1x2000x128xf32> to vector<2000x128xf32>
    %add3A_23 = arith.addf %get3A_17, %get3A_22 : vector<2000x128xf32>
    %mul3A = vector.broadcast %div3A_12 : vector<2000x1xf32> to vector<2000x128xf32>
    %mul3A_24 = arith.mulf %add3A_23, %mul3A : vector<2000x128xf32>
    %get3A_25 = arith.constant 0 : index
    %get3A_26 = arith.constant 0 : index
    %get3A_27 = vector.load %arg1[%get3A_25, %get3A_26] : memref<2000x128xf32, #tpu.memory_space<vmem>>, vector<2000x128xf32>
    %get3A_28 = arith.constant 0 : index
    %get3A_29 = arith.constant 0 : index
    %get3A_30 = vector.load %arg4[%get3A_28, %get3A_29] : memref<128x128xf32, #tpu.memory_space<vmem>>, vector<128x128xf32>
    %dot_general3A = arith.constant dense<0.000000e+00> : vector<2000x128xf32>
    %dot_general3A_31 = tpu.matmul %get3A_27, %get3A_30, %dot_general3A {dimension_numbers = #tpu.dot_dimension_numbers<[1], [0], [0], [1], [0, 0, 1, 1], [], []>, transpose_lhs_hint = false} : vector<2000x128xf32>, vector<128x128xf32>, vector<2000x128xf32> -> vector<2000x128xf32>
    %get3A_32 = arith.constant 0 : index
    %get3A_33 = arith.constant 0 : index
    %get3A_34 = vector.load %arg5[%get3A_32, %get3A_33] : memref<128x128xf32, #tpu.memory_space<vmem>>, vector<128x128xf32>
    %dot_general3A_35 = arith.constant dense<0.000000e+00> : vector<2000x128xf32>
    %dot_general3A_36 = tpu.matmul %mul3A_24, %get3A_34, %dot_general3A_35 {dimension_numbers = #tpu.dot_dimension_numbers<[1], [0], [0], [1], [0, 0, 1, 1], [], []>, transpose_lhs_hint = false} : vector<2000x128xf32>, vector<128x128xf32>, vector<2000x128xf32> -> vector<2000x128xf32>
    %add3A_37 = arith.addf %dot_general3A_31, %dot_general3A_36 : vector<2000x128xf32>
    %get3A_38 = arith.constant 0 : index
    %get3A_39 = arith.constant 0 : index
    %get3A_40 = vector.load %arg6[%get3A_38, %get3A_39] : memref<1x128xf32, #tpu.memory_space<vmem>>, vector<1x128xf32>
    %add3A_41 = vector.broadcast %get3A_40 : vector<1x128xf32> to vector<2000x128xf32>
    %add3A_42 = arith.addf %add3A_37, %add3A_41 : vector<2000x128xf32>
    %max3A_43 = arith.constant 0.000000e+00 : f32
    %max3A_44 = vector.broadcast %max3A_43 : f32 to vector<2000x128xf32>
    %max3A_45 = arith.maximumf %add3A_42, %max3A_44 : vector<2000x128xf32>
    %get3A_46 = arith.constant 0 : index
    %get3A_47 = arith.constant 0 : index
    %get3A_48 = vector.load %arg7[%get3A_46, %get3A_47] : memref<256x256xf32, #tpu.memory_space<vmem>>, vector<128x256xf32>
    %dot_general3A_49 = arith.constant dense<0.000000e+00> : vector<2000x256xf32>
    %dot_general3A_50 = tpu.matmul %get3A_27, %get3A_48, %dot_general3A_49 {dimension_numbers = #tpu.dot_dimension_numbers<[1], [0], [0], [1], [0, 0, 1, 1], [], []>, transpose_lhs_hint = false} : vector<2000x128xf32>, vector<128x256xf32>, vector<2000x256xf32> -> vector<2000x256xf32>
    %get3A_51 = arith.constant 128 : index
    %get3A_52 = arith.constant 0 : index
    %get3A_53 = vector.load %arg7[%get3A_51, %get3A_52] : memref<256x256xf32, #tpu.memory_space<vmem>>, vector<128x256xf32>
    %dot_general3A_54 = arith.constant dense<0.000000e+00> : vector<2000x256xf32>
    %dot_general3A_55 = tpu.matmul %max3A_45, %get3A_53, %dot_general3A_54 {dimension_numbers = #tpu.dot_dimension_numbers<[1], [0], [0], [1], [0, 0, 1, 1], [], []>, transpose_lhs_hint = false} : vector<2000x128xf32>, vector<128x256xf32>, vector<2000x256xf32> -> vector<2000x256xf32>
    %add3A_56 = arith.addf %dot_general3A_50, %dot_general3A_55 : vector<2000x256xf32>
    %get3A_57 = arith.constant 0 : index
    %get3A_58 = arith.constant 0 : index
    %get3A_59 = vector.load %arg8[%get3A_57, %get3A_58] : memref<1x256xf32, #tpu.memory_space<vmem>>, vector<1x256xf32>
    %add3A_60 = vector.broadcast %get3A_59 : vector<1x256xf32> to vector<2000x256xf32>
    %add3A_61 = arith.addf %add3A_56, %add3A_60 : vector<2000x256xf32>
    %max3A_62 = arith.constant 0.000000e+00 : f32
    %max3A_63 = vector.broadcast %max3A_62 : f32 to vector<2000x256xf32>
    %max3A_64 = arith.maximumf %add3A_61, %max3A_63 : vector<2000x256xf32>
    %get3A_65 = arith.constant 0 : index
    %get3A_66 = arith.constant 0 : index
    %get3A_67 = vector.load %arg9[%get3A_65, %get3A_66] : memref<256x24xf32, #tpu.memory_space<vmem>>, vector<256x24xf32>
    %dot_general3A_68 = arith.constant dense<0.000000e+00> : vector<2000x24xf32>
    %dot_general3A_69 = tpu.matmul %max3A_64, %get3A_67, %dot_general3A_68 {dimension_numbers = #tpu.dot_dimension_numbers<[1], [0], [0], [1], [0, 0, 1, 1], [], []>, transpose_lhs_hint = false} : vector<2000x256xf32>, vector<256x24xf32>, vector<2000x24xf32> -> vector<2000x24xf32>
    %get3A_70 = arith.constant 0 : index
    %get3A_71 = arith.constant 0 : index
    %get3A_72 = vector.load %arg10[%get3A_70, %get3A_71] : memref<1x24xf32, #tpu.memory_space<vmem>>, vector<1x24xf32>
    %add3A_73 = vector.broadcast %get3A_72 : vector<1x24xf32> to vector<2000x24xf32>
    %add3A_74 = arith.addf %dot_general3A_69, %add3A_73 : vector<2000x24xf32>
    %swap3A = arith.constant 0 : index
    %swap3A_75 = arith.constant 0 : index
    %swap3A_76 = vector.load %arg11[%swap3A, %swap3A_75] : memref<2000x24xf32, #tpu.memory_space<vmem>>, vector<2000x24xf32>
    tpu.vector_store %arg11[%swap3A, %swap3A_75], %add3A_74 {strides = array<i32>} : memref<2000x24xf32, #tpu.memory_space<vmem>>, vector<2000x24xf32>,
    return
  }
  func.func @transform_0(%arg0: i32) -> (i32, i32) {
    %c0_i32 = arith.constant 0 : i32
    %c0_i32_0 = arith.constant 0 : i32
    return %arg0, %c0_i32 : i32, i32
  }
  func.func @transform_1(%arg0: i32) -> (i32, i32, i32) {
    %c0_i32 = arith.constant 0 : i32
    %c0_i32_0 = arith.constant 0 : i32
    %c0_i32_1 = arith.constant 0 : i32
    return %c0_i32, %arg0, %c0_i32_0 : i32, i32, i32
  }
  func.func @transform_2(%arg0: i32) -> (i32, i32, i32) {
    %c0_i32 = arith.constant 0 : i32
    %c0_i32_0 = arith.constant 0 : i32
    %c0_i32_1 = arith.constant 0 : i32
    return %c0_i32, %arg0, %c0_i32_0 : i32, i32, i32
  }
  func.func @transform_3(%arg0: i32) -> (i32, i32) {
    %c0_i32 = arith.constant 0 : i32
    %c0_i32_0 = arith.constant 0 : i32
    %c0_i32_1 = arith.constant 0 : i32
    return %c0_i32, %c0_i32_0 : i32, i32
  }
  func.func @transform_4(%arg0: i32) -> (i32, i32) {
    %c0_i32 = arith.constant 0 : i32
    %c0_i32_0 = arith.constant 0 : i32
    %c0_i32_1 = arith.constant 0 : i32
    return %c0_i32, %c0_i32_0 : i32, i32
  }
  func.func @transform_5(%arg0: i32) -> (i32, i32) {
    %c0_i32 = arith.constant 0 : i32
    %c0_i32_0 = arith.constant 0 : i32
    %c0_i32_1 = arith.constant 0 : i32
    return %c0_i32, %c0_i32_0 : i32, i32
  }
  func.func @transform_6(%arg0: i32) -> (i32, i32) {
    %c0_i32 = arith.constant 0 : i32
    %c0_i32_0 = arith.constant 0 : i32
    %c0_i32_1 = arith.constant 0 : i32
    return %c0_i32, %c0_i32_0 : i32, i32
  }
  func.func @transform_7(%arg0: i32) -> (i32, i32) {
    %c0_i32 = arith.constant 0 : i32
    %c0_i32_0 = arith.constant 0 : i32
    %c0_i32_1 = arith.constant 0 : i32
    return %c0_i32, %c0_i32_0 : i32, i32
  }
  func.func @transform_8(%arg0: i32) -> (i32, i32) {
    %c0_i32 = arith.constant 0 : i32
    %c0_i32_0 = arith.constant 0 : i32
    %c0_i32_1 = arith.constant 0 : i32
    return %c0_i32, %c0_i32_0 : i32, i32
  }
  func.func @transform_9(%arg0: i32) -> (i32, i32) {
    %c0_i32 = arith.constant 0 : i32
    %c0_i32_0 = arith.constant 0 : i32
    %c0_i32_1 = arith.constant 0 : i32
    return %c0_i32, %c0_i32_0 : i32, i32
  }
  func.func @transform_10(%arg0: i32) -> (i32, i32) {
    %c0_i32 = arith.constant 0 : i32
    %c0_i32_0 = arith.constant 0 : i32
    return %arg0, %c0_i32 : i32, i32
  }
}

</mosaic_0001>

<sc_bundles>
// kernel: sc_gather_scatter_add.4.cloned.1.call-start
scs
__scs_entry_jumppad:
0x0: {  	(pc) =	sbr.rel $0x88, $3  }
0x1: {  	(tag) =	ssettag $0x0;
	lr =	simm.s32 $0x1  }
0x2: {  	[smem:$0x3F95] =	sst lr;
	_ =	strace $0xD0000000  }
0x3: {  	_ = 	snop  }
0x4: {  	_ = 	snop  }
0x5: {  	_ = 	snop  }
0x6: {  	_ = 	snop  }
0x7: {  	_ = 	snop  }
__scs_overlays_trampoline_lowered:
0x8: {  	[smem:$0x3FA4] =	sst s0  }
0x9: {  	[smem:$0x3FA5] =	sst s1  }
0xa: {  	[smem:$0x3FA6] =	sst s2  }
0xb: {  	[smem:$0x3FA7] =	sst s3  }
0xc: {  	[smem:$0x3FA8] =	sst s4  }
0xd: {  	[smem:$0x3FA9] =	sst s5  }
0xe: {  	[smem:$0x3FAA] =	sst s6  }
0xf: {  	[smem:$0x3FAB] =	sst s7  }
0x10: {  	[smem:$0x3FAC] =	sst s8  }
0x11: {  	[smem:$0x3FAD] =	sst s9;
	s0 =	simm.s32 @!p0 $0x0  }
0x12: {  	s1 =	sld [smem:$0x3F93];
	s0 =	simm.s32 @p0 $0x1  }
0x13: {  	[smem:$0x3FAE] =	sst s0;
	s0 =	simm.s32 @!p1 $0x0  }
0x14: {  	s2 =	sld [smem:$0x3F92];
	s0 =	simm.s32 @p1 $0x1  }
0x15: {  	[smem:$0x3FAF] =	sst s0;
	s0 =	simm.s32 @!p2 $0x0  }
0x16: {  	s3 =	sld [smem:$0x3FDB];
	s0 =	simm.s32 @p2 $0x1  }
0x17: {  	s4 =	simm.s32 $0x1BF5;
	[smem:$0x3FB1] =	sst s0  }
0x18: {  	s0 =	sld [smem:$0x3F94];
	_ =	swait.ge [sflag:s4], $0x0  }
0x19: {  	s7 =	sld [smem:$0x3F95]  }
0x1a: {  	s8 =	sadd.s32 $0xFFFFE003, lr  }
0x1b: {  	s9 =	sadd.s32 $0xFFFFFEF7, lr;
	s5 =	simm.s32 $0xFFFFFFFF;
	p2 =	slt.u32 s8, $0xFFFFF086  }
0x1c: {  	p1 =	slt.u32 s9, $0xF7A;
	s5 =	simm.s32 @!p2 $0x0  }
0x1d: {  	s5 =	simm.s32 @p1 $0x1;
	p0 =	seq.s32 s7, s2  }
0x1e: {  	s7 =	smul.u32 @!p0 $0xF7A, s2;
	p2 =	seq.s32 @!p0 s5, $0x0  }
0x1f: {  	s9 =	smul.u32 $0xF7A, s1;
	s8 =	simm.s32 @!p0 $0x1BF5;
	p2 =	por !p2, p0  }
0x20: {  	[sflag:s8] =	ssyncset.s32 @!p0 $0xFFFFF086;
	s6 =	sadd.s32 @!p0 s3, s7;
	s7 =	simm.s32 @!p0 $0x108  }
0x21: {  	s3 =	sadd.s32 s3, s9;
	s6 =	sadd.s32 @!p0 $0x88, s6;
	s7 =	simm.s32 @p2 $0x1082  }
0x22: {  	[simem:s7], [sflag:s8] =	dma.local @!p0 [hbm:s6], $0xF7A  }
0x23: {  	s9 =	sor.u32 $0xD0000000, s2;
	s6 =	simm.s32 $0x108;
	_ =	swait.ge @!p0 [sflag:s8], $0x0  }
0x24: {  	s3 =	sadd.s32 $0x88, s3;
	s6 =	simm.s32 @!p1 $0x1082;
	[sflag:s4] =	ssyncset.s32 $0xFFFFF086  }
0x25: {  	[simem:s6], [sflag:s4] =	dma.local [hbm:s3], $0xF7A  }
0x26: {  	[smem:$0x3F95] =	sst s1;
	(tag) =	ssettag s2;
	_ =	strace s9  }
0x27: {  	s1 =	sld [smem:$0x3FA5]  }
0x28: {  	s2 =	sld [smem:$0x3FA6]  }
0x29: {  	s4 =	sld [smem:$0x3FA8]  }
0x2a: {  	p0 =	seq.s32 s5, $0x0;
	s5 =	sld [smem:$0x3FA9]  }
0x2b: {  	s6 =	sld [smem:$0x3FAA]  }
0x2c: {  	s7 =	sld [smem:$0x3FAB]  }
0x2d: {  	s3 =	simm.s32 $0x108;
	s8 =	sld [smem:$0x3FAC]  }
0x2e: {  	s3 =	simm.s32 @!p0 $0x1082;
	s9 =	sld [smem:$0x3FAD]  }
0x2f: {  	lr =	sadd.s32 s0, s3;
	s0 =	sld [smem:$0x3FA4]  }
0x30: {  	s3 =	sld [smem:$0x3FA7]  }
0x31: {  	[smem:$0x3FB0] =	sst s10  }
0x32: {  	s10 =	sld [smem:$0x3FAE];
	_ =	sdelay $0x3  }
0x33: {  	p0 =	seq.s32 s10, $0x1;
	s10 =	sld [smem:$0x3FB0];
	_ =	sdelay $0x3  }
0x34: {  	[smem:$0x3FB0] =	sst s10  }
0x35: {  	s10 =	sld [smem:$0x3FAF];
	_ =	sdelay $0x3  }
0x36: {  	p1 =	seq.s32 s10, $0x1;
	s10 =	sld [smem:$0x3FB0];
	_ =	sdelay $0x3  }
0x37: {  	[smem:$0x3FB0] =	sst s10  }
0x38: {  	s10 =	sld [smem:$0x3FB1]  }
0x39: {  	_ = 	snop;
	(pc) =	sbr.ind lr, $3  }
0x3a: {  	_ = 	snop  }
0x3b: {  	_ = 	snop  }
0x3c: {  	p2 =	seq.s32 s10, $0x1;
	s10 =	sld [smem:$0x3FB0]  }
0x3d: {  	_ =	shalt  }
0x3e: {  	_ =	shalt  }
0x3f: {  	_ =	shalt  }
0x40: {  	_ =	shalt  }
0x41: {  	_ =	shalt  }
0x42: {  	_ =	shalt  }
0x43: {  	_ =	shalt  }
0x44: {  	_ =	shalt  }
0x45: {  	_ =	shalt  }
0x46: {  	_ =	shalt  }
0x47: {  	_ =	shalt  }
0x48: {  	_ =	shalt  }
0x49: {  	_ =	shalt  }
0x4a: {  	_ =	shalt  }
0x4b: {  	_ =	shalt  }
0x4c: {  	_ =	shalt  }
0x4d: {  	_ =	shalt  }
0x4e: {  	_ =	shalt  }
0x4f: {  	_ =	shalt  }
0x50: {  	_ =	shalt  }
0x51: {  	_ =	shalt  }
0x52: {  	_ =	shalt  }
0x53: {  	_ =	shalt  }
0x54: {  	_ =	shalt  }
0x55: {  	_ =	shalt  }
0x56: {  	_ =	shalt  }
0x57: {  	_ =	shalt  }
0x58: {  	_ =	shalt  }
0x59: {  	_ =	shalt  }
0x5a: {  	_ =	shalt  }
0x5b: {  	_ =	shalt  }
0x5c: {  	_ =	shalt  }
0x5d: {  	_ =	shalt  }
0x5e: {  	_ =	shalt  }
0x5f: {  	_ =	shalt  }
0x60: {  	_ =	shalt  }
0x61: {  	_ =	shalt  }
0x62: {  	_ =	shalt  }
0x63: {  	_ =	shalt  }
0x64: {  	_ =	shalt  }
0x65: {  	_ =	shalt  }
0x66: {  	_ =	shalt  }
0x67: {  	_ =	shalt  }
0x68: {  	_ =	shalt  }
0x69: {  	_ =	shalt  }
0x6a: {  	_ =	shalt  }
0x6b: {  	_ =	shalt  }
0x6c: {  	_ =	shalt  }
0x6d: {  	_ =	shalt  }
0x6e: {  	_ =	shalt  }
0x6f: {  	_ =	shalt  }
0x70: {  	_ =	shalt  }
0x71: {  	_ =	shalt  }
0x72: {  	_ =	shalt  }
0x73: {  	_ =	shalt  }
0x74: {  	_ =	shalt  }
0x75: {  	_ =	shalt  }
0x76: {  	_ =	shalt  }
0x77: {  	_ =	shalt  }
0x78: {  	_ =	shalt  }
0x79: {  	_ =	shalt  }
0x7a: {  	_ =	shalt  }
0x7b: {  	_ =	shalt  }
0x7c: {  	_ =	shalt  }
0x7d: {  	_ =	shalt  }
0x7e: {  	_ =	shalt  }
0x7f: {  	_ =	shalt  }
0x80: {  	_ =	shalt  }
0x81: {  	_ =	shalt  }
0x82: {  	_ =	shalt  }
0x83: {  	_ =	shalt  }
0x84: {  	_ =	shalt  }
0x85: {  	_ =	shalt  }
0x86: {  	_ =	shalt  }
0x87: {  	_ =	shalt  }
.Lfunc_end0:
.L_simem_size_0:
called_computation_lowered:
.L_overlay_start_0:
0x88: {  	s2 =	sld [smem:$0x3FD9]  }
0x89: {  	s3 =	sld [smem:$0x3FFE];
	_ =	sdelay $0x1  }
0x8a: {  	s1 =	srdreg.scid  }
0x8b: {  	s0 =	sand.u32 $0x1, s1  }
0x8c: {  	s17 =	sshll.u32 s0, $0xA;
	s2 =	sadd.s32 s3, s2  }
0x8d: {  	s2 =	sadd.s32 s2, s17  }
0x8e: {  	[smem:$0x3FBC] =	sst s2  }
0x8f: {  	_ = 	snop  }
0x90: {  	s2 =	sld [smem:$0x3FC9]  }
0x91: {  	s18 =	sld [smem:$0x3FD0];
	(tm) =	ssettm $0x1  }
0x92: {  	s4 =	sld [smem:$0x3FFB];
	_ =	sdelay $0x3  }
0x93: {  	_ =	strace s4  }
0x94: {  	s4 =	sld [smem:$0x3FFC];
	_ =	sdelay $0x3  }
0x95: {  	_ =	strace s4  }
0x96: {  	s4 =	sld [smem:$0x3FFD];
	_ =	sdelay $0x3  }
0x97: {  	_ =	strace s4  }
0x98: {  	_ =	strace $0x8FFFFFFF  }
0x99: {  	s19 =	sld [smem:$0x3FDB];
	_ =	sdelay $0x1  }
0x9a: {  	s5 =	simm.s32 $_scs_section_size  }
0x9b: {  	s6 =	simm.s32 $_size__tile_overlayer_lowered;
	s7 =	simm.s32 $_tile_overlayer_lowered  }
0x9c: {  	s22 =	simm.s32 $0x1BFF;
	s21 =	sshll.u32 s7, $0x1;
	s4 =	sadd.s32 s5, s19  }
0x9d: {  	s8 =	simm.s32 $0x0;
	s20 =	sshll.u32 s6, $0x1;
	s6 =	sadd.s32 s21, s4  }
0x9e: {  	[timem:s8], [sflag:s22] =	dma.local [hbm:s6], s20  }
0x9f: {  	_ =	swait.ge [sflag:s22], s20  }
0xa0: {  	s5 =	ssub.s32 $0x0, s20;
	[sflag:s22] =	ssyncset.done $0x0  }
0xa1: {  	[sflag:s22] =	ssyncadd.s32 s5;
	_ =	sdelay $0x1  }
0xa2: {  	s23 =	simm.s32 $0x1B8B  }
0xa3: {  	_ =	swait.ge [sflag:s23], $0x1  }
0xa4: {  	[sflag:s23] =	ssyncset.done $0x0  }
0xa5: {  	s25 =	simm.s32 $0x1B8E;
	s24 =	sld [smem:$0x3FFE];
	[sflag:s23] =	ssyncadd.s32 $0xFFFFFFFF  }
0xa6: {  	s26 =	simm.s32 $execute0_lowered;
	[smem:$0x3FD2] =	sst s25  }
0xa7: {  	s6 =	sshll.u32 s26, $0x1;
	_ =	strace $0x80000046;
	[dreg:$0x1] =	wrdreg $0xFFFFFFFF  }
0xa8: {  	s28 =	simm.s32 $_size_execute0_lowered;
	s4 =	sadd.s32 s4, s6;
	[dreg:$0x0] =	wrdreg $0x0  }
0xa9: {  	s6 =	sshll.u32 s28, $0x1;
	[dreg:$0x2] =	wrdreg s4  }
0xaa: {  	[dreg:$0x3] =	wrdreg s6  }
0xab: {  	[dreg:$0x4] =	wrdreg $0xC0  }
0xac: {  	_ =	task [dreg:s8], $0x5FFFF  }
0xad: {  	[dreg:$0x1] =	wrdreg $0xFFFFFFFF  }
0xae: {  	[dreg:$0x0] =	wrdreg $0x60  }
0xaf: {  	[dreg:$0x2] =	wrdreg s2  }
0xb0: {  	[dreg:$0x3] =	wrdreg s24  }
0xb1: {  	[dreg:$0x4] =	wrdreg s18  }
0xb2: {  	[dreg:$0x5] =	wrdreg $0x90800  }
0xb3: {  	[dreg:$0x6] =	wrdreg $0x1CC800  }
0xb4: {  	[dreg:$0x7] =	wrdreg $0x9  }
0xb5: {  	_ =	task.clear_ibuf [dreg:s8], $0x8FFFF;
	_ =	strace $0x90000046  }
0xb6: {  	s29 =	simm.s32 $0x9;
	_ =	strace $0x80000048  }
0xb7: {  	_ =	swait.ge [sflag:s29], $0x1  }
0xb8: {  	[sflag:s29] =	ssyncadd.s32 $0xFFFFFFFF  }
0xb9: {  	_ =	strace $0x90000048  }
0xba: {  	_ =	sfence  }
0xbb: {  	s30 =	sld [smem:$0x0];
	_ =	sdelay $0x2  }
0xbc: {  	s31 =	sshll.u32 s1, $0xD;
	s1 =	sshrl.u32 s1, $0x2  }
0xbd: {  	s3 =	sand.u32 $0x4000, s31;
	s1 =	sadd.s32 s1, s30  }
0xbe: {  	s0 =	sor.u32 s3, s0;
	s1 =	sshll.u32 s1, $0x11  }
0xbf: {  	s0 =	sor.u32 s1, s0  }
0xc0: {  	s0 =	sadd.s32 $0x8F2B, s0  }
0xc1: {  	[sflag:s0] =	ssyncadd.remote.s32 $0x1  }
0xc2: {  	_ =	sfence.sel $0xFFFF  }
0xc3: {  	[dreg:$0x0] =	wrdreg $0xFFFFFFFF;
	(pc) =	sbr.abs _section_cstart, $3  }
0xc4: {  	[dreg:$0x1] =	wrdreg $0xFFFFFFFF  }
0xc5: {  	_ =	task.clear_ibuf [dreg:s8], $0x2FFFF;
	_ =	strace $0x9FFFFFFF  }
0xc6: {  	(tm) =	ssettm $0x7FFFFFFF  }
0xc7: {  	_ =	shalt  }
tec
execute0_lowered:
.L_overlay_start_1:
0x0: {  	(tag) =	ssettag $0x1  }
0x1: {  	s0 =	rddreg [dreg:$0x0]  }
0x2: {  	s1 =	srdreg.scid;
	s2 =	rddreg [dreg:$0x1]  }
0x3: {  	s6 =	stileid.u32;
	s4 =	rddreg [dreg:$0x4]  }
0x4: {  	s28 =	simm.s32 $0x2;
	s29 =	simm.s32 $0x6;
	s30 =	simm.s32 $0x4  }
0x5: {  	s31 =	simm.s32 $0x0;
	s1 =	sand.u32 $0x1, s1;
	s16 =	sshll.u32 s6, $0x7  }
0x6: {  	s10 =	smul.u32 $0x278, s6;
	s15 =	sadd.s32 $0x2A00, s2;
	s19 =	sadd.s32 $0x16C00, s2  }
0x7: {  	s20 =	sadd.s32 $0x16A00, s2;
	s21 =	smul.u32 $0x4F000, s6;
	s12 =	sshll.u32 s6, $0x6  }
0x8: {  	s13 =	smul.u32 $0x2800, s6;
	p0 =	sne.s32 s6, $0x0;
	s3 =	sshll.u32 s1, $0x4  }
0x9: {  	s9 =	sand.u32 $0x380, s16;
	s17 =	smul.u32 $0x2780, s1;
	s22 =	ssub.s32 $0x2, s1  }
0xa: {  	s1 =	smul.u32 $0x28000, s1;
	s7 =	sor.u32 s6, s3;
	s3 =	rddreg [dreg:$0x3]  }
0xb: {  	s23 =	sshrl.u32 s22, $0x1;
	s5 =	sshrl.u32 s7, $0x3;
	s18 =	sadd.s32 s10, s17  }
0xc: {  	s7 =	smul.u32 $0x2800, s7;
	s16 =	ssub.s32 s22, s23;
	s1 =	sadd.s32 s13, s1  }
0xd: {  	s22 =	simm.s32 $0x9000;
	s23 =	simm.s32 $0x1000;
	s8 =	smul.u32 $0x14000, s5  }
0xe: {  	s5 =	simm.s32 $0x0;
	s1 =	sor.u32 $0x400, s1;
	s13 =	smax.u32 s16, $0x1  }
0xf: {  	[smem:$0x7FF] =	sst s5;
	s7 =	sshrl.u32 s7, $0x3;
	s26 =	sshrl.u32 s1, $0x3  }
0x10: {  	s8 =	sor.u32 s9, s8;
	_ =	strace $0x80000047;
	[dreg:$0x6] =	wrdreg s19  }
0x11: {  	[dreg:$0x7] =	wrdreg s20;
	s9 =	sshrl.u32 s17, $0x3;
	s8 =	sshrl.u32 s8, $0x3  }
0x12: {  	s7 =	sadd.s32 s15, s7;
	s14 =	sadd.s32 s8, s2;
	s8 =	sshll.u32 s18, $0x4  }
0x13: {  	[dreg:$0x9] =	wrdreg s7;
	s18 =	simm.s32 $0x80;
	s11 =	sadd.s32 s8, s2  }
0x14: {  	s2 =	sadd.s32 s9, s2;
	s8 =	sshrl.u32 s21, $0x2;
	s24 =	sadd.s32 $0xCA00, s14  }
.Ltmp0:
0x15: {  	s1 =	sadd.s32 $0xCE00, s14;
	s21 =	sshrl.u32 @!p0 s4, $0x3;
	(pc) =	sbr.rel .LBB2_1-.Ltmp0, $4  }
0x16: {  	s17 =	sadd.s32 s8, s3;
	s8 =	sor.u32 $0x1C07, s12;
	[dreg:$0x8] =	wrdreg s24  }
0x17: {  	s25 =	sadd.s32 $0x17C00, s11;
	s12 =	sadd.s32 $0x17200, s2;
	s2 =	sadd.s32 s26, s15  }
0x18: {  	s24 =	simm.s32 $0x5000;
	s26 =	simm.s32 $0x3;
	[dreg:$0xa] =	wrdreg s25  }
0x19: {  	s16 =	sshrl.u32 s17, $0x3;
	s17 =	simm.s32 $0x7;
	s25 =	simm.s32 $0x1  }
.LBB2_6:
0x1a: {  	_ =	swait.ge [sflag:s30], $0x4000  }
0x1b: {  	[sflag:s30] =	ssyncset.done $0x0  }
0x1c: {  	[sflag:s30] =	ssyncadd.s32 $0xFFFFC000  }
0x1d: {  	_ =	swait.ge [sflag:s29], $0x80  }
0x1e: {  	[sflag:s29] =	ssyncset.done $0x0  }
0x1f: {  	[sflag:s29] =	ssyncadd.s32 $0xFFFFFF80  }
0x20: {  	[bflag:$0x0] =	sbarrier.arrive $0xFFFF  }
0x21: {  	s6 =	rddreg [dreg:$0xa]  }
0x22: {  	[hbm:s6], [sflag:s8] =	dma.local [spmem:s16], $0x2780  }
0x23: {  	s31 =	sadd.s32 $0x1, s31;
	_ =	swait.ge [sflag:s17], $0x2780  }
0x24: {  	p1 =	sne.s32 s31, s13;
	[sflag:s17] =	ssyncset.done $0x0  }
.Ltmp1:
0x25: {  	s6 =	simm.s32 @!p0 $0x7;
	[sflag:s17] =	ssyncadd.s32 $0xFFFFD880;
	(pc) =	sbr.rel @!p1 .LBB2_7-.Ltmp1, $4  }
0x26: {  	[hbm:s12], [sflag:s8] =	dma.local @!p0 [spmem:s21], $0x4F0  }
0x27: {  	_ =	swait.ge @!p0 [sflag:s6], $0x4F0  }
0x28: {  	[sflag:s6] =	ssyncset.done @!p0 $0x0  }
0x29: {  	[sflag:s6] =	ssyncadd.s32 @!p0 $0xFFFFFB10  }
.LBB2_1:
0x2a: {  	s6 =	rddreg [dreg:$0x2]  }
0x2b: {  	[spmem:s16], [sflag:s8] =	dma.local [hbm:s6], $0x2780  }
0x2c: {  	_ =	swait.ge [sflag:s17], $0x2780  }
0x2d: {  	[sflag:s17] =	ssyncset.done $0x0  }
0x2e: {  	s7 =	simm.s32 $0x400;
	s14 =	rddreg [dreg:$0x8];
	[sflag:s17] =	ssyncadd.s32 $0xFFFFD880  }
0x2f: {  	[tilespmem:s5], [sflag:$0x7] =	stream.strided.gather [hbm4b:s14+s18], $0x400, s7, s18, $0x38;
	[tilespmem:$0x1CEF8] =	vst v63  }
0x30: {  	_ =	swait.ge [sflag:s17], $0x400  }
0x31: {  	[sflag:s17] =	ssyncset.done $0x0  }
0x32: {  	s19 =	simm.s32 $0x800;
	s15 =	rddreg [dreg:$0x9];
	[sflag:s17] =	ssyncadd.s32 $0xFFFFFC00  }
0x33: {  	[tilespmem:s19], [sflag:$0x7] =	stream.linear.gather [hbm4b:s15+s5], $0x400, $0x38;
	[tilespmem:$0x1CEF8] =	vst v63  }
0x34: {  	_ =	swait.ge [sflag:s17], $0x400  }
0x35: {  	[sflag:s17] =	ssyncset.done $0x0  }
0x36: {  	s6 =	rddreg [dreg:$0x6];
	[sflag:s17] =	ssyncadd.s32 $0xFFFFFC00  }
0x37: {  	[spmem:s21], [sflag:s8] =	dma.local @!p0 [hbm:s6], $0x4F0  }
0x38: {  	s6 =	simm.s32 @!p0 $0x7  }
0x39: {  	_ =	swait.ge @!p0 [sflag:s6], $0x4F0  }
0x3a: {  	[sflag:s6] =	ssyncset.done @!p0 $0x0  }
0x3b: {  	s20 =	rddreg [dreg:$0x7];
	[sflag:s6] =	ssyncadd.s32 @!p0 $0xFFFFFB10  }
0x3c: {  	[tilespmem:s22], [sflag:$0x7] =	stream.linear.gather [hbm4b:s20+s5], $0x80, $0x38;
	[tilespmem:$0x1CEF8] =	vst v63  }
.Ltmp2:
0x3d: {  	_ =	swait.ge [sflag:s17], $0x80;
	(pc) =	sbr.rel .LBB2_2-.Ltmp2, $4  }
0x3e: {  	[sflag:s17] =	ssyncset.done $0x0  }
0x3f: {  	s14 =	smov.u32 s1;
	[sflag:s17] =	ssyncadd.s32 $0xFFFFFF80  }
0x40: {  	s15 =	smov.u32 s2;
	s19 =	simm.s32 $0x0;
	[bflag:$0x0] =	sbarrier.arrive $0xFFFF  }
0x41: {  	[tilespmem:s23], [sflag:$0x1] =	stream.indirect.gather [hbm4b:s0+s18], $0x80, s5, s18, $0xb8;
	[tilespmem:$0x1CEF8] =	vst v63  }
.LBB2_4:
0x42: {  	_ =	swait.ge [sflag:s30], $0x4000  }
0x43: {  	[sflag:s30] =	ssyncset.done $0x0  }
0x44: {  	p2 =	por $0x0, $0x0;
	[sflag:s30] =	ssyncadd.s32 $0xFFFFC000  }
.LBB2_5:
0x45: {  	s7 =	sshll.u32 s7, $0xA  }
0x46: {  	s9 =	sor.u32 $0x80, s7  }
0x47: {  	[tilespmem:s24], [sflag:$0x2] =	stream.indirect.gather [hbm4b:s0+s18], $0x80, s9, s18, $0xb8;
	[tilespmem:$0x1CEF8] =	vst v63  }
0x48: {  	_ =	swait.ge [sflag:s25], $0x4000  }
0x49: {  	[sflag:s25] =	ssyncset.done $0x0  }
0x4a: {  	s11 =	simm.s32 @!p2 $0x6;
	s10 =	sor.u32 $0x800, s7;
	[sflag:s25] =	ssyncadd.s32 $0xFFFFC000  }
0x4b: {  	[spmem:s3] =	stream.indirect.scatter.add.f32 [tilespmem:s23], [sflag:$0x3], $0x80, s10, s18, $0xb8;
	[tilespmem:$0x1CEF8] =	vst v63  }
0x4c: {  	_ =	swait.ge @!p2 [sflag:s11], $0x80  }
0x4d: {  	[sflag:s11] =	ssyncset.done @!p2 $0x0  }
0x4e: {  	[sflag:s11] =	ssyncadd.s32 @!p2 $0xFFFFFF80  }
0x4f: {  	[spmem:s4] =	stream.indirect.scatter.add.f32 [tilespmem:s22], [sflag:$0x6], $0x1, s10, s18, $0xb8;
	[tilespmem:$0x1CEF8] =	vst v63  }
0x50: {  	_ =	swait.ge [sflag:s26], $0x4000  }
0x51: {  	[sflag:s26] =	ssyncset.done $0x0  }
0x52: {  	s11 =	sor.u32 $0x100, s7;
	[sflag:s26] =	ssyncadd.s32 $0xFFFFC000  }
0x53: {  	[tilespmem:s23], [sflag:$0x1] =	stream.indirect.gather [hbm4b:s0+s18], $0x80, s11, s18, $0xb8;
	[tilespmem:$0x1CEF8] =	vst v63  }
0x54: {  	_ =	swait.ge [sflag:s28], $0x4000  }
0x55: {  	[sflag:s28] =	ssyncset.done $0x0  }
0x56: {  	s9 =	sor.u32 $0x800, s9;
	[sflag:s28] =	ssyncadd.s32 $0xFFFFC000  }
0x57: {  	[spmem:s3] =	stream.indirect.scatter.add.f32 [tilespmem:s24], [sflag:$0x4], $0x80, s9, s18, $0xb8;
	[tilespmem:$0x1CEF8] =	vst v63  }
0x58: {  	_ =	swait.ge [sflag:s29], $0x80  }
0x59: {  	[sflag:s29] =	ssyncset.done $0x0  }
0x5a: {  	[sflag:s29] =	ssyncadd.s32 $0xFFFFFF80  }
0x5b: {  	[spmem:s4] =	stream.indirect.scatter.add.f32 [tilespmem:s22], [sflag:$0x6], $0x1, s9, s18, $0xb8;
	[tilespmem:$0x1CEF8] =	vst v63  }
0x5c: {  	_ =	swait.ge [sflag:s30], $0x4000  }
0x5d: {  	[sflag:s30] =	ssyncset.done $0x0  }
0x5e: {  	s11 =	sor.u32 $0x180, s7;
	[sflag:s30] =	ssyncadd.s32 $0xFFFFC000  }
0x5f: {  	[tilespmem:s24], [sflag:$0x2] =	stream.indirect.gather [hbm4b:s0+s18], $0x80, s11, s18, $0xb8;
	[tilespmem:$0x1CEF8] =	vst v63  }
0x60: {  	_ =	swait.ge [sflag:s25], $0x4000  }
0x61: {  	[sflag:s25] =	ssyncset.done $0x0  }
0x62: {  	s10 =	sor.u32 $0x900, s7;
	[sflag:s25] =	ssyncadd.s32 $0xFFFFC000  }
0x63: {  	[spmem:s3] =	stream.indirect.scatter.add.f32 [tilespmem:s23], [sflag:$0x3], $0x80, s10, s18, $0xb8;
	[tilespmem:$0x1CEF8] =	vst v63  }
0x64: {  	_ =	swait.ge [sflag:s29], $0x80  }
0x65: {  	[sflag:s29] =	ssyncset.done $0x0  }
0x66: {  	[sflag:s29] =	ssyncadd.s32 $0xFFFFFF80  }
0x67: {  	[spmem:s4] =	stream.indirect.scatter.add.f32 [tilespmem:s22], [sflag:$0x6], $0x1, s10, s18, $0xb8;
	[tilespmem:$0x1CEF8] =	vst v63  }
0x68: {  	_ =	swait.ge [sflag:s26], $0x4000  }
0x69: {  	[sflag:s26] =	ssyncset.done $0x0  }
0x6a: {  	s11 =	sor.u32 $0x200, s7;
	[sflag:s26] =	ssyncadd.s32 $0xFFFFC000  }
0x6b: {  	[tilespmem:s23], [sflag:$0x1] =	stream.indirect.gather [hbm4b:s0+s18], $0x80, s11, s18, $0xb8;
	[tilespmem:$0x1CEF8] =	vst v63  }
0x6c: {  	_ =	swait.ge [sflag:s28], $0x4000  }
0x6d: {  	[sflag:s28] =	ssyncset.done $0x0  }
0x6e: {  	s10 =	sor.u32 $0x980, s7;
	[sflag:s28] =	ssyncadd.s32 $0xFFFFC000  }
0x6f: {  	[spmem:s3] =	stream.indirect.scatter.add.f32 [tilespmem:s24], [sflag:$0x4], $0x80, s10, s18, $0xb8;
	[tilespmem:$0x1CEF8] =	vst v63  }
0x70: {  	_ =	swait.ge [sflag:s29], $0x80  }
0x71: {  	[sflag:s29] =	ssyncset.done $0x0  }
0x72: {  	[sflag:s29] =	ssyncadd.s32 $0xFFFFFF80  }
0x73: {  	[spmem:s4] =	stream.indirect.scatter.add.f32 [tilespmem:s22], [sflag:$0x6], $0x1, s10, s18, $0xb8;
	[tilespmem:$0x1CEF8] =	vst v63  }
0x74: {  	_ =	swait.ge [sflag:s30], $0x4000  }
0x75: {  	[sflag:s30] =	ssyncset.done $0x0  }
0x76: {  	s11 =	sor.u32 $0x280, s7;
	[sflag:s30] =	ssyncadd.s32 $0xFFFFC000  }
0x77: {  	[tilespmem:s24], [sflag:$0x2] =	stream.indirect.gather [hbm4b:s0+s18], $0x80, s11, s18, $0xb8;
	[tilespmem:$0x1CEF8] =	vst v63  }
0x78: {  	_ =	swait.ge [sflag:s25], $0x4000  }
0x79: {  	[sflag:s25] =	ssyncset.done $0x0  }
0x7a: {  	s10 =	sor.u32 $0xA00, s7;
	[sflag:s25] =	ssyncadd.s32 $0xFFFFC000  }
0x7b: {  	[spmem:s3] =	stream.indirect.scatter.add.f32 [tilespmem:s23], [sflag:$0x3], $0x80, s10, s18, $0xb8;
	[tilespmem:$0x1CEF8] =	vst v63  }
0x7c: {  	_ =	swait.ge [sflag:s29], $0x80  }
0x7d: {  	[sflag:s29] =	ssyncset.done $0x0  }
0x7e: {  	[sflag:s29] =	ssyncadd.s32 $0xFFFFFF80  }
0x7f: {  	[spmem:s4] =	stream.indirect.scatter.add.f32 [tilespmem:s22], [sflag:$0x6], $0x1, s10, s18, $0xb8;
	[tilespmem:$0x1CEF8] =	vst v63  }
0x80: {  	_ =	swait.ge [sflag:s26], $0x4000  }
0x81: {  	[sflag:s26] =	ssyncset.done $0x0  }
0x82: {  	s11 =	sor.u32 $0x300, s7;
	[sflag:s26] =	ssyncadd.s32 $0xFFFFC000  }
0x83: {  	[tilespmem:s23], [sflag:$0x1] =	stream.indirect.gather [hbm4b:s0+s18], $0x80, s11, s18, $0xb8;
	[tilespmem:$0x1CEF8] =	vst v63  }
0x84: {  	_ =	swait.ge [sflag:s28], $0x4000  }
0x85: {  	[sflag:s28] =	ssyncset.done $0x0  }
0x86: {  	s10 =	sor.u32 $0xA80, s7;
	[sflag:s28] =	ssyncadd.s32 $0xFFFFC000  }
0x87: {  	[spmem:s3] =	stream.indirect.scatter.add.f32 [tilespmem:s24], [sflag:$0x4], $0x80, s10, s18, $0xb8;
	[tilespmem:$0x1CEF8] =	vst v63  }
0x88: {  	_ =	swait.ge [sflag:s29], $0x80  }
0x89: {  	[sflag:s29] =	ssyncset.done $0x0  }
0x8a: {  	[sflag:s29] =	ssyncadd.s32 $0xFFFFFF80  }
0x8b: {  	[spmem:s4] =	stream.indirect.scatter.add.f32 [tilespmem:s22], [sflag:$0x6], $0x1, s10, s18, $0xb8;
	[tilespmem:$0x1CEF8] =	vst v63  }
0x8c: {  	_ =	swait.ge [sflag:s30], $0x4000  }
0x8d: {  	[sflag:s30] =	ssyncset.done $0x0  }
0x8e: {  	s11 =	sor.u32 $0x380, s7;
	[sflag:s30] =	ssyncadd.s32 $0xFFFFC000  }
0x8f: {  	[tilespmem:s24], [sflag:$0x2] =	stream.indirect.gather [hbm4b:s0+s18], $0x80, s11, s18, $0xb8;
	[tilespmem:$0x1CEF8] =	vst v63  }
0x90: {  	_ =	swait.ge [sflag:s25], $0x4000  }
0x91: {  	[sflag:s25] =	ssyncset.done $0x0  }
0x92: {  	s7 =	sor.u32 $0xB00, s7;
	[sflag:s25] =	ssyncadd.s32 $0xFFFFC000  }
0x93: {  	[spmem:s3] =	stream.indirect.scatter.add.f32 [tilespmem:s23], [sflag:$0x3], $0x80, s7, s18, $0xb8;
	[tilespmem:$0x1CEF8] =	vst v63  }
0x94: {  	_ =	swait.ge [sflag:s29], $0x80  }
0x95: {  	[sflag:s29] =	ssyncset.done $0x0  }
0x96: {  	[sflag:s29] =	ssyncadd.s32 $0xFFFFFF80  }
0x97: {  	[spmem:s4] =	stream.indirect.scatter.add.f32 [tilespmem:s22], [sflag:$0x6], $0x1, s7, s18, $0xb8;
	[tilespmem:$0x1CEF8] =	vst v63  }
0x98: {  	_ =	swait.ge [sflag:s26], $0x4000  }
0x99: {  	[sflag:s26] =	ssyncset.done $0x0  }
0x9a: {  	s7 =	simm.s32 @!p1 $0x5;
	[sflag:s26] =	ssyncadd.s32 $0xFFFFC000  }
0x9b: {  	_ =	swait.ge @!p1 [sflag:s7], $0x400  }
0x9c: {  	[sflag:s7] =	ssyncset.done @!p1 $0x0  }
0x9d: {  	[sflag:s7] =	ssyncadd.s32 @!p1 $0xFFFFFC00  }
0x9e: {  	_ =	swait.ge @!p1 [sflag:s7], $0x400  }
0x9f: {  	[sflag:s7] =	ssyncset.done @!p1 $0x0  }
0xa0: {  	[sflag:s7] =	ssyncadd.s32 @!p1 $0xFFFFFC00;
	s7 =	simm.s32 @!p1 $0x1000  }
0xa1: {  	[tilespmem:s7], [sflag:$0x1] =	stream.indirect.gather @!p1 [hbm4b:s0+s6], $0x80, s20, s6, $0xb8;
	[tilespmem:$0x1CEF8] =	vst v63  }
0xa2: {  	_ =	swait.ge [sflag:s28], $0x4000  }
0xa3: {  	s19 =	sadd.s32 $0x1, s19;
	[sflag:s28] =	ssyncset.done $0x0  }
0xa4: {  	s20 =	sor.u32 $0x800, s11;
	p1 =	sne.s32 s19, $0xA;
	[sflag:s28] =	ssyncadd.s32 $0xFFFFC000  }
0xa5: {  	[spmem:s3] =	stream.indirect.scatter.add.f32 [tilespmem:s24], [sflag:$0x4], $0x80, s20, s18, $0xb8;
	[tilespmem:$0x1CEF8] =	vst v63  }
.Ltmp3:
0xa6: {  	_ = 	snop;
	(pc) =	sbr.rel @!p1 .LBB2_6-.Ltmp3, $4  }
0xa7: {  	_ =	swait.ge [sflag:s29], $0x80  }
0xa8: {  	[sflag:s29] =	ssyncset.done $0x0  }
0xa9: {  	s14 =	sadd.s32 $0x400, s14;
	s15 =	sadd.s32 $0x80, s15;
	[sflag:s29] =	ssyncadd.s32 $0xFFFFFF80  }
0xaa: {  	[spmem:s4] =	stream.indirect.scatter.add.f32 [tilespmem:s22], [sflag:$0x6], $0x1, s20, s18, $0xb8;
	[tilespmem:$0x1CEF8] =	vst v63  }
.LBB2_2:
0xab: {  	p1 =	seq.s32 s19, $0x9  }
0xac: {  	p2 =	seq.s32 @!p1 s19, $0x0  }
0xad: {  	s7 =	sand.u32 $0x1, s19;
	p2 =	por p1, !p2  }
.Ltmp4:
0xae: {  	s6 =	sxor.u32 $0x1, s7;
	(pc) =	sbr.rel @p2 .LBB2_4-.Ltmp4, $4  }
0xaf: {  	s9 =	simm.s32 @!p1 $0x400;
	s20 =	sshll.u32 @!p1 s6, $0xA;
	s6 =	simm.s32 @!p1 $0x80  }
0xb0: {  	[tilespmem:s20], [sflag:$0x5] =	stream.strided.gather @!p1 [hbm4b:s14+s6], $0x400, s9, s6, $0x38;
	[tilespmem:$0x1CEF8] =	vst v63  }
0xb1: {  	s10 =	simm.s32 @!p1 $0x0;
	s9 =	sor.u32 @!p1 $0x800, s20  }
0xb2: {  	[tilespmem:s9], [sflag:$0x5] =	stream.linear.gather @!p1 [hbm4b:s15+s10], $0x400, $0x38;
	[tilespmem:$0x1CEF8] =	vst v63  }
.Ltmp5:
0xb3: {  	(pc) =	sbr.rel .LBB2_5-.Ltmp5, $2  }
0xb4: {  	_ =	sdelay $0x2  }
0xb5: {  	p2 =	por @!p1 $0x1, $0x1  }
.LBB2_7:
0xb6: {  	_ =	sfence.sel $0x180000  }
0xb7: {  	[bflag:$0x0] =	sbarrier.arrive $0xFFFF  }
0xb8: {  	_ =	strace $0x90000047  }
0xb9: {  	[bflag:$0x2] =	sbarrier.arrive $0xFFFF  }
0xba: {  	s0 =	rddreg [dreg:$0x5]  }
0xbb: {  	s0 =	sadd.s32 @!p0 $0x100000, s0  }
0xbc: {  	[sflag:s0] =	ssyncadd.tile.s32 @!p0 $0x1;
	_ =	shalt  }
.Lfunc_end2:
_tile_overlayer_lowered:
.L_overlay_start_2:
0xbd: {  	(tag) =	ssettag $0x2  }
0xbe: {  	s0 =	rddreg [dreg:$0x0];
	s2 =	stileid.u32  }
0xbf: {  	s1 =	rddreg [dreg:$0x1];
	p0 =	sne.s32 s2, $0x0  }
0xc0: {  	s3 =	rddreg [dreg:$0x2];
	[bflag:$0x3] =	sbarrier.arrive $0xFFFF;
	s2 =	simm.s32 @!p0 $0x1C07  }
0xc1: {  	[timem:s3], [sflag:s2] =	dma.local @!p0 [hbm:s0], s1  }
0xc2: {  	s0 =	simm.s32 @!p0 $0x7  }
0xc3: {  	_ =	swait.ge @!p0 [sflag:s0], s1  }
0xc4: {  	s1 =	ssub.s32 @!p0 $0x0, s1;
	[sflag:s0] =	ssyncset.done @!p0 $0x0  }
0xc5: {  	[sflag:s0] =	ssyncadd.s32 @!p0 s1  }
0xc6: {  	[bflag:$0x3] =	sbarrier.arrive $0xFFFF  }
0xc7: {  	_ =	shalt  }

// kernel: sc_gather_scatter_add.7.cloned.1.call-start
scs
__scs_entry_jumppad:
0x0: {  	(pc) =	sbr.rel $0x88, $3  }
0x1: {  	(tag) =	ssettag $0x0;
	lr =	simm.s32 $0x1  }
0x2: {  	[smem:$0x3F95] =	sst lr;
	_ =	strace $0xD0000000  }
0x3: {  	_ = 	snop  }
0x4: {  	_ = 	snop  }
0x5: {  	_ = 	snop  }
0x6: {  	_ = 	snop  }
0x7: {  	_ = 	snop  }
__scs_overlays_trampoline_lowered:
0x8: {  	[smem:$0x3FA4] =	sst s0  }
0x9: {  	[smem:$0x3FA5] =	sst s1  }
0xa: {  	[smem:$0x3FA6] =	sst s2  }
0xb: {  	[smem:$0x3FA7] =	sst s3  }
0xc: {  	[smem:$0x3FA8] =	sst s4  }
0xd: {  	[smem:$0x3FA9] =	sst s5  }
0xe: {  	[smem:$0x3FAA] =	sst s6  }
0xf: {  	[smem:$0x3FAB] =	sst s7  }
0x10: {  	[smem:$0x3FAC] =	sst s8  }
0x11: {  	[smem:$0x3FAD] =	sst s9;
	s0 =	simm.s32 @!p0 $0x0  }
0x12: {  	s1 =	sld [smem:$0x3F93];
	s0 =	simm.s32 @p0 $0x1  }
0x13: {  	[smem:$0x3FAE] =	sst s0;
	s0 =	simm.s32 @!p1 $0x0  }
0x14: {  	s2 =	sld [smem:$0x3F92];
	s0 =	simm.s32 @p1 $0x1  }
0x15: {  	[smem:$0x3FAF] =	sst s0;
	s0 =	simm.s32 @!p2 $0x0  }
0x16: {  	s3 =	sld [smem:$0x3FDB];
	s0 =	simm.s32 @p2 $0x1  }
0x17: {  	s4 =	simm.s32 $0x1BF5;
	[smem:$0x3FB1] =	sst s0  }
0x18: {  	s0 =	sld [smem:$0x3F94];
	_ =	swait.ge [sflag:s4], $0x0  }
0x19: {  	s7 =	sld [smem:$0x3F95]  }
0x1a: {  	s8 =	sadd.s32 $0xFFFFE003, lr  }
0x1b: {  	s9 =	sadd.s32 $0xFFFFFEF7, lr;
	s5 =	simm.s32 $0xFFFFFFFF;
	p2 =	slt.u32 s8, $0xFFFFF086  }
0x1c: {  	p1 =	slt.u32 s9, $0xF7A;
	s5 =	simm.s32 @!p2 $0x0  }
0x1d: {  	s5 =	simm.s32 @p1 $0x1;
	p0 =	seq.s32 s7, s2  }
0x1e: {  	s7 =	smul.u32 @!p0 $0xF7A, s2;
	p2 =	seq.s32 @!p0 s5, $0x0  }
0x1f: {  	s9 =	smul.u32 $0xF7A, s1;
	s8 =	simm.s32 @!p0 $0x1BF5;
	p2 =	por !p2, p0  }
0x20: {  	[sflag:s8] =	ssyncset.s32 @!p0 $0xFFFFF086;
	s6 =	sadd.s32 @!p0 s3, s7;
	s7 =	simm.s32 @!p0 $0x108  }
0x21: {  	s3 =	sadd.s32 s3, s9;
	s6 =	sadd.s32 @!p0 $0x88, s6;
	s7 =	simm.s32 @p2 $0x1082  }
0x22: {  	[simem:s7], [sflag:s8] =	dma.local @!p0 [hbm:s6], $0xF7A  }
0x23: {  	s9 =	sor.u32 $0xD0000000, s2;
	s6 =	simm.s32 $0x108;
	_ =	swait.ge @!p0 [sflag:s8], $0x0  }
0x24: {  	s3 =	sadd.s32 $0x88, s3;
	s6 =	simm.s32 @!p1 $0x1082;
	[sflag:s4] =	ssyncset.s32 $0xFFFFF086  }
0x25: {  	[simem:s6], [sflag:s4] =	dma.local [hbm:s3], $0xF7A  }
0x26: {  	[smem:$0x3F95] =	sst s1;
	(tag) =	ssettag s2;
	_ =	strace s9  }
0x27: {  	s1 =	sld [smem:$0x3FA5]  }
0x28: {  	s2 =	sld [smem:$0x3FA6]  }
0x29: {  	s4 =	sld [smem:$0x3FA8]  }
0x2a: {  	p0 =	seq.s32 s5, $0x0;
	s5 =	sld [smem:$0x3FA9]  }
0x2b: {  	s6 =	sld [smem:$0x3FAA]  }
0x2c: {  	s7 =	sld [smem:$0x3FAB]  }
0x2d: {  	s3 =	simm.s32 $0x108;
	s8 =	sld [smem:$0x3FAC]  }
0x2e: {  	s3 =	simm.s32 @!p0 $0x1082;
	s9 =	sld [smem:$0x3FAD]  }
0x2f: {  	lr =	sadd.s32 s0, s3;
	s0 =	sld [smem:$0x3FA4]  }
0x30: {  	s3 =	sld [smem:$0x3FA7]  }
0x31: {  	[smem:$0x3FB0] =	sst s10  }
0x32: {  	s10 =	sld [smem:$0x3FAE];
	_ =	sdelay $0x3  }
0x33: {  	p0 =	seq.s32 s10, $0x1;
	s10 =	sld [smem:$0x3FB0];
	_ =	sdelay $0x3  }
0x34: {  	[smem:$0x3FB0] =	sst s10  }
0x35: {  	s10 =	sld [smem:$0x3FAF];
	_ =	sdelay $0x3  }
0x36: {  	p1 =	seq.s32 s10, $0x1;
	s10 =	sld [smem:$0x3FB0];
	_ =	sdelay $0x3  }
0x37: {  	[smem:$0x3FB0] =	sst s10  }
0x38: {  	s10 =	sld [smem:$0x3FB1]  }
0x39: {  	_ = 	snop;
	(pc) =	sbr.ind lr, $3  }
0x3a: {  	_ = 	snop  }
0x3b: {  	_ = 	snop  }
0x3c: {  	p2 =	seq.s32 s10, $0x1;
	s10 =	sld [smem:$0x3FB0]  }
0x3d: {  	_ =	shalt  }
0x3e: {  	_ =	shalt  }
0x3f: {  	_ =	shalt  }
0x40: {  	_ =	shalt  }
0x41: {  	_ =	shalt  }
0x42: {  	_ =	shalt  }
0x43: {  	_ =	shalt  }
0x44: {  	_ =	shalt  }
0x45: {  	_ =	shalt  }
0x46: {  	_ =	shalt  }
0x47: {  	_ =	shalt  }
0x48: {  	_ =	shalt  }
0x49: {  	_ =	shalt  }
0x4a: {  	_ =	shalt  }
0x4b: {  	_ =	shalt  }
0x4c: {  	_ =	shalt  }
0x4d: {  	_ =	shalt  }
0x4e: {  	_ =	shalt  }
0x4f: {  	_ =	shalt  }
0x50: {  	_ =	shalt  }
0x51: {  	_ =	shalt  }
0x52: {  	_ =	shalt  }
0x53: {  	_ =	shalt  }
0x54: {  	_ =	shalt  }
0x55: {  	_ =	shalt  }
0x56: {  	_ =	shalt  }
0x57: {  	_ =	shalt  }
0x58: {  	_ =	shalt  }
0x59: {  	_ =	shalt  }
0x5a: {  	_ =	shalt  }
0x5b: {  	_ =	shalt  }
0x5c: {  	_ =	shalt  }
0x5d: {  	_ =	shalt  }
0x5e: {  	_ =	shalt  }
0x5f: {  	_ =	shalt  }
0x60: {  	_ =	shalt  }
0x61: {  	_ =	shalt  }
0x62: {  	_ =	shalt  }
0x63: {  	_ =	shalt  }
0x64: {  	_ =	shalt  }
0x65: {  	_ =	shalt  }
0x66: {  	_ =	shalt  }
0x67: {  	_ =	shalt  }
0x68: {  	_ =	shalt  }
0x69: {  	_ =	shalt  }
0x6a: {  	_ =	shalt  }
0x6b: {  	_ =	shalt  }
0x6c: {  	_ =	shalt  }
0x6d: {  	_ =	shalt  }
0x6e: {  	_ =	shalt  }
0x6f: {  	_ =	shalt  }
0x70: {  	_ =	shalt  }
0x71: {  	_ =	shalt  }
0x72: {  	_ =	shalt  }
0x73: {  	_ =	shalt  }
0x74: {  	_ =	shalt  }
0x75: {  	_ =	shalt  }
0x76: {  	_ =	shalt  }
0x77: {  	_ =	shalt  }
0x78: {  	_ =	shalt  }
0x79: {  	_ =	shalt  }
0x7a: {  	_ =	shalt  }
0x7b: {  	_ =	shalt  }
0x7c: {  	_ =	shalt  }
0x7d: {  	_ =	shalt  }
0x7e: {  	_ =	shalt  }
0x7f: {  	_ =	shalt  }
0x80: {  	_ =	shalt  }
0x81: {  	_ =	shalt  }
0x82: {  	_ =	shalt  }
0x83: {  	_ =	shalt  }
0x84: {  	_ =	shalt  }
0x85: {  	_ =	shalt  }
0x86: {  	_ =	shalt  }
0x87: {  	_ =	shalt  }
.Lfunc_end0:
.L_simem_size_0:
called_computation.1_lowered:
.L_overlay_start_0:
0x88: {  	s2 =	sld [smem:$0x3FD9]  }
0x89: {  	s3 =	sld [smem:$0x3FFE];
	_ =	sdelay $0x1  }
0x8a: {  	s1 =	srdreg.scid  }
0x8b: {  	s0 =	sand.u32 $0x1, s1  }
0x8c: {  	s17 =	sshll.u32 s0, $0xA;
	s2 =	sadd.s32 s3, s2  }
0x8d: {  	s2 =	sadd.s32 s2, s17  }
0x8e: {  	[smem:$0x3FBC] =	sst s2  }
0x8f: {  	_ = 	snop  }
0x90: {  	s2 =	sld [smem:$0x3FD0];
	(tm) =	ssettm $0x1  }
0x91: {  	s18 =	sld [smem:$0x3FFB];
	_ =	sdelay $0x3  }
0x92: {  	_ =	strace s18  }
0x93: {  	s3 =	sld [smem:$0x3FFC];
	_ =	sdelay $0x3  }
0x94: {  	_ =	strace s3  }
0x95: {  	s3 =	sld [smem:$0x3FFD];
	_ =	sdelay $0x3  }
0x96: {  	_ =	strace s3  }
0x97: {  	_ =	strace $0x8FFFFFFF  }
0x98: {  	s19 =	sld [smem:$0x3FDB];
	_ =	sdelay $0x1  }
0x99: {  	s4 =	simm.s32 $_scs_section_size  }
0x9a: {  	s5 =	simm.s32 $_size__tile_overlayer_lowered;
	s6 =	simm.s32 $_tile_overlayer_lowered  }
0x9b: {  	s22 =	simm.s32 $0x1BFF;
	s21 =	sshll.u32 s6, $0x1;
	s3 =	sadd.s32 s4, s19  }
0x9c: {  	s7 =	simm.s32 $0x0;
	s20 =	sshll.u32 s5, $0x1;
	s5 =	sadd.s32 s21, s3  }
0x9d: {  	[timem:s7], [sflag:s22] =	dma.local [hbm:s5], s20  }
0x9e: {  	_ =	swait.ge [sflag:s22], s20  }
0x9f: {  	s4 =	ssub.s32 $0x0, s20;
	[sflag:s22] =	ssyncset.done $0x0  }
0xa0: {  	[sflag:s22] =	ssyncadd.s32 s4;
	_ =	sdelay $0x1  }
0xa1: {  	s23 =	simm.s32 $0x1B8B  }
0xa2: {  	_ =	swait.ge [sflag:s23], $0x1  }
0xa3: {  	[sflag:s23] =	ssyncset.done $0x0  }
0xa4: {  	s25 =	simm.s32 $0x1B8E;
	s24 =	sld [smem:$0x3FFE];
	[sflag:s23] =	ssyncadd.s32 $0xFFFFFFFF  }
0xa5: {  	s26 =	simm.s32 $execute0_lowered;
	[smem:$0x3FD2] =	sst s25  }
0xa6: {  	s5 =	sshll.u32 s26, $0x1;
	_ =	strace $0x80000049;
	[dreg:$0x1] =	wrdreg $0xFFFFFFFF  }
0xa7: {  	s28 =	simm.s32 $_size_execute0_lowered;
	s3 =	sadd.s32 s3, s5;
	[dreg:$0x0] =	wrdreg $0x0  }
0xa8: {  	s5 =	sshll.u32 s28, $0x1;
	[dreg:$0x2] =	wrdreg s3  }
0xa9: {  	[dreg:$0x3] =	wrdreg s5  }
0xaa: {  	[dreg:$0x4] =	wrdreg $0xC0  }
0xab: {  	_ =	task [dreg:s7], $0x5FFFF  }
0xac: {  	[dreg:$0x1] =	wrdreg $0xFFFFFFFF  }
0xad: {  	[dreg:$0x0] =	wrdreg $0x60  }
0xae: {  	[dreg:$0x2] =	wrdreg s24  }
0xaf: {  	[dreg:$0x3] =	wrdreg s2  }
0xb0: {  	[dreg:$0x4] =	wrdreg $0x90000  }
0xb1: {  	[dreg:$0x5] =	wrdreg $0x9  }
0xb2: {  	_ =	task.clear_ibuf [dreg:s7], $0x6FFFF;
	_ =	strace $0x90000049  }
0xb3: {  	s29 =	simm.s32 $0x9;
	_ =	strace $0x8000004B  }
0xb4: {  	_ =	swait.ge [sflag:s29], $0x1  }
0xb5: {  	[sflag:s29] =	ssyncadd.s32 $0xFFFFFFFF  }
0xb6: {  	_ =	strace $0x9000004B  }
0xb7: {  	_ =	sfence  }
0xb8: {  	s30 =	sld [smem:$0x0];
	_ =	sdelay $0x2  }
0xb9: {  	s31 =	sshll.u32 s1, $0xD;
	s1 =	sshrl.u32 s1, $0x2  }
0xba: {  	s3 =	sand.u32 $0x4000, s31;
	s1 =	sadd.s32 s1, s30  }
0xbb: {  	s0 =	sor.u32 s3, s0;
	s1 =	sshll.u32 s1, $0x11  }
0xbc: {  	s0 =	sor.u32 s1, s0  }
0xbd: {  	s0 =	sadd.s32 $0x8F2B, s0  }
0xbe: {  	[sflag:s0] =	ssyncadd.remote.s32 $0x1  }
0xbf: {  	_ =	sfence.sel $0xFFFF  }
0xc0: {  	[dreg:$0x0] =	wrdreg $0xFFFFFFFF;
	(pc) =	sbr.abs _section_cstart, $3  }
0xc1: {  	[dreg:$0x1] =	wrdreg $0xFFFFFFFF  }
0xc2: {  	_ =	task.clear_ibuf [dreg:s7], $0x2FFFF;
	_ =	strace $0x9FFFFFFF  }
0xc3: {  	(tm) =	ssettm $0x7FFFFFFF  }
tec
execute0_lowered:
.L_overlay_start_1:
0x0: {  	(tag) =	ssettag $0x1  }
0x1: {  	s7 =	rddreg [dreg:$0x0]  }
0x2: {  	s0 =	srdreg.scid;
	s2 =	rddreg [dreg:$0x1]  }
0x3: {  	s24 =	stileid.u32;
	s3 =	rddreg [dreg:$0x2];
	s4 =	simm.s32 $0x0  }
0x4: {  	s16 =	simm.s32 $0x400;
	s17 =	simm.s32 $0x800;
	s18 =	simm.s32 $0x1000  }
0x5: {  	s19 =	simm.s32 $0x5000;
	s20 =	simm.s32 $0x1;
	s21 =	simm.s32 $0x3  }
0x6: {  	s22 =	simm.s32 $0x2;
	s23 =	simm.s32 $0x4;
	s10 =	smul.u32 $0x2780, s24  }
0x7: {  	s6 =	sand.u32 $0x1, s0;
	s9 =	sshll.u32 s24, $0x7;
	s14 =	smul.u32 $0x4F000, s24  }
0x8: {  	[smem:$0x7FF] =	sst s4;
	s12 =	sadd.s32 $0x2A00, s7;
	s28 =	smul.u32 $0x2800, s24  }
0x9: {  	s30 =	sshll.u32 s24, $0x6;
	s1 =	sshll.u32 s6, $0x4;
	s9 =	sand.u32 $0x380, s9  }
0xa: {  	_ =	strace $0x8000004A;
	s25 =	smul.u32 $0x27800, s6;
	s8 =	sor.u32 s24, s1  }
0xb: {  	s13 =	ssub.s32 $0x2, s6;
	s15 =	smul.u32 $0x28000, s6;
	s1 =	sshrl.u32 s8, $0x3  }
0xc: {  	s6 =	sor.u32 $0x1C06, s30;
	s26 =	sshrl.u32 s13, $0x1;
	s5 =	smul.u32 $0x14000, s1  }
0xd: {  	s29 =	sshrl.u32 s14, $0x2;
	s24 =	simm.s32 $0x0;
	s8 =	smul.u32 $0x2800, s8  }
0xe: {  	s14 =	sadd.s32 s29, s3;
	s31 =	sadd.s32 s28, s15;
	s5 =	sor.u32 s9, s5  }
0xf: {  	s15 =	simm.s32 $0x80;
	s8 =	sshrl.u32 s8, $0x3;
	s9 =	sshrl.u32 s5, $0x3  }
0x10: {  	s8 =	sadd.s32 s12, s8;
	s5 =	sadd.s32 $0x17200, s7;
	s11 =	sadd.s32 s9, s7  }
0x11: {  	s9 =	sadd.s32 s10, s25;
	s10 =	ssub.s32 s13, s26;
	s13 =	sor.u32 $0x400, s31  }
0x12: {  	s9 =	sadd.s32 s9, s7;
	s7 =	sadd.s32 $0xCA00, s11;
	s13 =	sshrl.u32 s13, $0x3  }
0x13: {  	s10 =	smax.u32 s10, $0x1;
	s11 =	sadd.s32 $0xCE00, s11;
	s9 =	sadd.s32 $0xB5C00, s9  }
0x14: {  	s12 =	sadd.s32 s13, s12;
	s13 =	sshrl.u32 s14, $0x3;
	s14 =	simm.s32 $0x6  }
.LBB2_1:
0x15: {  	[spmem:s13], [sflag:s6] =	dma.local [hbm:s2], $0x2780  }
0x16: {  	_ =	swait.ge [sflag:s14], $0x2780  }
0x17: {  	[sflag:s14] =	ssyncset.done $0x0  }
0x18: {  	[sflag:s14] =	ssyncadd.s32 $0xFFFFD880  }
0x19: {  	[tilespmem:s4], [sflag:$0x6] =	stream.strided.gather [hbm4b:s7+s15], $0x400, s16, s15, $0x38;
	[tilespmem:$0x1CC00] =	vst v63  }
0x1a: {  	_ =	swait.ge [sflag:s14], $0x400  }
0x1b: {  	[sflag:s14] =	ssyncset.done $0x0  }
0x1c: {  	[sflag:s14] =	ssyncadd.s32 $0xFFFFFC00  }
0x1d: {  	[tilespmem:s17], [sflag:$0x6] =	stream.linear.gather [hbm4b:s8+s4], $0x400, $0x38;
	[tilespmem:$0x1CC00] =	vst v63  }
0x1e: {  	_ =	swait.ge [sflag:s14], $0x400  }
0x1f: {  	[sflag:s14] =	ssyncset.done $0x0  }
0x20: {  	s25 =	smov.u32 s12;
	[sflag:s14] =	ssyncadd.s32 $0xFFFFFC00  }
0x21: {  	s26 =	smov.u32 s11;
	s28 =	simm.s32 $0x0;
	[bflag:$0x0] =	sbarrier.arrive $0xFFFF  }
0x22: {  	[tilespmem:s18], [sflag:$0x1] =	stream.indirect.gather [hbm4b:s5+s15], $0x80, s4, s15, $0xb8;
	[tilespmem:$0x1CC00] =	vst v63  }
.LBB2_2:
0x23: {  	s31 =	sand.u32 $0x1, s28;
	p0 =	seq.s32 s28, $0x9  }
0x24: {  	s29 =	sxor.u32 $0x1, s31;
	s30 =	simm.s32 @!p0 $0x80  }
0x25: {  	s1 =	simm.s32 @!p0 $0x400;
	p1 =	seq.s32 @!p0 s28, $0x0;
	s29 =	sshll.u32 @!p0 s29, $0xA  }
0x26: {  	[tilespmem:s29], [sflag:$0x5] =	stream.strided.gather @!p0 [hbm4b:s26+s30], $0x400, s1, s30, $0x38;
	[tilespmem:$0x1CC00] =	vst v63  }
0x27: {  	s0 =	simm.s32 @!p0 $0x0;
	p1 =	por p0, !p1;
	s1 =	sor.u32 @!p0 $0x800, s29  }
0x28: {  	[tilespmem:s1], [sflag:$0x5] =	stream.linear.gather @!p0 [hbm4b:s25+s0], $0x400, $0x38;
	[tilespmem:$0x1CC00] =	vst v63  }
0x29: {  	_ =	swait.ge @p1 [sflag:s23], $0x4000  }
0x2a: {  	s31 =	sshll.u32 s31, $0xA;
	[sflag:s23] =	ssyncset.done @p1 $0x0  }
0x2b: {  	s1 =	sor.u32 $0x80, s31;
	[sflag:s23] =	ssyncadd.s32 @p1 $0xFFFFC000  }
0x2c: {  	[tilespmem:s19], [sflag:$0x2] =	stream.indirect.gather [hbm4b:s5+s15], $0x80, s1, s15, $0xb8;
	[tilespmem:$0x1CC00] =	vst v63  }
0x2d: {  	_ =	swait.ge [sflag:s20], $0x4000  }
0x2e: {  	[sflag:s20] =	ssyncset.done $0x0  }
0x2f: {  	s1 =	sor.u32 $0x800, s31;
	[sflag:s20] =	ssyncadd.s32 $0xFFFFC000  }
0x30: {  	[spmem:s3] =	stream.indirect.scatter.add.f32 [tilespmem:s18], [sflag:$0x3], $0x80, s1, s15, $0xb8;
	[tilespmem:$0x1CC00] =	vst v63  }
0x31: {  	_ =	swait.ge [sflag:s21], $0x4000  }
0x32: {  	[sflag:s21] =	ssyncset.done $0x0  }
0x33: {  	s1 =	sor.u32 $0x100, s31;
	[sflag:s21] =	ssyncadd.s32 $0xFFFFC000  }
0x34: {  	[tilespmem:s18], [sflag:$0x1] =	stream.indirect.gather [hbm4b:s5+s15], $0x80, s1, s15, $0xb8;
	[tilespmem:$0x1CC00] =	vst v63  }
0x35: {  	_ =	swait.ge [sflag:s22], $0x4000  }
0x36: {  	[sflag:s22] =	ssyncset.done $0x0  }
0x37: {  	s1 =	sor.u32 $0x880, s31;
	[sflag:s22] =	ssyncadd.s32 $0xFFFFC000  }
0x38: {  	[spmem:s3] =	stream.indirect.scatter.add.f32 [tilespmem:s19], [sflag:$0x4], $0x80, s1, s15, $0xb8;
	[tilespmem:$0x1CC00] =	vst v63  }
0x39: {  	_ =	swait.ge [sflag:s23], $0x4000  }
0x3a: {  	[sflag:s23] =	ssyncset.done $0x0  }
0x3b: {  	s1 =	sor.u32 $0x180, s31;
	[sflag:s23] =	ssyncadd.s32 $0xFFFFC000  }
0x3c: {  	[tilespmem:s19], [sflag:$0x2] =	stream.indirect.gather [hbm4b:s5+s15], $0x80, s1, s15, $0xb8;
	[tilespmem:$0x1CC00] =	vst v63  }
0x3d: {  	_ =	swait.ge [sflag:s20], $0x4000  }
0x3e: {  	[sflag:s20] =	ssyncset.done $0x0  }
0x3f: {  	s1 =	sor.u32 $0x900, s31;
	[sflag:s20] =	ssyncadd.s32 $0xFFFFC000  }
0x40: {  	[spmem:s3] =	stream.indirect.scatter.add.f32 [tilespmem:s18], [sflag:$0x3], $0x80, s1, s15, $0xb8;
	[tilespmem:$0x1CC00] =	vst v63  }
0x41: {  	_ =	swait.ge [sflag:s21], $0x4000  }
0x42: {  	[sflag:s21] =	ssyncset.done $0x0  }
0x43: {  	s1 =	sor.u32 $0x200, s31;
	[sflag:s21] =	ssyncadd.s32 $0xFFFFC000  }
0x44: {  	[tilespmem:s18], [sflag:$0x1] =	stream.indirect.gather [hbm4b:s5+s15], $0x80, s1, s15, $0xb8;
	[tilespmem:$0x1CC00] =	vst v63  }
0x45: {  	_ =	swait.ge [sflag:s22], $0x4000  }
0x46: {  	[sflag:s22] =	ssyncset.done $0x0  }
0x47: {  	s1 =	sor.u32 $0x980, s31;
	[sflag:s22] =	ssyncadd.s32 $0xFFFFC000  }
0x48: {  	[spmem:s3] =	stream.indirect.scatter.add.f32 [tilespmem:s19], [sflag:$0x4], $0x80, s1, s15, $0xb8;
	[tilespmem:$0x1CC00] =	vst v63  }
0x49: {  	_ =	swait.ge [sflag:s23], $0x4000  }
0x4a: {  	[sflag:s23] =	ssyncset.done $0x0  }
0x4b: {  	s1 =	sor.u32 $0x280, s31;
	[sflag:s23] =	ssyncadd.s32 $0xFFFFC000  }
0x4c: {  	[tilespmem:s19], [sflag:$0x2] =	stream.indirect.gather [hbm4b:s5+s15], $0x80, s1, s15, $0xb8;
	[tilespmem:$0x1CC00] =	vst v63  }
0x4d: {  	_ =	swait.ge [sflag:s20], $0x4000  }
0x4e: {  	[sflag:s20] =	ssyncset.done $0x0  }
0x4f: {  	s1 =	sor.u32 $0xA00, s31;
	[sflag:s20] =	ssyncadd.s32 $0xFFFFC000  }
0x50: {  	[spmem:s3] =	stream.indirect.scatter.add.f32 [tilespmem:s18], [sflag:$0x3], $0x80, s1, s15, $0xb8;
	[tilespmem:$0x1CC00] =	vst v63  }
0x51: {  	_ =	swait.ge [sflag:s21], $0x4000  }
0x52: {  	[sflag:s21] =	ssyncset.done $0x0  }
0x53: {  	s1 =	sor.u32 $0x300, s31;
	[sflag:s21] =	ssyncadd.s32 $0xFFFFC000  }
0x54: {  	[tilespmem:s18], [sflag:$0x1] =	stream.indirect.gather [hbm4b:s5+s15], $0x80, s1, s15, $0xb8;
	[tilespmem:$0x1CC00] =	vst v63  }
0x55: {  	_ =	swait.ge [sflag:s22], $0x4000  }
0x56: {  	[sflag:s22] =	ssyncset.done $0x0  }
0x57: {  	s1 =	sor.u32 $0xA80, s31;
	[sflag:s22] =	ssyncadd.s32 $0xFFFFC000  }
0x58: {  	[spmem:s3] =	stream.indirect.scatter.add.f32 [tilespmem:s19], [sflag:$0x4], $0x80, s1, s15, $0xb8;
	[tilespmem:$0x1CC00] =	vst v63  }
0x59: {  	_ =	swait.ge [sflag:s23], $0x4000  }
0x5a: {  	[sflag:s23] =	ssyncset.done $0x0  }
0x5b: {  	s0 =	sor.u32 $0x380, s31;
	[sflag:s23] =	ssyncadd.s32 $0xFFFFC000  }
0x5c: {  	[tilespmem:s19], [sflag:$0x2] =	stream.indirect.gather [hbm4b:s5+s15], $0x80, s0, s15, $0xb8;
	[tilespmem:$0x1CC00] =	vst v63  }
0x5d: {  	_ =	swait.ge [sflag:s20], $0x4000  }
0x5e: {  	[sflag:s20] =	ssyncset.done $0x0  }
0x5f: {  	s31 =	sor.u32 $0xB00, s31;
	[sflag:s20] =	ssyncadd.s32 $0xFFFFC000  }
0x60: {  	[spmem:s3] =	stream.indirect.scatter.add.f32 [tilespmem:s18], [sflag:$0x3], $0x80, s31, s15, $0xb8;
	[tilespmem:$0x1CC00] =	vst v63  }
0x61: {  	_ =	swait.ge [sflag:s21], $0x4000  }
0x62: {  	[sflag:s21] =	ssyncset.done $0x0  }
0x63: {  	s1 =	simm.s32 @!p0 $0x5;
	[sflag:s21] =	ssyncadd.s32 $0xFFFFC000  }
0x64: {  	_ =	swait.ge @!p0 [sflag:s1], $0x400  }
0x65: {  	[sflag:s1] =	ssyncset.done @!p0 $0x0  }
0x66: {  	[sflag:s1] =	ssyncadd.s32 @!p0 $0xFFFFFC00  }
0x67: {  	_ =	swait.ge @!p0 [sflag:s1], $0x400  }
0x68: {  	[sflag:s1] =	ssyncset.done @!p0 $0x0  }
0x69: {  	s28 =	sadd.s32 $0x1, s28;
	[sflag:s1] =	ssyncadd.s32 @!p0 $0xFFFFFC00;
	s1 =	simm.s32 @!p0 $0x1000  }
0x6a: {  	[tilespmem:s1], [sflag:$0x1] =	stream.indirect.gather @!p0 [hbm4b:s5+s30], $0x80, s29, s30, $0xb8;
	[tilespmem:$0x1CC00] =	vst v63  }
0x6b: {  	p0 =	sne.s32 s28, $0xA  }
.Ltmp0:
0x6c: {  	_ = 	snop;
	(pc) =	sbr.rel @p0 .LBB2_2-.Ltmp0, $4  }
0x6d: {  	_ =	swait.ge [sflag:s22], $0x4000  }
0x6e: {  	s26 =	sadd.s32 $0x400, s26;
	[sflag:s22] =	ssyncset.done $0x0  }
0x6f: {  	s25 =	sadd.s32 $0x80, s25;
	s0 =	sor.u32 $0x800, s0;
	[sflag:s22] =	ssyncadd.s32 $0xFFFFC000  }
0x70: {  	[spmem:s3] =	stream.indirect.scatter.add.f32 [tilespmem:s19], [sflag:$0x4], $0x80, s0, s15, $0xb8;
	[tilespmem:$0x1CC00] =	vst v63  }
0x71: {  	_ =	swait.ge [sflag:s23], $0x4000  }
0x72: {  	s24 =	sadd.s32 $0x1, s24;
	[sflag:s23] =	ssyncset.done $0x0  }
0x73: {  	p0 =	sne.s32 s24, s10;
	[sflag:s23] =	ssyncadd.s32 $0xFFFFC000  }
.Ltmp1:
0x74: {  	[bflag:$0x0] =	sbarrier.arrive $0xFFFF;
	(pc) =	sbr.rel @p0 .LBB2_1-.Ltmp1, $4  }
0x75: {  	[hbm:s9], [sflag:s6] =	dma.local [spmem:s13], $0x2780  }
0x76: {  	_ =	swait.ge [sflag:s14], $0x2780  }
0x77: {  	[sflag:s14] =	ssyncset.done $0x0  }
0x78: {  	[sflag:s14] =	ssyncadd.s32 $0xFFFFD880  }
0x79: {  	_ =	sfence.sel $0x180000  }
0x7a: {  	[bflag:$0x0] =	sbarrier.arrive $0xFFFF  }
0x7b: {  	_ =	strace $0x9000004A  }
0x7c: {  	s0 =	stileid.u32;
	[bflag:$0x2] =	sbarrier.arrive $0xFFFF  }
0x7d: {  	p0 =	sne.s32 s0, $0x0;
	s0 =	rddreg [dreg:$0x3]  }
0x7e: {  	s0 =	sadd.s32 @!p0 $0x100000, s0  }
0x7f: {  	[sflag:s0] =	ssyncadd.tile.s32 @!p0 $0x1;
	_ =	shalt  }
.Lfunc_end2:
_tile_overlayer_lowered:
.L_overlay_start_2:
0x80: {  	(tag) =	ssettag $0x2  }
0x81: {  	s0 =	rddreg [dreg:$0x0];
	s2 =	stileid.u32  }
0x82: {  	s1 =	rddreg [dreg:$0x1];
	p0 =	sne.s32 s2, $0x0  }
0x83: {  	s3 =	rddreg [dreg:$0x2];
	[bflag:$0x3] =	sbarrier.arrive $0xFFFF;
	s2 =	simm.s32 @!p0 $0x1C06  }
0x84: {  	[timem:s3], [sflag:s2] =	dma.local @!p0 [hbm:s0], s1  }
0x85: {  	s0 =	simm.s32 @!p0 $0x6  }
0x86: {  	_ =	swait.ge @!p0 [sflag:s0], s1  }
0x87: {  	s1 =	ssub.s32 @!p0 $0x0, s1;
	[sflag:s0] =	ssyncset.done @!p0 $0x0  }
0x88: {  	[sflag:s0] =	ssyncadd.s32 @!p0 s1  }
0x89: {  	[bflag:$0x3] =	sbarrier.arrive $0xFFFF  }
0x8a: {  	_ =	shalt  }

</sc_bundles>
